<compile_context>
chip_gen: v7x
topology: tpu7x:2x2x1
jax: 0.10.2.dev20260603
libtpu: 0.0.44.dev20260713+nightly
codegen_flags: <defaults>
</compile_context>

<pallas_src>
import functools

import jax
import jax.numpy as jnp
from jax import lax
from jax.experimental import pallas as pl
from jax.experimental.pallas import tpu as pltpu
from jax.experimental.pallas import tpu_sc as plsc

_N = 4194304
_NW = 32
_SPAN = _N // _NW
_C = 16384
_NCH = _SPAN // _C


def _sc_body(o_hbm, t_hbm, m_hbm, out_hbm,
             o_v, t_v, m_v, r_v, semo, semt, semm, semr):
    wid = lax.axis_index("s") * 2 + lax.axis_index("c")
    base = wid * _SPAN

    def in_copies(slot, ci):
        off = pl.multiple_of(base + ci * _C, _C)
        return (
            pltpu.make_async_copy(
                o_hbm.at[pl.ds(off, _C)], o_v.at[slot], semo.at[slot]),
            pltpu.make_async_copy(
                t_hbm.at[pl.ds(off, _C)], t_v.at[slot], semt.at[slot]),
            pltpu.make_async_copy(
                m_hbm.at[pl.ds(off, _C)], m_v.at[slot], semm.at[slot]),
        )

    def out_copy(slot, ci):
        off = pl.multiple_of(base + ci * _C, _C)
        return pltpu.make_async_copy(
            r_v.at[slot], out_hbm.at[pl.ds(off, _C)], semr.at[slot])

    for c in in_copies(0, 0):
        c.start()

    for ci in range(_NCH):
        slot = ci % 2
        if ci + 1 < _NCH:
            for c in in_copies(1 - slot, ci + 1):
                c.start()
        for c in in_copies(slot, ci):
            c.wait()
        if ci >= 2:
            out_copy(slot, ci - 2).wait()

        ov, tv, mv, rv = o_v.at[slot], t_v.at[slot], m_v.at[slot], r_v.at[slot]

        @plsc.parallel_loop(0, _C, step=16, unroll=8)
        def _(eb):
            ix = pl.multiple_of(eb, 16)
            o = ov[pl.ds(ix, 16)]
            t = tv[pl.ds(ix, 16)]
            m = mv[pl.ds(ix, 16)]
            d = o - t
            rv[pl.ds(ix, 16)] = jnp.where(m != 0, d * d, 0.0)

        out_copy(slot, ci).start()

    out_copy(_NCH % 2, _NCH - 2).wait()
    out_copy(1 - _NCH % 2, _NCH - 1).wait()


def kernel(outputs, targets, precondition):
    m1 = precondition.reshape(_N)
    mesh = plsc.VectorSubcoreMesh(core_axis_name="c", subcore_axis_name="s")
    run = functools.partial(
        pl.kernel,
        mesh=mesh,
        out_type=jax.ShapeDtypeStruct((_N,), jnp.float32),
        scratch_types=[
            pltpu.VMEM((2, _C), jnp.float32),
            pltpu.VMEM((2, _C), jnp.float32),
            pltpu.VMEM((2, _C), jnp.int32),
            pltpu.VMEM((2, _C), jnp.float32),
            pltpu.SemaphoreType.DMA((2,)),
            pltpu.SemaphoreType.DMA((2,)),
            pltpu.SemaphoreType.DMA((2,)),
            pltpu.SemaphoreType.DMA((2,)),
        ],
    )(_sc_body)
    out = run(outputs, targets, m1)
    return out.reshape(_N, 1)

# --- scband reference (transcript-rebuilt; emitter-appended) ---
"""Pipeline reference for scband-task-loss-decorator-45011257262674 (READ-ONLY COPY).

The authoritative reference and input builder live on the scoring server;
editing this copy changes nothing except your own understanding.
"""

import jax, jax.numpy as jnp
import numpy as np

N = 4194304


def setup_inputs(seed: int = 0) -> dict:
    key = jax.random.key(seed)
    k1, k2, k3 = jax.random.split(key, 3)
    outputs = jax.random.normal(k1, (N,), dtype=jnp.float32)
    targets = jax.random.normal(k2, (N,), dtype=jnp.float32)
    precondition = jax.random.randint(k3, (N, 1), 0, 2).astype(bool)
    return {"outputs": outputs, "targets": targets, "precondition": precondition}


def reference(outputs, targets, precondition):
    # TaskLossDecorator.read_vectors with key = prefix + task_name:
    #   outputs = loss_flow_data.outputs[key]; targets = loss_flow_data.targets[key]
    #   precondition = loss_flow_data.outputs['precondition|' + key]
    # task.loss is an MSE loss with reduction='none' (child_reduction)
    mask = precondition
    if mask.ndim == 2:
        # squeeze_if_needed
        mask = jnp.squeeze(mask, axis=1)
    # metric(outputs[precondition], targets[precondition]) scattered back into
    # loss_items = zeros(n, 1); equivalent dense form: where(mask, per_elem, 0)
    per_elem = (outputs - targets) ** 2  # nn.MSELoss(reduction='none')
    loss_items = jnp.where(mask, per_elem, jnp.zeros_like(per_elem))
    # metric_res.unsqueeze(dim=1); loss_items has shape (n, 1)
    loss_items = loss_items[:, None]
    # non-callback path returns LossItems(loss_items); we return the tensor
    return loss_items

if __name__ == "__main__":
    import jax
    _d = setup_inputs()
    print(jax.jit(kernel)(*tuple(_d.values())))

</pallas_src>

<mosaic_0001>
#map = affine_map<(d0, d1) -> (0)>
module attributes {stable_mosaic.version = 14 : i64} {
  func.func @_sc_body(%arg0: i32, %arg1: i32, %arg2: memref<4194304xf32, #tpu.memory_space<hbm>>, %arg3: memref<4194304xf32, #tpu.memory_space<hbm>>, %arg4: memref<4194304xi32, #tpu.memory_space<hbm>>, %arg5: memref<4194304xf32, #tpu.memory_space<hbm>>, %arg6: memref<2x16384xf32, #tpu.memory_space<vmem>>, %arg7: memref<2x16384xf32, #tpu.memory_space<vmem>>, %arg8: memref<2x16384xi32, #tpu.memory_space<vmem>>, %arg9: memref<2x16384xf32, #tpu.memory_space<vmem>>, %arg10: memref<2x!tpu.dma_semaphore, #tpu.memory_space<semaphore_mem>>, %arg11: memref<2x!tpu.dma_semaphore, #tpu.memory_space<semaphore_mem>>, %arg12: memref<2x!tpu.dma_semaphore, #tpu.memory_space<semaphore_mem>>, %arg13: memref<2x!tpu.dma_semaphore, #tpu.memory_space<semaphore_mem>>) attributes {dimension_semantics = [#tpu.dimension_semantics<core_parallel>, #tpu.dimension_semantics<subcore_parallel>], iteration_bounds = array<i64: 2, 16>, scalar_prefetch = 0 : i64, scratch_operands = 8 : i64, tpu.core_type = #tpu.core_type<sc_vector_subcore>, window_params = [{transform_indices = #map}, {transform_indices = #map}, {transform_indices = #map}, {transform_indices = #map}]} {
    %mul3A = arith.constant 2 : i32
    %mul3A_0 = arith.muli %arg1, %mul3A : i32
    %add3A = arith.addi %mul3A_0, %arg0 : i32
    %mul3A_1 = arith.constant 131072 : i32
    %mul3A_2 = arith.muli %add3A, %mul3A_1 : i32
    %add3A_3 = arith.constant 0 : i32
    %add3A_4 = arith.addi %mul3A_2, %add3A_3 : i32
    %multiple_of3A = tpu.assume_multiple %add3A_4, 16384 : i32
    %dma_start3A = arith.constant 0 : i32
    %dma_start3A_5 = arith.constant 0 : i32
    %dma_start3A_6 = arith.constant 0 : i32
    %dma_start3A_7 = tpu.memref_slice %arg6[%dma_start3A, %dma_start3A_6] : memref<2x16384xf32, #tpu.memory_space<vmem>> -> memref<1x16384xf32, #tpu.memory_space<vmem>>
    %dma_start3A_8 = tpu.memref_squeeze %dma_start3A_7 : memref<1x16384xf32, #tpu.memory_space<vmem>> -> memref<16384xf32, #tpu.memory_space<vmem>>
    %dma_start3A_9 = tpu.memref_slice %arg2[%multiple_of3A] : memref<4194304xf32, #tpu.memory_space<hbm>> -> memref<16384xf32, #tpu.memory_space<hbm>>
    %dma_start3A_10 = tpu.memref_slice %arg10[%dma_start3A_5] : memref<2x!tpu.dma_semaphore, #tpu.memory_space<semaphore_mem>> -> memref<1x!tpu.dma_semaphore, #tpu.memory_space<semaphore_mem>>
    %dma_start3A_11 = tpu.memref_squeeze %dma_start3A_10 : memref<1x!tpu.dma_semaphore, #tpu.memory_space<semaphore_mem>> -> memref<!tpu.dma_semaphore, #tpu.memory_space<semaphore_mem>>
    %dma_start3A_12 = arith.constant 0 : i32
    %dma_start3A_13 = tpu.memref_slice %arg6[%dma_start3A, %dma_start3A_12] : memref<2x16384xf32, #tpu.memory_space<vmem>> -> memref<1x16384xf32, #tpu.memory_space<vmem>>
    %dma_start3A_14 = tpu.memref_squeeze %dma_start3A_13 : memref<1x16384xf32, #tpu.memory_space<vmem>> -> memref<16384xf32, #tpu.memory_space<vmem>>
    %dma_start3A_15 = tpu.memref_slice %arg2[%multiple_of3A] : memref<4194304xf32, #tpu.memory_space<hbm>> -> memref<16384xf32, #tpu.memory_space<hbm>>
    tpu.enqueue_dma source(%dma_start3A_15 : memref<16384xf32, #tpu.memory_space<hbm>>) target(%dma_start3A_14 : memref<16384xf32, #tpu.memory_space<vmem>>) target_semaphore(%dma_start3A_11 : memref<!tpu.dma_semaphore, #tpu.memory_space<semaphore_mem>>)
    %dma_start3A_16 = arith.constant 0 : i32
    %dma_start3A_17 = arith.constant 0 : i32
    %dma_start3A_18 = arith.constant 0 : i32
    %dma_start3A_19 = tpu.memref_slice %arg7[%dma_start3A_16, %dma_start3A_18] : memref<2x16384xf32, #tpu.memory_space<vmem>> -> memref<1x16384xf32, #tpu.memory_space<vmem>>
    %dma_start3A_20 = tpu.memref_squeeze %dma_start3A_19 : memref<1x16384xf32, #tpu.memory_space<vmem>> -> memref<16384xf32, #tpu.memory_space<vmem>>
    %dma_start3A_21 = tpu.memref_slice %arg3[%multiple_of3A] : memref<4194304xf32, #tpu.memory_space<hbm>> -> memref<16384xf32, #tpu.memory_space<hbm>>
    %dma_start3A_22 = tpu.memref_slice %arg11[%dma_start3A_17] : memref<2x!tpu.dma_semaphore, #tpu.memory_space<semaphore_mem>> -> memref<1x!tpu.dma_semaphore, #tpu.memory_space<semaphore_mem>>
    %dma_start3A_23 = tpu.memref_squeeze %dma_start3A_22 : memref<1x!tpu.dma_semaphore, #tpu.memory_space<semaphore_mem>> -> memref<!tpu.dma_semaphore, #tpu.memory_space<semaphore_mem>>
    %dma_start3A_24 = arith.constant 0 : i32
    %dma_start3A_25 = tpu.memref_slice %arg7[%dma_start3A_16, %dma_start3A_24] : memref<2x16384xf32, #tpu.memory_space<vmem>> -> memref<1x16384xf32, #tpu.memory_space<vmem>>
    %dma_start3A_26 = tpu.memref_squeeze %dma_start3A_25 : memref<1x16384xf32, #tpu.memory_space<vmem>> -> memref<16384xf32, #tpu.memory_space<vmem>>
    %dma_start3A_27 = tpu.memref_slice %arg3[%multiple_of3A] : memref<4194304xf32, #tpu.memory_space<hbm>> -> memref<16384xf32, #tpu.memory_space<hbm>>
    tpu.enqueue_dma source(%dma_start3A_27 : memref<16384xf32, #tpu.memory_space<hbm>>) target(%dma_start3A_26 : memref<16384xf32, #tpu.memory_space<vmem>>) target_semaphore(%dma_start3A_23 : memref<!tpu.dma_semaphore, #tpu.memory_space<semaphore_mem>>)
    %dma_start3A_28 = arith.constant 0 : i32
    %dma_start3A_29 = arith.constant 0 : i32
    %dma_start3A_30 = arith.constant 0 : i32
    %dma_start3A_31 = tpu.memref_slice %arg8[%dma_start3A_28, %dma_start3A_30] : memref<2x16384xi32, #tpu.memory_space<vmem>> -> memref<1x16384xi32, #tpu.memory_space<vmem>>
    %dma_start3A_32 = tpu.memref_squeeze %dma_start3A_31 : memref<1x16384xi32, #tpu.memory_space<vmem>> -> memref<16384xi32, #tpu.memory_space<vmem>>
    %dma_start3A_33 = tpu.memref_slice %arg4[%multiple_of3A] : memref<4194304xi32, #tpu.memory_space<hbm>> -> memref<16384xi32, #tpu.memory_space<hbm>>
    %dma_start3A_34 = tpu.memref_slice %arg12[%dma_start3A_29] : memref<2x!tpu.dma_semaphore, #tpu.memory_space<semaphore_mem>> -> memref<1x!tpu.dma_semaphore, #tpu.memory_space<semaphore_mem>>
    %dma_start3A_35 = tpu.memref_squeeze %dma_start3A_34 : memref<1x!tpu.dma_semaphore, #tpu.memory_space<semaphore_mem>> -> memref<!tpu.dma_semaphore, #tpu.memory_space<semaphore_mem>>
    %dma_start3A_36 = arith.constant 0 : i32
    %dma_start3A_37 = tpu.memref_slice %arg8[%dma_start3A_28, %dma_start3A_36] : memref<2x16384xi32, #tpu.memory_space<vmem>> -> memref<1x16384xi32, #tpu.memory_space<vmem>>
    %dma_start3A_38 = tpu.memref_squeeze %dma_start3A_37 : memref<1x16384xi32, #tpu.memory_space<vmem>> -> memref<16384xi32, #tpu.memory_space<vmem>>
    %dma_start3A_39 = tpu.memref_slice %arg4[%multiple_of3A] : memref<4194304xi32, #tpu.memory_space<hbm>> -> memref<16384xi32, #tpu.memory_space<hbm>>
    tpu.enqueue_dma source(%dma_start3A_39 : memref<16384xi32, #tpu.memory_space<hbm>>) target(%dma_start3A_38 : memref<16384xi32, #tpu.memory_space<vmem>>) target_semaphore(%dma_start3A_35 : memref<!tpu.dma_semaphore, #tpu.memory_space<semaphore_mem>>)
    %add3A_40 = arith.constant 16384 : i32
    %add3A_41 = arith.addi %mul3A_2, %add3A_40 : i32
    %multiple_of3A_42 = tpu.assume_multiple %add3A_41, 16384 : i32
    %dma_start3A_43 = arith.constant 1 : i32
    %dma_start3A_44 = arith.constant 1 : i32
    %dma_start3A_45 = arith.constant 0 : i32
    %dma_start3A_46 = tpu.memref_slice %arg6[%dma_start3A_43, %dma_start3A_45] : memref<2x16384xf32, #tpu.memory_space<vmem>> -> memref<1x16384xf32, #tpu.memory_space<vmem>>
    %dma_start3A_47 = tpu.memref_squeeze %dma_start3A_46 : memref<1x16384xf32, #tpu.memory_space<vmem>> -> memref<16384xf32, #tpu.memory_space<vmem>>
    %dma_start3A_48 = tpu.memref_slice %arg2[%multiple_of3A_42] : memref<4194304xf32, #tpu.memory_space<hbm>> -> memref<16384xf32, #tpu.memory_space<hbm>>
    %dma_start3A_49 = tpu.memref_slice %arg10[%dma_start3A_44] : memref<2x!tpu.dma_semaphore, #tpu.memory_space<semaphore_mem>> -> memref<1x!tpu.dma_semaphore, #tpu.memory_space<semaphore_mem>>
    %dma_start3A_50 = tpu.memref_squeeze %dma_start3A_49 : memref<1x!tpu.dma_semaphore, #tpu.memory_space<semaphore_mem>> -> memref<!tpu.dma_semaphore, #tpu.memory_space<semaphore_mem>>
    %dma_start3A_51 = arith.constant 0 : i32
    %dma_start3A_52 = tpu.memref_slice %arg6[%dma_start3A_43, %dma_start3A_51] : memref<2x16384xf32, #tpu.memory_space<vmem>> -> memref<1x16384xf32, #tpu.memory_space<vmem>>
    %dma_start3A_53 = tpu.memref_squeeze %dma_start3A_52 : memref<1x16384xf32, #tpu.memory_space<vmem>> -> memref<16384xf32, #tpu.memory_space<vmem>>
    %dma_start3A_54 = tpu.memref_slice %arg2[%multiple_of3A_42] : memref<4194304xf32, #tpu.memory_space<hbm>> -> memref<16384xf32, #tpu.memory_space<hbm>>
    tpu.enqueue_dma source(%dma_start3A_54 : memref<16384xf32, #tpu.memory_space<hbm>>) target(%dma_start3A_53 : memref<16384xf32, #tpu.memory_space<vmem>>) target_semaphore(%dma_start3A_50 : memref<!tpu.dma_semaphore, #tpu.memory_space<semaphore_mem>>)
    %dma_start3A_55 = arith.constant 1 : i32
    %dma_start3A_56 = arith.constant 1 : i32
    %dma_start3A_57 = arith.constant 0 : i32
    %dma_start3A_58 = tpu.memref_slice %arg7[%dma_start3A_55, %dma_start3A_57] : memref<2x16384xf32, #tpu.memory_space<vmem>> -> memref<1x16384xf32, #tpu.memory_space<vmem>>
    %dma_start3A_59 = tpu.memref_squeeze %dma_start3A_58 : memref<1x16384xf32, #tpu.memory_space<vmem>> -> memref<16384xf32, #tpu.memory_space<vmem>>
    %dma_start3A_60 = tpu.memref_slice %arg3[%multiple_of3A_42] : memref<4194304xf32, #tpu.memory_space<hbm>> -> memref<16384xf32, #tpu.memory_space<hbm>>
    %dma_start3A_61 = tpu.memref_slice %arg11[%dma_start3A_56] : memref<2x!tpu.dma_semaphore, #tpu.memory_space<semaphore_mem>> -> memref<1x!tpu.dma_semaphore, #tpu.memory_space<semaphore_mem>>
    %dma_start3A_62 = tpu.memref_squeeze %dma_start3A_61 : memref<1x!tpu.dma_semaphore, #tpu.memory_space<semaphore_mem>> -> memref<!tpu.dma_semaphore, #tpu.memory_space<semaphore_mem>>
    %dma_start3A_63 = arith.constant 0 : i32
    %dma_start3A_64 = tpu.memref_slice %arg7[%dma_start3A_55, %dma_start3A_63] : memref<2x16384xf32, #tpu.memory_space<vmem>> -> memref<1x16384xf32, #tpu.memory_space<vmem>>
    %dma_start3A_65 = tpu.memref_squeeze %dma_start3A_64 : memref<1x16384xf32, #tpu.memory_space<vmem>> -> memref<16384xf32, #tpu.memory_space<vmem>>
    %dma_start3A_66 = tpu.memref_slice %arg3[%multiple_of3A_42] : memref<4194304xf32, #tpu.memory_space<hbm>> -> memref<16384xf32, #tpu.memory_space<hbm>>
    tpu.enqueue_dma source(%dma_start3A_66 : memref<16384xf32, #tpu.memory_space<hbm>>) target(%dma_start3A_65 : memref<16384xf32, #tpu.memory_space<vmem>>) target_semaphore(%dma_start3A_62 : memref<!tpu.dma_semaphore, #tpu.memory_space<semaphore_mem>>)
    %dma_start3A_67 = arith.constant 1 : i32
    %dma_start3A_68 = arith.constant 1 : i32
    %dma_start3A_69 = arith.constant 0 : i32
    %dma_start3A_70 = tpu.memref_slice %arg8[%dma_start3A_67, %dma_start3A_69] : memref<2x16384xi32, #tpu.memory_space<vmem>> -> memref<1x16384xi32, #tpu.memory_space<vmem>>
    %dma_start3A_71 = tpu.memref_squeeze %dma_start3A_70 : memref<1x16384xi32, #tpu.memory_space<vmem>> -> memref<16384xi32, #tpu.memory_space<vmem>>
    %dma_start3A_72 = tpu.memref_slice %arg4[%multiple_of3A_42] : memref<4194304xi32, #tpu.memory_space<hbm>> -> memref<16384xi32, #tpu.memory_space<hbm>>
    %dma_start3A_73 = tpu.memref_slice %arg12[%dma_start3A_68] : memref<2x!tpu.dma_semaphore, #tpu.memory_space<semaphore_mem>> -> memref<1x!tpu.dma_semaphore, #tpu.memory_space<semaphore_mem>>
    %dma_start3A_74 = tpu.memref_squeeze %dma_start3A_73 : memref<1x!tpu.dma_semaphore, #tpu.memory_space<semaphore_mem>> -> memref<!tpu.dma_semaphore, #tpu.memory_space<semaphore_mem>>
    %dma_start3A_75 = arith.constant 0 : i32
    %dma_start3A_76 = tpu.memref_slice %arg8[%dma_start3A_67, %dma_start3A_75] : memref<2x16384xi32, #tpu.memory_space<vmem>> -> memref<1x16384xi32, #tpu.memory_space<vmem>>
    %dma_start3A_77 = tpu.memref_squeeze %dma_start3A_76 : memref<1x16384xi32, #tpu.memory_space<vmem>> -> memref<16384xi32, #tpu.memory_space<vmem>>
    %dma_start3A_78 = tpu.memref_slice %arg4[%multiple_of3A_42] : memref<4194304xi32, #tpu.memory_space<hbm>> -> memref<16384xi32, #tpu.memory_space<hbm>>
    tpu.enqueue_dma source(%dma_start3A_78 : memref<16384xi32, #tpu.memory_space<hbm>>) target(%dma_start3A_77 : memref<16384xi32, #tpu.memory_space<vmem>>) target_semaphore(%dma_start3A_74 : memref<!tpu.dma_semaphore, #tpu.memory_space<semaphore_mem>>)
    %add3A_79 = arith.constant 0 : i32
    %add3A_80 = arith.addi %mul3A_2, %add3A_79 : i32
    %multiple_of3A_81 = tpu.assume_multiple %add3A_80, 16384 : i32
    %dma_wait3A = arith.constant 0 : i32
    %dma_wait3A_82 = arith.constant 0 : i32
    %dma_wait3A_83 = arith.constant 0 : i32
    %dma_wait3A_84 = tpu.memref_slice %arg6[%dma_wait3A, %dma_wait3A_83] : memref<2x16384xf32, #tpu.memory_space<vmem>> -> memref<1x16384xf32, #tpu.memory_space<vmem>>
    %dma_wait3A_85 = tpu.memref_squeeze %dma_wait3A_84 : memref<1x16384xf32, #tpu.memory_space<vmem>> -> memref<16384xf32, #tpu.memory_space<vmem>>
    %dma_wait3A_86 = tpu.memref_slice %arg2[%multiple_of3A_81] : memref<4194304xf32, #tpu.memory_space<hbm>> -> memref<16384xf32, #tpu.memory_space<hbm>>
    %dma_wait3A_87 = tpu.memref_slice %arg10[%dma_wait3A_82] : memref<2x!tpu.dma_semaphore, #tpu.memory_space<semaphore_mem>> -> memref<1x!tpu.dma_semaphore, #tpu.memory_space<semaphore_mem>>
    %dma_wait3A_88 = tpu.memref_squeeze %dma_wait3A_87 : memref<1x!tpu.dma_semaphore, #tpu.memory_space<semaphore_mem>> -> memref<!tpu.dma_semaphore, #tpu.memory_space<semaphore_mem>>
    %dma_wait3A_89 = arith.constant 0 : i32
    %dma_wait3A_90 = tpu.memref_slice %arg6[%dma_wait3A, %dma_wait3A_89] : memref<2x16384xf32, #tpu.memory_space<vmem>> -> memref<1x16384xf32, #tpu.memory_space<vmem>>
    %dma_wait3A_91 = tpu.memref_squeeze %dma_wait3A_90 : memref<1x16384xf32, #tpu.memory_space<vmem>> -> memref<16384xf32, #tpu.memory_space<vmem>>
    %dma_wait3A_92 = tpu.memref_slice %arg2[%multiple_of3A_81] : memref<4194304xf32, #tpu.memory_space<hbm>> -> memref<16384xf32, #tpu.memory_space<hbm>>
    tpu.wait_dma2 semaphore(%dma_wait3A_88 : memref<!tpu.dma_semaphore, #tpu.memory_space<semaphore_mem>>) src(%dma_wait3A_92 : memref<16384xf32, #tpu.memory_space<hbm>>) dst(%dma_wait3A_91 : memref<16384xf32, #tpu.memory_space<vmem>>)
    %dma_wait3A_93 = arith.constant 0 : i32
    %dma_wait3A_94 = arith.constant 0 : i32
    %dma_wait3A_95 = arith.constant 0 : i32
    %dma_wait3A_96 = tpu.memref_slice %arg7[%dma_wait3A_93, %dma_wait3A_95] : memref<2x16384xf32, #tpu.memory_space<vmem>> -> memref<1x16384xf32, #tpu.memory_space<vmem>>
    %dma_wait3A_97 = tpu.memref_squeeze %dma_wait3A_96 : memref<1x16384xf32, #tpu.memory_space<vmem>> -> memref<16384xf32, #tpu.memory_space<vmem>>
    %dma_wait3A_98 = tpu.memref_slice %arg3[%multiple_of3A_81] : memref<4194304xf32, #tpu.memory_space<hbm>> -> memref<16384xf32, #tpu.memory_space<hbm>>
    %dma_wait3A_99 = tpu.memref_slice %arg11[%dma_wait3A_94] : memref<2x!tpu.dma_semaphore, #tpu.memory_space<semaphore_mem>> -> memref<1x!tpu.dma_semaphore, #tpu.memory_space<semaphore_mem>>
    %dma_wait3A_100 = tpu.memref_squeeze %dma_wait3A_99 : memref<1x!tpu.dma_semaphore, #tpu.memory_space<semaphore_mem>> -> memref<!tpu.dma_semaphore, #tpu.memory_space<semaphore_mem>>
    %dma_wait3A_101 = arith.constant 0 : i32
    %dma_wait3A_102 = tpu.memref_slice %arg7[%dma_wait3A_93, %dma_wait3A_101] : memref<2x16384xf32, #tpu.memory_space<vmem>> -> memref<1x16384xf32, #tpu.memory_space<vmem>>
    %dma_wait3A_103 = tpu.memref_squeeze %dma_wait3A_102 : memref<1x16384xf32, #tpu.memory_space<vmem>> -> memref<16384xf32, #tpu.memory_space<vmem>>
    %dma_wait3A_104 = tpu.memref_slice %arg3[%multiple_of3A_81] : memref<4194304xf32, #tpu.memory_space<hbm>> -> memref<16384xf32, #tpu.memory_space<hbm>>
    tpu.wait_dma2 semaphore(%dma_wait3A_100 : memref<!tpu.dma_semaphore, #tpu.memory_space<semaphore_mem>>) src(%dma_wait3A_104 : memref<16384xf32, #tpu.memory_space<hbm>>) dst(%dma_wait3A_103 : memref<16384xf32, #tpu.memory_space<vmem>>)
    %dma_wait3A_105 = arith.constant 0 : i32
    %dma_wait3A_106 = arith.constant 0 : i32
    %dma_wait3A_107 = arith.constant 0 : i32
    %dma_wait3A_108 = tpu.memref_slice %arg8[%dma_wait3A_105, %dma_wait3A_107] : memref<2x16384xi32, #tpu.memory_space<vmem>> -> memref<1x16384xi32, #tpu.memory_space<vmem>>
    %dma_wait3A_109 = tpu.memref_squeeze %dma_wait3A_108 : memref<1x16384xi32, #tpu.memory_space<vmem>> -> memref<16384xi32, #tpu.memory_space<vmem>>
    %dma_wait3A_110 = tpu.memref_slice %arg4[%multiple_of3A_81] : memref<4194304xi32, #tpu.memory_space<hbm>> -> memref<16384xi32, #tpu.memory_space<hbm>>
    %dma_wait3A_111 = tpu.memref_slice %arg12[%dma_wait3A_106] : memref<2x!tpu.dma_semaphore, #tpu.memory_space<semaphore_mem>> -> memref<1x!tpu.dma_semaphore, #tpu.memory_space<semaphore_mem>>
    %dma_wait3A_112 = tpu.memref_squeeze %dma_wait3A_111 : memref<1x!tpu.dma_semaphore, #tpu.memory_space<semaphore_mem>> -> memref<!tpu.dma_semaphore, #tpu.memory_space<semaphore_mem>>
    %dma_wait3A_113 = arith.constant 0 : i32
    %dma_wait3A_114 = tpu.memref_slice %arg8[%dma_wait3A_105, %dma_wait3A_113] : memref<2x16384xi32, #tpu.memory_space<vmem>> -> memref<1x16384xi32, #tpu.memory_space<vmem>>
    %dma_wait3A_115 = tpu.memref_squeeze %dma_wait3A_114 : memref<1x16384xi32, #tpu.memory_space<vmem>> -> memref<16384xi32, #tpu.memory_space<vmem>>
    %dma_wait3A_116 = tpu.memref_slice %arg4[%multiple_of3A_81] : memref<4194304xi32, #tpu.memory_space<hbm>> -> memref<16384xi32, #tpu.memory_space<hbm>>
    tpu.wait_dma2 semaphore(%dma_wait3A_112 : memref<!tpu.dma_semaphore, #tpu.memory_space<semaphore_mem>>) src(%dma_wait3A_116 : memref<16384xi32, #tpu.memory_space<hbm>>) dst(%dma_wait3A_115 : memref<16384xi32, #tpu.memory_space<vmem>>)
    %parallel_loop3A = arith.constant 0 : i32
    %parallel_loop3A_117 = arith.constant 16384 : i32
    %parallel_loop3A_118 = arith.constant 16 : i32
    %parallel_loop3A_119 = arith.constant 0 : i32
    %parallel_loop3A_120 = arith.constant 0 : i32
    %parallel_loop3A_121 = arith.constant 0 : i32
    %parallel_loop3A_122 = arith.constant 0 : i32
    scf.for %parallel_loop3A_919 = %parallel_loop3A to %parallel_loop3A_117 step %parallel_loop3A_118  : i32 {
      %parallel_loop3A_920 = tpu.assume_multiple %parallel_loop3A_919, 16 : i32
      %parallel_loop3A_921 = arith.constant 0 : i32
      %parallel_loop3A_922 = tpu.memref_slice %arg6[%parallel_loop3A_119, %parallel_loop3A_921] : memref<2x16384xf32, #tpu.memory_space<vmem>> -> memref<1x16384xf32, #tpu.memory_space<vmem>>
      %parallel_loop3A_923 = tpu.memref_squeeze %parallel_loop3A_922 : memref<1x16384xf32, #tpu.memory_space<vmem>> -> memref<16384xf32, #tpu.memory_space<vmem>>
      %parallel_loop3A_924 = arith.index_cast %parallel_loop3A_920 : i32 to index
      %parallel_loop3A_925 = tpu.vector_load %parallel_loop3A_923[%parallel_loop3A_924] {strides = array<i32>} : memref<16384xf32, #tpu.memory_space<vmem>>, vector<16xf32>,
      %parallel_loop3A_926 = vector.shape_cast %parallel_loop3A_925 : vector<16xf32> to vector<16xf32>
      %parallel_loop3A_927 = arith.constant 0 : i32
      %parallel_loop3A_928 = tpu.memref_slice %arg7[%parallel_loop3A_120, %parallel_loop3A_927] : memref<2x16384xf32, #tpu.memory_space<vmem>> -> memref<1x16384xf32, #tpu.memory_space<vmem>>
      %parallel_loop3A_929 = tpu.memref_squeeze %parallel_loop3A_928 : memref<1x16384xf32, #tpu.memory_space<vmem>> -> memref<16384xf32, #tpu.memory_space<vmem>>
      %parallel_loop3A_930 = arith.index_cast %parallel_loop3A_920 : i32 to index
      %parallel_loop3A_931 = tpu.vector_load %parallel_loop3A_929[%parallel_loop3A_930] {strides = array<i32>} : memref<16384xf32, #tpu.memory_space<vmem>>, vector<16xf32>,
      %parallel_loop3A_932 = vector.shape_cast %parallel_loop3A_931 : vector<16xf32> to vector<16xf32>
      %parallel_loop3A_933 = arith.constant 0 : i32
      %parallel_loop3A_934 = tpu.memref_slice %arg8[%parallel_loop3A_121, %parallel_loop3A_933] : memref<2x16384xi32, #tpu.memory_space<vmem>> -> memref<1x16384xi32, #tpu.memory_space<vmem>>
      %parallel_loop3A_935 = tpu.memref_squeeze %parallel_loop3A_934 : memref<1x16384xi32, #tpu.memory_space<vmem>> -> memref<16384xi32, #tpu.memory_space<vmem>>
      %parallel_loop3A_936 = arith.index_cast %parallel_loop3A_920 : i32 to index
      %parallel_loop3A_937 = tpu.vector_load %parallel_loop3A_935[%parallel_loop3A_936] {strides = array<i32>} : memref<16384xi32, #tpu.memory_space<vmem>>, vector<16xi32>,
      %parallel_loop3A_938 = vector.shape_cast %parallel_loop3A_937 : vector<16xi32> to vector<16xi32>
      %parallel_loop3A_939 = arith.subf %parallel_loop3A_926, %parallel_loop3A_932 : vector<16xf32>
      %parallel_loop3A_940 = arith.constant 0 : i32
      %parallel_loop3A_941 = vector.broadcast %parallel_loop3A_940 : i32 to vector<16xi32>
      %parallel_loop3A_942 = arith.cmpi ne, %parallel_loop3A_938, %parallel_loop3A_941 : vector<16xi32>
      %parallel_loop3A_943 = arith.mulf %parallel_loop3A_939, %parallel_loop3A_939 : vector<16xf32>
      %parallel_loop3A_944 = arith.constant 0.000000e+00 : f32
      %parallel_loop3A_945 = vector.broadcast %parallel_loop3A_944 : f32 to vector<16xf32>
      %parallel_loop3A_946 = arith.select %parallel_loop3A_942, %parallel_loop3A_943, %parallel_loop3A_945 : vector<16xi1>, vector<16xf32>
      %parallel_loop3A_947 = arith.constant 0 : i32
      %parallel_loop3A_948 = tpu.memref_slice %arg9[%parallel_loop3A_122, %parallel_loop3A_947] : memref<2x16384xf32, #tpu.memory_space<vmem>> -> memref<1x16384xf32, #tpu.memory_space<vmem>>
      %parallel_loop3A_949 = tpu.memref_squeeze %parallel_loop3A_948 : memref<1x16384xf32, #tpu.memory_space<vmem>> -> memref<16384xf32, #tpu.memory_space<vmem>>
      %parallel_loop3A_950 = arith.index_cast %parallel_loop3A_920 : i32 to index
      %parallel_loop3A_951 = tpu.vector_load %parallel_loop3A_949[%parallel_loop3A_950] {strides = array<i32>} : memref<16384xf32, #tpu.memory_space<vmem>>, vector<16xf32>,
      %parallel_loop3A_952 = vector.shape_cast %parallel_loop3A_951 : vector<16xf32> to vector<16xf32>
      %parallel_loop3A_953 = vector.shape_cast %parallel_loop3A_946 : vector<16xf32> to vector<16xf32>
      tpu.vector_store %parallel_loop3A_949[%parallel_loop3A_950], %parallel_loop3A_953 {strides = array<i32>} : memref<16384xf32, #tpu.memory_space<vmem>>, vector<16xf32>,
    } {sc.loop_unroll_factor = 8 : i64, sc.parallel_access}
    %add3A_123 = arith.constant 0 : i32
    %add3A_124 = arith.addi %mul3A_2, %add3A_123 : i32
    %multiple_of3A_125 = tpu.assume_multiple %add3A_124, 16384 : i32
    %dma_start3A_126 = arith.constant 0 : i32
    %dma_start3A_127 = arith.constant 0 : i32
    %dma_start3A_128 = arith.constant 0 : i32
    %dma_start3A_129 = tpu.memref_slice %arg9[%dma_start3A_126, %dma_start3A_128] : memref<2x16384xf32, #tpu.memory_space<vmem>> -> memref<1x16384xf32, #tpu.memory_space<vmem>>
    %dma_start3A_130 = tpu.memref_squeeze %dma_start3A_129 : memref<1x16384xf32, #tpu.memory_space<vmem>> -> memref<16384xf32, #tpu.memory_space<vmem>>
    %dma_start3A_131 = tpu.memref_slice %arg5[%multiple_of3A_125] : memref<4194304xf32, #tpu.memory_space<hbm>> -> memref<16384xf32, #tpu.memory_space<hbm>>
    %dma_start3A_132 = tpu.memref_slice %arg13[%dma_start3A_127] : memref<2x!tpu.dma_semaphore, #tpu.memory_space<semaphore_mem>> -> memref<1x!tpu.dma_semaphore, #tpu.memory_space<semaphore_mem>>
    %dma_start3A_133 = tpu.memref_squeeze %dma_start3A_132 : memref<1x!tpu.dma_semaphore, #tpu.memory_space<semaphore_mem>> -> memref<!tpu.dma_semaphore, #tpu.memory_space<semaphore_mem>>
    %dma_start3A_134 = tpu.memref_slice %arg5[%multiple_of3A_125] : memref<4194304xf32, #tpu.memory_space<hbm>> -> memref<16384xf32, #tpu.memory_space<hbm>>
    %dma_start3A_135 = arith.constant 0 : i32
    %dma_start3A_136 = tpu.memref_slice %arg9[%dma_start3A_126, %dma_start3A_135] : memref<2x16384xf32, #tpu.memory_space<vmem>> -> memref<1x16384xf32, #tpu.memory_space<vmem>>
    %dma_start3A_137 = tpu.memref_squeeze %dma_start3A_136 : memref<1x16384xf32, #tpu.memory_space<vmem>> -> memref<16384xf32, #tpu.memory_space<vmem>>
    tpu.enqueue_dma source(%dma_start3A_137 : memref<16384xf32, #tpu.memory_space<vmem>>) target(%dma_start3A_134 : memref<16384xf32, #tpu.memory_space<hbm>>) target_semaphore(%dma_start3A_133 : memref<!tpu.dma_semaphore, #tpu.memory_space<semaphore_mem>>)
    %add3A_138 = arith.constant 32768 : i32
    %add3A_139 = arith.addi %mul3A_2, %add3A_138 : i32
    %multiple_of3A_140 = tpu.assume_multiple %add3A_139, 16384 : i32
    %dma_start3A_141 = arith.constant 0 : i32
    %dma_start3A_142 = arith.constant 0 : i32
    %dma_start3A_143 = arith.constant 0 : i32
    %dma_start3A_144 = tpu.memref_slice %arg6[%dma_start3A_141, %dma_start3A_143] : memref<2x16384xf32, #tpu.memory_space<vmem>> -> memref<1x16384xf32, #tpu.memory_space<vmem>>
    %dma_start3A_145 = tpu.memref_squeeze %dma_start3A_144 : memref<1x16384xf32, #tpu.memory_space<vmem>> -> memref<16384xf32, #tpu.memory_space<vmem>>
    %dma_start3A_146 = tpu.memref_slice %arg2[%multiple_of3A_140] : memref<4194304xf32, #tpu.memory_space<hbm>> -> memref<16384xf32, #tpu.memory_space<hbm>>
    %dma_start3A_147 = tpu.memref_slice %arg10[%dma_start3A_142] : memref<2x!tpu.dma_semaphore, #tpu.memory_space<semaphore_mem>> -> memref<1x!tpu.dma_semaphore, #tpu.memory_space<semaphore_mem>>
    %dma_start3A_148 = tpu.memref_squeeze %dma_start3A_147 : memref<1x!tpu.dma_semaphore, #tpu.memory_space<semaphore_mem>> -> memref<!tpu.dma_semaphore, #tpu.memory_space<semaphore_mem>>
    %dma_start3A_149 = arith.constant 0 : i32
    %dma_start3A_150 = tpu.memref_slice %arg6[%dma_start3A_141, %dma_start3A_149] : memref<2x16384xf32, #tpu.memory_space<vmem>> -> memref<1x16384xf32, #tpu.memory_space<vmem>>
    %dma_start3A_151 = tpu.memref_squeeze %dma_start3A_150 : memref<1x16384xf32, #tpu.memory_space<vmem>> -> memref<16384xf32, #tpu.memory_space<vmem>>
    %dma_start3A_152 = tpu.memref_slice %arg2[%multiple_of3A_140] : memref<4194304xf32, #tpu.memory_space<hbm>> -> memref<16384xf32, #tpu.memory_space<hbm>>
    tpu.enqueue_dma source(%dma_start3A_152 : memref<16384xf32, #tpu.memory_space<hbm>>) target(%dma_start3A_151 : memref<16384xf32, #tpu.memory_space<vmem>>) target_semaphore(%dma_start3A_148 : memref<!tpu.dma_semaphore, #tpu.memory_space<semaphore_mem>>)
    %dma_start3A_153 = arith.constant 0 : i32
    %dma_start3A_154 = arith.constant 0 : i32
    %dma_start3A_155 = arith.constant 0 : i32
    %dma_start3A_156 = tpu.memref_slice %arg7[%dma_start3A_153, %dma_start3A_155] : memref<2x16384xf32, #tpu.memory_space<vmem>> -> memref<1x16384xf32, #tpu.memory_space<vmem>>
    %dma_start3A_157 = tpu.memref_squeeze %dma_start3A_156 : memref<1x16384xf32, #tpu.memory_space<vmem>> -> memref<16384xf32, #tpu.memory_space<vmem>>
    %dma_start3A_158 = tpu.memref_slice %arg3[%multiple_of3A_140] : memref<4194304xf32, #tpu.memory_space<hbm>> -> memref<16384xf32, #tpu.memory_space<hbm>>
    %dma_start3A_159 = tpu.memref_slice %arg11[%dma_start3A_154] : memref<2x!tpu.dma_semaphore, #tpu.memory_space<semaphore_mem>> -> memref<1x!tpu.dma_semaphore, #tpu.memory_space<semaphore_mem>>
    %dma_start3A_160 = tpu.memref_squeeze %dma_start3A_159 : memref<1x!tpu.dma_semaphore, #tpu.memory_space<semaphore_mem>> -> memref<!tpu.dma_semaphore, #tpu.memory_space<semaphore_mem>>
    %dma_start3A_161 = arith.constant 0 : i32
    %dma_start3A_162 = tpu.memref_slice %arg7[%dma_start3A_153, %dma_start3A_161] : memref<2x16384xf32, #tpu.memory_space<vmem>> -> memref<1x16384xf32, #tpu.memory_space<vmem>>
    %dma_start3A_163 = tpu.memref_squeeze %dma_start3A_162 : memref<1x16384xf32, #tpu.memory_space<vmem>> -> memref<16384xf32, #tpu.memory_space<vmem>>
    %dma_start3A_164 = tpu.memref_slice %arg3[%multiple_of3A_140] : memref<4194304xf32, #tpu.memory_space<hbm>> -> memref<16384xf32, #tpu.memory_space<hbm>>
    tpu.enqueue_dma source(%dma_start3A_164 : memref<16384xf32, #tpu.memory_space<hbm>>) target(%dma_start3A_163 : memref<16384xf32, #tpu.memory_space<vmem>>) target_semaphore(%dma_start3A_160 : memref<!tpu.dma_semaphore, #tpu.memory_space<semaphore_mem>>)
    %dma_start3A_165 = arith.constant 0 : i32
    %dma_start3A_166 = arith.constant 0 : i32
    %dma_start3A_167 = arith.constant 0 : i32
    %dma_start3A_168 = tpu.memref_slice %arg8[%dma_start3A_165, %dma_start3A_167] : memref<2x16384xi32, #tpu.memory_space<vmem>> -> memref<1x16384xi32, #tpu.memory_space<vmem>>
    %dma_start3A_169 = tpu.memref_squeeze %dma_start3A_168 : memref<1x16384xi32, #tpu.memory_space<vmem>> -> memref<16384xi32, #tpu.memory_space<vmem>>
    %dma_start3A_170 = tpu.memref_slice %arg4[%multiple_of3A_140] : memref<4194304xi32, #tpu.memory_space<hbm>> -> memref<16384xi32, #tpu.memory_space<hbm>>
    %dma_start3A_171 = tpu.memref_slice %arg12[%dma_start3A_166] : memref<2x!tpu.dma_semaphore, #tpu.memory_space<semaphore_mem>> -> memref<1x!tpu.dma_semaphore, #tpu.memory_space<semaphore_mem>>
    %dma_start3A_172 = tpu.memref_squeeze %dma_start3A_171 : memref<1x!tpu.dma_semaphore, #tpu.memory_space<semaphore_mem>> -> memref<!tpu.dma_semaphore, #tpu.memory_space<semaphore_mem>>
    %dma_start3A_173 = arith.constant 0 : i32
    %dma_start3A_174 = tpu.memref_slice %arg8[%dma_start3A_165, %dma_start3A_173] : memref<2x16384xi32, #tpu.memory_space<vmem>> -> memref<1x16384xi32, #tpu.memory_space<vmem>>
    %dma_start3A_175 = tpu.memref_squeeze %dma_start3A_174 : memref<1x16384xi32, #tpu.memory_space<vmem>> -> memref<16384xi32, #tpu.memory_space<vmem>>
    %dma_start3A_176 = tpu.memref_slice %arg4[%multiple_of3A_140] : memref<4194304xi32, #tpu.memory_space<hbm>> -> memref<16384xi32, #tpu.memory_space<hbm>>
    tpu.enqueue_dma source(%dma_start3A_176 : memref<16384xi32, #tpu.memory_space<hbm>>) target(%dma_start3A_175 : memref<16384xi32, #tpu.memory_space<vmem>>) target_semaphore(%dma_start3A_172 : memref<!tpu.dma_semaphore, #tpu.memory_space<semaphore_mem>>)
    %add3A_177 = arith.constant 16384 : i32
    %add3A_178 = arith.addi %mul3A_2, %add3A_177 : i32
    %multiple_of3A_179 = tpu.assume_multiple %add3A_178, 16384 : i32
    %dma_wait3A_180 = arith.constant 1 : i32
    %dma_wait3A_181 = arith.constant 1 : i32
    %dma_wait3A_182 = arith.constant 0 : i32
    %dma_wait3A_183 = tpu.memref_slice %arg6[%dma_wait3A_180, %dma_wait3A_182] : memref<2x16384xf32, #tpu.memory_space<vmem>> -> memref<1x16384xf32, #tpu.memory_space<vmem>>
    %dma_wait3A_184 = tpu.memref_squeeze %dma_wait3A_183 : memref<1x16384xf32, #tpu.memory_space<vmem>> -> memref<16384xf32, #tpu.memory_space<vmem>>
    %dma_wait3A_185 = tpu.memref_slice %arg2[%multiple_of3A_179] : memref<4194304xf32, #tpu.memory_space<hbm>> -> memref<16384xf32, #tpu.memory_space<hbm>>
    %dma_wait3A_186 = tpu.memref_slice %arg10[%dma_wait3A_181] : memref<2x!tpu.dma_semaphore, #tpu.memory_space<semaphore_mem>> -> memref<1x!tpu.dma_semaphore, #tpu.memory_space<semaphore_mem>>
    %dma_wait3A_187 = tpu.memref_squeeze %dma_wait3A_186 : memref<1x!tpu.dma_semaphore, #tpu.memory_space<semaphore_mem>> -> memref<!tpu.dma_semaphore, #tpu.memory_space<semaphore_mem>>
    %dma_wait3A_188 = arith.constant 0 : i32
    %dma_wait3A_189 = tpu.memref_slice %arg6[%dma_wait3A_180, %dma_wait3A_188] : memref<2x16384xf32, #tpu.memory_space<vmem>> -> memref<1x16384xf32, #tpu.memory_space<vmem>>
    %dma_wait3A_190 = tpu.memref_squeeze %dma_wait3A_189 : memref<1x16384xf32, #tpu.memory_space<vmem>> -> memref<16384xf32, #tpu.memory_space<vmem>>
    %dma_wait3A_191 = tpu.memref_slice %arg2[%multiple_of3A_179] : memref<4194304xf32, #tpu.memory_space<hbm>> -> memref<16384xf32, #tpu.memory_space<hbm>>
    tpu.wait_dma2 semaphore(%dma_wait3A_187 : memref<!tpu.dma_semaphore, #tpu.memory_space<semaphore_mem>>) src(%dma_wait3A_191 : memref<16384xf32, #tpu.memory_space<hbm>>) dst(%dma_wait3A_190 : memref<16384xf32, #tpu.memory_space<vmem>>)
    %dma_wait3A_192 = arith.constant 1 : i32
    %dma_wait3A_193 = arith.constant 1 : i32
    %dma_wait3A_194 = arith.constant 0 : i32
    %dma_wait3A_195 = tpu.memref_slice %arg7[%dma_wait3A_192, %dma_wait3A_194] : memref<2x16384xf32, #tpu.memory_space<vmem>> -> memref<1x16384xf32, #tpu.memory_space<vmem>>
    %dma_wait3A_196 = tpu.memref_squeeze %dma_wait3A_195 : memref<1x16384xf32, #tpu.memory_space<vmem>> -> memref<16384xf32, #tpu.memory_space<vmem>>
    %dma_wait3A_197 = tpu.memref_slice %arg3[%multiple_of3A_179] : memref<4194304xf32, #tpu.memory_space<hbm>> -> memref<16384xf32, #tpu.memory_space<hbm>>
    %dma_wait3A_198 = tpu.memref_slice %arg11[%dma_wait3A_193] : memref<2x!tpu.dma_semaphore, #tpu.memory_space<semaphore_mem>> -> memref<1x!tpu.dma_semaphore, #tpu.memory_space<semaphore_mem>>
    %dma_wait3A_199 = tpu.memref_squeeze %dma_wait3A_198 : memref<1x!tpu.dma_semaphore, #tpu.memory_space<semaphore_mem>> -> memref<!tpu.dma_semaphore, #tpu.memory_space<semaphore_mem>>
    %dma_wait3A_200 = arith.constant 0 : i32
    %dma_wait3A_201 = tpu.memref_slice %arg7[%dma_wait3A_192, %dma_wait3A_200] : memref<2x16384xf32, #tpu.memory_space<vmem>> -> memref<1x16384xf32, #tpu.memory_space<vmem>>
    %dma_wait3A_202 = tpu.memref_squeeze %dma_wait3A_201 : memref<1x16384xf32, #tpu.memory_space<vmem>> -> memref<16384xf32, #tpu.memory_space<vmem>>
    %dma_wait3A_203 = tpu.memref_slice %arg3[%multiple_of3A_179] : memref<4194304xf32, #tpu.memory_space<hbm>> -> memref<16384xf32, #tpu.memory_space<hbm>>
    tpu.wait_dma2 semaphore(%dma_wait3A_199 : memref<!tpu.dma_semaphore, #tpu.memory_space<semaphore_mem>>) src(%dma_wait3A_203 : memref<16384xf32, #tpu.memory_space<hbm>>) dst(%dma_wait3A_202 : memref<16384xf32, #tpu.memory_space<vmem>>)
    %dma_wait3A_204 = arith.constant 1 : i32
    %dma_wait3A_205 = arith.constant 1 : i32
    %dma_wait3A_206 = arith.constant 0 : i32
    %dma_wait3A_207 = tpu.memref_slice %arg8[%dma_wait3A_204, %dma_wait3A_206] : memref<2x16384xi32, #tpu.memory_space<vmem>> -> memref<1x16384xi32, #tpu.memory_space<vmem>>
    %dma_wait3A_208 = tpu.memref_squeeze %dma_wait3A_207 : memref<1x16384xi32, #tpu.memory_space<vmem>> -> memref<16384xi32, #tpu.memory_space<vmem>>
    %dma_wait3A_209 = tpu.memref_slice %arg4[%multiple_of3A_179] : memref<4194304xi32, #tpu.memory_space<hbm>> -> memref<16384xi32, #tpu.memory_space<hbm>>
    %dma_wait3A_210 = tpu.memref_slice %arg12[%dma_wait3A_205] : memref<2x!tpu.dma_semaphore, #tpu.memory_space<semaphore_mem>> -> memref<1x!tpu.dma_semaphore, #tpu.memory_space<semaphore_mem>>
    %dma_wait3A_211 = tpu.memref_squeeze %dma_wait3A_210 : memref<1x!tpu.dma_semaphore, #tpu.memory_space<semaphore_mem>> -> memref<!tpu.dma_semaphore, #tpu.memory_space<semaphore_mem>>
    %dma_wait3A_212 = arith.constant 0 : i32
    %dma_wait3A_213 = tpu.memref_slice %arg8[%dma_wait3A_204, %dma_wait3A_212] : memref<2x16384xi32, #tpu.memory_space<vmem>> -> memref<1x16384xi32, #tpu.memory_space<vmem>>
    %dma_wait3A_214 = tpu.memref_squeeze %dma_wait3A_213 : memref<1x16384xi32, #tpu.memory_space<vmem>> -> memref<16384xi32, #tpu.memory_space<vmem>>
    %dma_wait3A_215 = tpu.memref_slice %arg4[%multiple_of3A_179] : memref<4194304xi32, #tpu.memory_space<hbm>> -> memref<16384xi32, #tpu.memory_space<hbm>>
    tpu.wait_dma2 semaphore(%dma_wait3A_211 : memref<!tpu.dma_semaphore, #tpu.memory_space<semaphore_mem>>) src(%dma_wait3A_215 : memref<16384xi32, #tpu.memory_space<hbm>>) dst(%dma_wait3A_214 : memref<16384xi32, #tpu.memory_space<vmem>>)
    %parallel_loop3A_216 = arith.constant 0 : i32
    %parallel_loop3A_217 = arith.constant 16384 : i32
    %parallel_loop3A_218 = arith.constant 16 : i32
    %parallel_loop3A_219 = arith.constant 1 : i32
    %parallel_loop3A_220 = arith.constant 1 : i32
    %parallel_loop3A_221 = arith.constant 1 : i32
    %parallel_loop3A_222 = arith.constant 1 : i32
    scf.for %parallel_loop3A_919 = %parallel_loop3A_216 to %parallel_loop3A_217 step %parallel_loop3A_218  : i32 {
      %parallel_loop3A_920 = tpu.assume_multiple %parallel_loop3A_919, 16 : i32
      %parallel_loop3A_921 = arith.constant 0 : i32
      %parallel_loop3A_922 = tpu.memref_slice %arg6[%parallel_loop3A_219, %parallel_loop3A_921] : memref<2x16384xf32, #tpu.memory_space<vmem>> -> memref<1x16384xf32, #tpu.memory_space<vmem>>
      %parallel_loop3A_923 = tpu.memref_squeeze %parallel_loop3A_922 : memref<1x16384xf32, #tpu.memory_space<vmem>> -> memref<16384xf32, #tpu.memory_space<vmem>>
      %parallel_loop3A_924 = arith.index_cast %parallel_loop3A_920 : i32 to index
      %parallel_loop3A_925 = tpu.vector_load %parallel_loop3A_923[%parallel_loop3A_924] {strides = array<i32>} : memref<16384xf32, #tpu.memory_space<vmem>>, vector<16xf32>,
      %parallel_loop3A_926 = vector.shape_cast %parallel_loop3A_925 : vector<16xf32> to vector<16xf32>
      %parallel_loop3A_927 = arith.constant 0 : i32
      %parallel_loop3A_928 = tpu.memref_slice %arg7[%parallel_loop3A_220, %parallel_loop3A_927] : memref<2x16384xf32, #tpu.memory_space<vmem>> -> memref<1x16384xf32, #tpu.memory_space<vmem>>
      %parallel_loop3A_929 = tpu.memref_squeeze %parallel_loop3A_928 : memref<1x16384xf32, #tpu.memory_space<vmem>> -> memref<16384xf32, #tpu.memory_space<vmem>>
      %parallel_loop3A_930 = arith.index_cast %parallel_loop3A_920 : i32 to index
      %parallel_loop3A_931 = tpu.vector_load %parallel_loop3A_929[%parallel_loop3A_930] {strides = array<i32>} : memref<16384xf32, #tpu.memory_space<vmem>>, vector<16xf32>,
      %parallel_loop3A_932 = vector.shape_cast %parallel_loop3A_931 : vector<16xf32> to vector<16xf32>
      %parallel_loop3A_933 = arith.constant 0 : i32
      %parallel_loop3A_934 = tpu.memref_slice %arg8[%parallel_loop3A_221, %parallel_loop3A_933] : memref<2x16384xi32, #tpu.memory_space<vmem>> -> memref<1x16384xi32, #tpu.memory_space<vmem>>
      %parallel_loop3A_935 = tpu.memref_squeeze %parallel_loop3A_934 : memref<1x16384xi32, #tpu.memory_space<vmem>> -> memref<16384xi32, #tpu.memory_space<vmem>>
      %parallel_loop3A_936 = arith.index_cast %parallel_loop3A_920 : i32 to index
      %parallel_loop3A_937 = tpu.vector_load %parallel_loop3A_935[%parallel_loop3A_936] {strides = array<i32>} : memref<16384xi32, #tpu.memory_space<vmem>>, vector<16xi32>,
      %parallel_loop3A_938 = vector.shape_cast %parallel_loop3A_937 : vector<16xi32> to vector<16xi32>
      %parallel_loop3A_939 = arith.subf %parallel_loop3A_926, %parallel_loop3A_932 : vector<16xf32>
      %parallel_loop3A_940 = arith.constant 0 : i32
      %parallel_loop3A_941 = vector.broadcast %parallel_loop3A_940 : i32 to vector<16xi32>
      %parallel_loop3A_942 = arith.cmpi ne, %parallel_loop3A_938, %parallel_loop3A_941 : vector<16xi32>
      %parallel_loop3A_943 = arith.mulf %parallel_loop3A_939, %parallel_loop3A_939 : vector<16xf32>
      %parallel_loop3A_944 = arith.constant 0.000000e+00 : f32
      %parallel_loop3A_945 = vector.broadcast %parallel_loop3A_944 : f32 to vector<16xf32>
      %parallel_loop3A_946 = arith.select %parallel_loop3A_942, %parallel_loop3A_943, %parallel_loop3A_945 : vector<16xi1>, vector<16xf32>
      %parallel_loop3A_947 = arith.constant 0 : i32
      %parallel_loop3A_948 = tpu.memref_slice %arg9[%parallel_loop3A_222, %parallel_loop3A_947] : memref<2x16384xf32, #tpu.memory_space<vmem>> -> memref<1x16384xf32, #tpu.memory_space<vmem>>
      %parallel_loop3A_949 = tpu.memref_squeeze %parallel_loop3A_948 : memref<1x16384xf32, #tpu.memory_space<vmem>> -> memref<16384xf32, #tpu.memory_space<vmem>>
      %parallel_loop3A_950 = arith.index_cast %parallel_loop3A_920 : i32 to index
      %parallel_loop3A_951 = tpu.vector_load %parallel_loop3A_949[%parallel_loop3A_950] {strides = array<i32>} : memref<16384xf32, #tpu.memory_space<vmem>>, vector<16xf32>,
      %parallel_loop3A_952 = vector.shape_cast %parallel_loop3A_951 : vector<16xf32> to vector<16xf32>
      %parallel_loop3A_953 = vector.shape_cast %parallel_loop3A_946 : vector<16xf32> to vector<16xf32>
      tpu.vector_store %parallel_loop3A_949[%parallel_loop3A_950], %parallel_loop3A_953 {strides = array<i32>} : memref<16384xf32, #tpu.memory_space<vmem>>, vector<16xf32>,
    } {sc.loop_unroll_factor = 8 : i64, sc.parallel_access}
    %add3A_223 = arith.constant 16384 : i32
    %add3A_224 = arith.addi %mul3A_2, %add3A_223 : i32
    %multiple_of3A_225 = tpu.assume_multiple %add3A_224, 16384 : i32
    %dma_start3A_226 = arith.constant 1 : i32
    %dma_start3A_227 = arith.constant 1 : i32
    %dma_start3A_228 = arith.constant 0 : i32
    %dma_start3A_229 = tpu.memref_slice %arg9[%dma_start3A_226, %dma_start3A_228] : memref<2x16384xf32, #tpu.memory_space<vmem>> -> memref<1x16384xf32, #tpu.memory_space<vmem>>
    %dma_start3A_230 = tpu.memref_squeeze %dma_start3A_229 : memref<1x16384xf32, #tpu.memory_space<vmem>> -> memref<16384xf32, #tpu.memory_space<vmem>>
    %dma_start3A_231 = tpu.memref_slice %arg5[%multiple_of3A_225] : memref<4194304xf32, #tpu.memory_space<hbm>> -> memref<16384xf32, #tpu.memory_space<hbm>>
    %dma_start3A_232 = tpu.memref_slice %arg13[%dma_start3A_227] : memref<2x!tpu.dma_semaphore, #tpu.memory_space<semaphore_mem>> -> memref<1x!tpu.dma_semaphore, #tpu.memory_space<semaphore_mem>>
    %dma_start3A_233 = tpu.memref_squeeze %dma_start3A_232 : memref<1x!tpu.dma_semaphore, #tpu.memory_space<semaphore_mem>> -> memref<!tpu.dma_semaphore, #tpu.memory_space<semaphore_mem>>
    %dma_start3A_234 = tpu.memref_slice %arg5[%multiple_of3A_225] : memref<4194304xf32, #tpu.memory_space<hbm>> -> memref<16384xf32, #tpu.memory_space<hbm>>
    %dma_start3A_235 = arith.constant 0 : i32
    %dma_start3A_236 = tpu.memref_slice %arg9[%dma_start3A_226, %dma_start3A_235] : memref<2x16384xf32, #tpu.memory_space<vmem>> -> memref<1x16384xf32, #tpu.memory_space<vmem>>
    %dma_start3A_237 = tpu.memref_squeeze %dma_start3A_236 : memref<1x16384xf32, #tpu.memory_space<vmem>> -> memref<16384xf32, #tpu.memory_space<vmem>>
    tpu.enqueue_dma source(%dma_start3A_237 : memref<16384xf32, #tpu.memory_space<vmem>>) target(%dma_start3A_234 : memref<16384xf32, #tpu.memory_space<hbm>>) target_semaphore(%dma_start3A_233 : memref<!tpu.dma_semaphore, #tpu.memory_space<semaphore_mem>>)
    %add3A_238 = arith.constant 49152 : i32
    %add3A_239 = arith.addi %mul3A_2, %add3A_238 : i32
    %multiple_of3A_240 = tpu.assume_multiple %add3A_239, 16384 : i32
    %dma_start3A_241 = arith.constant 1 : i32
    %dma_start3A_242 = arith.constant 1 : i32
    %dma_start3A_243 = arith.constant 0 : i32
    %dma_start3A_244 = tpu.memref_slice %arg6[%dma_start3A_241, %dma_start3A_243] : memref<2x16384xf32, #tpu.memory_space<vmem>> -> memref<1x16384xf32, #tpu.memory_space<vmem>>
    %dma_start3A_245 = tpu.memref_squeeze %dma_start3A_244 : memref<1x16384xf32, #tpu.memory_space<vmem>> -> memref<16384xf32, #tpu.memory_space<vmem>>
    %dma_start3A_246 = tpu.memref_slice %arg2[%multiple_of3A_240] : memref<4194304xf32, #tpu.memory_space<hbm>> -> memref<16384xf32, #tpu.memory_space<hbm>>
    %dma_start3A_247 = tpu.memref_slice %arg10[%dma_start3A_242] : memref<2x!tpu.dma_semaphore, #tpu.memory_space<semaphore_mem>> -> memref<1x!tpu.dma_semaphore, #tpu.memory_space<semaphore_mem>>
    %dma_start3A_248 = tpu.memref_squeeze %dma_start3A_247 : memref<1x!tpu.dma_semaphore, #tpu.memory_space<semaphore_mem>> -> memref<!tpu.dma_semaphore, #tpu.memory_space<semaphore_mem>>
    %dma_start3A_249 = arith.constant 0 : i32
    %dma_start3A_250 = tpu.memref_slice %arg6[%dma_start3A_241, %dma_start3A_249] : memref<2x16384xf32, #tpu.memory_space<vmem>> -> memref<1x16384xf32, #tpu.memory_space<vmem>>
    %dma_start3A_251 = tpu.memref_squeeze %dma_start3A_250 : memref<1x16384xf32, #tpu.memory_space<vmem>> -> memref<16384xf32, #tpu.memory_space<vmem>>
    %dma_start3A_252 = tpu.memref_slice %arg2[%multiple_of3A_240] : memref<4194304xf32, #tpu.memory_space<hbm>> -> memref<16384xf32, #tpu.memory_space<hbm>>
    tpu.enqueue_dma source(%dma_start3A_252 : memref<16384xf32, #tpu.memory_space<hbm>>) target(%dma_start3A_251 : memref<16384xf32, #tpu.memory_space<vmem>>) target_semaphore(%dma_start3A_248 : memref<!tpu.dma_semaphore, #tpu.memory_space<semaphore_mem>>)
    %dma_start3A_253 = arith.constant 1 : i32
    %dma_start3A_254 = arith.constant 1 : i32
    %dma_start3A_255 = arith.constant 0 : i32
    %dma_start3A_256 = tpu.memref_slice %arg7[%dma_start3A_253, %dma_start3A_255] : memref<2x16384xf32, #tpu.memory_space<vmem>> -> memref<1x16384xf32, #tpu.memory_space<vmem>>
    %dma_start3A_257 = tpu.memref_squeeze %dma_start3A_256 : memref<1x16384xf32, #tpu.memory_space<vmem>> -> memref<16384xf32, #tpu.memory_space<vmem>>
    %dma_start3A_258 = tpu.memref_slice %arg3[%multiple_of3A_240] : memref<4194304xf32, #tpu.memory_space<hbm>> -> memref<16384xf32, #tpu.memory_space<hbm>>
    %dma_start3A_259 = tpu.memref_slice %arg11[%dma_start3A_254] : memref<2x!tpu.dma_semaphore, #tpu.memory_space<semaphore_mem>> -> memref<1x!tpu.dma_semaphore, #tpu.memory_space<semaphore_mem>>
    %dma_start3A_260 = tpu.memref_squeeze %dma_start3A_259 : memref<1x!tpu.dma_semaphore, #tpu.memory_space<semaphore_mem>> -> memref<!tpu.dma_semaphore, #tpu.memory_space<semaphore_mem>>
    %dma_start3A_261 = arith.constant 0 : i32
    %dma_start3A_262 = tpu.memref_slice %arg7[%dma_start3A_253, %dma_start3A_261] : memref<2x16384xf32, #tpu.memory_space<vmem>> -> memref<1x16384xf32, #tpu.memory_space<vmem>>
    %dma_start3A_263 = tpu.memref_squeeze %dma_start3A_262 : memref<1x16384xf32, #tpu.memory_space<vmem>> -> memref<16384xf32, #tpu.memory_space<vmem>>
    %dma_start3A_264 = tpu.memref_slice %arg3[%multiple_of3A_240] : memref<4194304xf32, #tpu.memory_space<hbm>> -> memref<16384xf32, #tpu.memory_space<hbm>>
    tpu.enqueue_dma source(%dma_start3A_264 : memref<16384xf32, #tpu.memory_space<hbm>>) target(%dma_start3A_263 : memref<16384xf32, #tpu.memory_space<vmem>>) target_semaphore(%dma_start3A_260 : memref<!tpu.dma_semaphore, #tpu.memory_space<semaphore_mem>>)
    %dma_start3A_265 = arith.constant 1 : i32
    %dma_start3A_266 = arith.constant 1 : i32
    %dma_start3A_267 = arith.constant 0 : i32
    %dma_start3A_268 = tpu.memref_slice %arg8[%dma_start3A_265, %dma_start3A_267] : memref<2x16384xi32, #tpu.memory_space<vmem>> -> memref<1x16384xi32, #tpu.memory_space<vmem>>
    %dma_start3A_269 = tpu.memref_squeeze %dma_start3A_268 : memref<1x16384xi32, #tpu.memory_space<vmem>> -> memref<16384xi32, #tpu.memory_space<vmem>>
    %dma_start3A_270 = tpu.memref_slice %arg4[%multiple_of3A_240] : memref<4194304xi32, #tpu.memory_space<hbm>> -> memref<16384xi32, #tpu.memory_space<hbm>>
    %dma_start3A_271 = tpu.memref_slice %arg12[%dma_start3A_266] : memref<2x!tpu.dma_semaphore, #tpu.memory_space<semaphore_mem>> -> memref<1x!tpu.dma_semaphore, #tpu.memory_space<semaphore_mem>>
    %dma_start3A_272 = tpu.memref_squeeze %dma_start3A_271 : memref<1x!tpu.dma_semaphore, #tpu.memory_space<semaphore_mem>> -> memref<!tpu.dma_semaphore, #tpu.memory_space<semaphore_mem>>
    %dma_start3A_273 = arith.constant 0 : i32
    %dma_start3A_274 = tpu.memref_slice %arg8[%dma_start3A_265, %dma_start3A_273] : memref<2x16384xi32, #tpu.memory_space<vmem>> -> memref<1x16384xi32, #tpu.memory_space<vmem>>
    %dma_start3A_275 = tpu.memref_squeeze %dma_start3A_274 : memref<1x16384xi32, #tpu.memory_space<vmem>> -> memref<16384xi32, #tpu.memory_space<vmem>>
    %dma_start3A_276 = tpu.memref_slice %arg4[%multiple_of3A_240] : memref<4194304xi32, #tpu.memory_space<hbm>> -> memref<16384xi32, #tpu.memory_space<hbm>>
    tpu.enqueue_dma source(%dma_start3A_276 : memref<16384xi32, #tpu.memory_space<hbm>>) target(%dma_start3A_275 : memref<16384xi32, #tpu.memory_space<vmem>>) target_semaphore(%dma_start3A_272 : memref<!tpu.dma_semaphore, #tpu.memory_space<semaphore_mem>>)
    %add3A_277 = arith.constant 32768 : i32
    %add3A_278 = arith.addi %mul3A_2, %add3A_277 : i32
    %multiple_of3A_279 = tpu.assume_multiple %add3A_278, 16384 : i32
    %dma_wait3A_280 = arith.constant 0 : i32
    %dma_wait3A_281 = arith.constant 0 : i32
    %dma_wait3A_282 = arith.constant 0 : i32
    %dma_wait3A_283 = tpu.memref_slice %arg6[%dma_wait3A_280, %dma_wait3A_282] : memref<2x16384xf32, #tpu.memory_space<vmem>> -> memref<1x16384xf32, #tpu.memory_space<vmem>>
    %dma_wait3A_284 = tpu.memref_squeeze %dma_wait3A_283 : memref<1x16384xf32, #tpu.memory_space<vmem>> -> memref<16384xf32, #tpu.memory_space<vmem>>
    %dma_wait3A_285 = tpu.memref_slice %arg2[%multiple_of3A_279] : memref<4194304xf32, #tpu.memory_space<hbm>> -> memref<16384xf32, #tpu.memory_space<hbm>>
    %dma_wait3A_286 = tpu.memref_slice %arg10[%dma_wait3A_281] : memref<2x!tpu.dma_semaphore, #tpu.memory_space<semaphore_mem>> -> memref<1x!tpu.dma_semaphore, #tpu.memory_space<semaphore_mem>>
    %dma_wait3A_287 = tpu.memref_squeeze %dma_wait3A_286 : memref<1x!tpu.dma_semaphore, #tpu.memory_space<semaphore_mem>> -> memref<!tpu.dma_semaphore, #tpu.memory_space<semaphore_mem>>
    %dma_wait3A_288 = arith.constant 0 : i32
    %dma_wait3A_289 = tpu.memref_slice %arg6[%dma_wait3A_280, %dma_wait3A_288] : memref<2x16384xf32, #tpu.memory_space<vmem>> -> memref<1x16384xf32, #tpu.memory_space<vmem>>
    %dma_wait3A_290 = tpu.memref_squeeze %dma_wait3A_289 : memref<1x16384xf32, #tpu.memory_space<vmem>> -> memref<16384xf32, #tpu.memory_space<vmem>>
    %dma_wait3A_291 = tpu.memref_slice %arg2[%multiple_of3A_279] : memref<4194304xf32, #tpu.memory_space<hbm>> -> memref<16384xf32, #tpu.memory_space<hbm>>
    tpu.wait_dma2 semaphore(%dma_wait3A_287 : memref<!tpu.dma_semaphore, #tpu.memory_space<semaphore_mem>>) src(%dma_wait3A_291 : memref<16384xf32, #tpu.memory_space<hbm>>) dst(%dma_wait3A_290 : memref<16384xf32, #tpu.memory_space<vmem>>)
    %dma_wait3A_292 = arith.constant 0 : i32
    %dma_wait3A_293 = arith.constant 0 : i32
    %dma_wait3A_294 = arith.constant 0 : i32
    %dma_wait3A_295 = tpu.memref_slice %arg7[%dma_wait3A_292, %dma_wait3A_294] : memref<2x16384xf32, #tpu.memory_space<vmem>> -> memref<1x16384xf32, #tpu.memory_space<vmem>>
    %dma_wait3A_296 = tpu.memref_squeeze %dma_wait3A_295 : memref<1x16384xf32, #tpu.memory_space<vmem>> -> memref<16384xf32, #tpu.memory_space<vmem>>
    %dma_wait3A_297 = tpu.memref_slice %arg3[%multiple_of3A_279] : memref<4194304xf32, #tpu.memory_space<hbm>> -> memref<16384xf32, #tpu.memory_space<hbm>>
    %dma_wait3A_298 = tpu.memref_slice %arg11[%dma_wait3A_293] : memref<2x!tpu.dma_semaphore, #tpu.memory_space<semaphore_mem>> -> memref<1x!tpu.dma_semaphore, #tpu.memory_space<semaphore_mem>>
    %dma_wait3A_299 = tpu.memref_squeeze %dma_wait3A_298 : memref<1x!tpu.dma_semaphore, #tpu.memory_space<semaphore_mem>> -> memref<!tpu.dma_semaphore, #tpu.memory_space<semaphore_mem>>
    %dma_wait3A_300 = arith.constant 0 : i32
    %dma_wait3A_301 = tpu.memref_slice %arg7[%dma_wait3A_292, %dma_wait3A_300] : memref<2x16384xf32, #tpu.memory_space<vmem>> -> memref<1x16384xf32, #tpu.memory_space<vmem>>
    %dma_wait3A_302 = tpu.memref_squeeze %dma_wait3A_301 : memref<1x16384xf32, #tpu.memory_space<vmem>> -> memref<16384xf32, #tpu.memory_space<vmem>>
    %dma_wait3A_303 = tpu.memref_slice %arg3[%multiple_of3A_279] : memref<4194304xf32, #tpu.memory_space<hbm>> -> memref<16384xf32, #tpu.memory_space<hbm>>
    tpu.wait_dma2 semaphore(%dma_wait3A_299 : memref<!tpu.dma_semaphore, #tpu.memory_space<semaphore_mem>>) src(%dma_wait3A_303 : memref<16384xf32, #tpu.memory_space<hbm>>) dst(%dma_wait3A_302 : memref<16384xf32, #tpu.memory_space<vmem>>)
    %dma_wait3A_304 = arith.constant 0 : i32
    %dma_wait3A_305 = arith.constant 0 : i32
    %dma_wait3A_306 = arith.constant 0 : i32
    %dma_wait3A_307 = tpu.memref_slice %arg8[%dma_wait3A_304, %dma_wait3A_306] : memref<2x16384xi32, #tpu.memory_space<vmem>> -> memref<1x16384xi32, #tpu.memory_space<vmem>>
    %dma_wait3A_308 = tpu.memref_squeeze %dma_wait3A_307 : memref<1x16384xi32, #tpu.memory_space<vmem>> -> memref<16384xi32, #tpu.memory_space<vmem>>
    %dma_wait3A_309 = tpu.memref_slice %arg4[%multiple_of3A_279] : memref<4194304xi32, #tpu.memory_space<hbm>> -> memref<16384xi32, #tpu.memory_space<hbm>>
    %dma_wait3A_310 = tpu.memref_slice %arg12[%dma_wait3A_305] : memref<2x!tpu.dma_semaphore, #tpu.memory_space<semaphore_mem>> -> memref<1x!tpu.dma_semaphore, #tpu.memory_space<semaphore_mem>>
    %dma_wait3A_311 = tpu.memref_squeeze %dma_wait3A_310 : memref<1x!tpu.dma_semaphore, #tpu.memory_space<semaphore_mem>> -> memref<!tpu.dma_semaphore, #tpu.memory_space<semaphore_mem>>
    %dma_wait3A_312 = arith.constant 0 : i32
    %dma_wait3A_313 = tpu.memref_slice %arg8[%dma_wait3A_304, %dma_wait3A_312] : memref<2x16384xi32, #tpu.memory_space<vmem>> -> memref<1x16384xi32, #tpu.memory_space<vmem>>
    %dma_wait3A_314 = tpu.memref_squeeze %dma_wait3A_313 : memref<1x16384xi32, #tpu.memory_space<vmem>> -> memref<16384xi32, #tpu.memory_space<vmem>>
    %dma_wait3A_315 = tpu.memref_slice %arg4[%multiple_of3A_279] : memref<4194304xi32, #tpu.memory_space<hbm>> -> memref<16384xi32, #tpu.memory_space<hbm>>
    tpu.wait_dma2 semaphore(%dma_wait3A_311 : memref<!tpu.dma_semaphore, #tpu.memory_space<semaphore_mem>>) src(%dma_wait3A_315 : memref<16384xi32, #tpu.memory_space<hbm>>) dst(%dma_wait3A_314 : memref<16384xi32, #tpu.memory_space<vmem>>)
    %add3A_316 = arith.constant 0 : i32
    %add3A_317 = arith.addi %mul3A_2, %add3A_316 : i32
    %multiple_of3A_318 = tpu.assume_multiple %add3A_317, 16384 : i32
    %dma_wait3A_319 = arith.constant 0 : i32
    %dma_wait3A_320 = arith.constant 0 : i32
    %dma_wait3A_321 = arith.constant 0 : i32
    %dma_wait3A_322 = tpu.memref_slice %arg9[%dma_wait3A_319, %dma_wait3A_321] : memref<2x16384xf32, #tpu.memory_space<vmem>> -> memref<1x16384xf32, #tpu.memory_space<vmem>>
    %dma_wait3A_323 = tpu.memref_squeeze %dma_wait3A_322 : memref<1x16384xf32, #tpu.memory_space<vmem>> -> memref<16384xf32, #tpu.memory_space<vmem>>
    %dma_wait3A_324 = tpu.memref_slice %arg5[%multiple_of3A_318] : memref<4194304xf32, #tpu.memory_space<hbm>> -> memref<16384xf32, #tpu.memory_space<hbm>>
    %dma_wait3A_325 = tpu.memref_slice %arg13[%dma_wait3A_320] : memref<2x!tpu.dma_semaphore, #tpu.memory_space<semaphore_mem>> -> memref<1x!tpu.dma_semaphore, #tpu.memory_space<semaphore_mem>>
    %dma_wait3A_326 = tpu.memref_squeeze %dma_wait3A_325 : memref<1x!tpu.dma_semaphore, #tpu.memory_space<semaphore_mem>> -> memref<!tpu.dma_semaphore, #tpu.memory_space<semaphore_mem>>
    %dma_wait3A_327 = tpu.memref_slice %arg5[%multiple_of3A_318] : memref<4194304xf32, #tpu.memory_space<hbm>> -> memref<16384xf32, #tpu.memory_space<hbm>>
    %dma_wait3A_328 = arith.constant 0 : i32
    %dma_wait3A_329 = tpu.memref_slice %arg9[%dma_wait3A_319, %dma_wait3A_328] : memref<2x16384xf32, #tpu.memory_space<vmem>> -> memref<1x16384xf32, #tpu.memory_space<vmem>>
    %dma_wait3A_330 = tpu.memref_squeeze %dma_wait3A_329 : memref<1x16384xf32, #tpu.memory_space<vmem>> -> memref<16384xf32, #tpu.memory_space<vmem>>
    tpu.wait_dma2 semaphore(%dma_wait3A_326 : memref<!tpu.dma_semaphore, #tpu.memory_space<semaphore_mem>>) src(%dma_wait3A_330 : memref<16384xf32, #tpu.memory_space<vmem>>) dst(%dma_wait3A_327 : memref<16384xf32, #tpu.memory_space<hbm>>)
    %parallel_loop3A_331 = arith.constant 0 : i32
    %parallel_loop3A_332 = arith.constant 16384 : i32
    %parallel_loop3A_333 = arith.constant 16 : i32
    %parallel_loop3A_334 = arith.constant 0 : i32
    %parallel_loop3A_335 = arith.constant 0 : i32
    %parallel_loop3A_336 = arith.constant 0 : i32
    %parallel_loop3A_337 = arith.constant 0 : i32
    scf.for %parallel_loop3A_919 = %parallel_loop3A_331 to %parallel_loop3A_332 step %parallel_loop3A_333  : i32 {
      %parallel_loop3A_920 = tpu.assume_multiple %parallel_loop3A_919, 16 : i32
      %parallel_loop3A_921 = arith.constant 0 : i32
      %parallel_loop3A_922 = tpu.memref_slice %arg6[%parallel_loop3A_334, %parallel_loop3A_921] : memref<2x16384xf32, #tpu.memory_space<vmem>> -> memref<1x16384xf32, #tpu.memory_space<vmem>>
      %parallel_loop3A_923 = tpu.memref_squeeze %parallel_loop3A_922 : memref<1x16384xf32, #tpu.memory_space<vmem>> -> memref<16384xf32, #tpu.memory_space<vmem>>
      %parallel_loop3A_924 = arith.index_cast %parallel_loop3A_920 : i32 to index
      %parallel_loop3A_925 = tpu.vector_load %parallel_loop3A_923[%parallel_loop3A_924] {strides = array<i32>} : memref<16384xf32, #tpu.memory_space<vmem>>, vector<16xf32>,
      %parallel_loop3A_926 = vector.shape_cast %parallel_loop3A_925 : vector<16xf32> to vector<16xf32>
      %parallel_loop3A_927 = arith.constant 0 : i32
      %parallel_loop3A_928 = tpu.memref_slice %arg7[%parallel_loop3A_335, %parallel_loop3A_927] : memref<2x16384xf32, #tpu.memory_space<vmem>> -> memref<1x16384xf32, #tpu.memory_space<vmem>>
      %parallel_loop3A_929 = tpu.memref_squeeze %parallel_loop3A_928 : memref<1x16384xf32, #tpu.memory_space<vmem>> -> memref<16384xf32, #tpu.memory_space<vmem>>
      %parallel_loop3A_930 = arith.index_cast %parallel_loop3A_920 : i32 to index
      %parallel_loop3A_931 = tpu.vector_load %parallel_loop3A_929[%parallel_loop3A_930] {strides = array<i32>} : memref<16384xf32, #tpu.memory_space<vmem>>, vector<16xf32>,
      %parallel_loop3A_932 = vector.shape_cast %parallel_loop3A_931 : vector<16xf32> to vector<16xf32>
      %parallel_loop3A_933 = arith.constant 0 : i32
      %parallel_loop3A_934 = tpu.memref_slice %arg8[%parallel_loop3A_336, %parallel_loop3A_933] : memref<2x16384xi32, #tpu.memory_space<vmem>> -> memref<1x16384xi32, #tpu.memory_space<vmem>>
      %parallel_loop3A_935 = tpu.memref_squeeze %parallel_loop3A_934 : memref<1x16384xi32, #tpu.memory_space<vmem>> -> memref<16384xi32, #tpu.memory_space<vmem>>
      %parallel_loop3A_936 = arith.index_cast %parallel_loop3A_920 : i32 to index
      %parallel_loop3A_937 = tpu.vector_load %parallel_loop3A_935[%parallel_loop3A_936] {strides = array<i32>} : memref<16384xi32, #tpu.memory_space<vmem>>, vector<16xi32>,
      %parallel_loop3A_938 = vector.shape_cast %parallel_loop3A_937 : vector<16xi32> to vector<16xi32>
      %parallel_loop3A_939 = arith.subf %parallel_loop3A_926, %parallel_loop3A_932 : vector<16xf32>
      %parallel_loop3A_940 = arith.constant 0 : i32
      %parallel_loop3A_941 = vector.broadcast %parallel_loop3A_940 : i32 to vector<16xi32>
      %parallel_loop3A_942 = arith.cmpi ne, %parallel_loop3A_938, %parallel_loop3A_941 : vector<16xi32>
      %parallel_loop3A_943 = arith.mulf %parallel_loop3A_939, %parallel_loop3A_939 : vector<16xf32>
      %parallel_loop3A_944 = arith.constant 0.000000e+00 : f32
      %parallel_loop3A_945 = vector.broadcast %parallel_loop3A_944 : f32 to vector<16xf32>
      %parallel_loop3A_946 = arith.select %parallel_loop3A_942, %parallel_loop3A_943, %parallel_loop3A_945 : vector<16xi1>, vector<16xf32>
      %parallel_loop3A_947 = arith.constant 0 : i32
      %parallel_loop3A_948 = tpu.memref_slice %arg9[%parallel_loop3A_337, %parallel_loop3A_947] : memref<2x16384xf32, #tpu.memory_space<vmem>> -> memref<1x16384xf32, #tpu.memory_space<vmem>>
      %parallel_loop3A_949 = tpu.memref_squeeze %parallel_loop3A_948 : memref<1x16384xf32, #tpu.memory_space<vmem>> -> memref<16384xf32, #tpu.memory_space<vmem>>
      %parallel_loop3A_950 = arith.index_cast %parallel_loop3A_920 : i32 to index
      %parallel_loop3A_951 = tpu.vector_load %parallel_loop3A_949[%parallel_loop3A_950] {strides = array<i32>} : memref<16384xf32, #tpu.memory_space<vmem>>, vector<16xf32>,
      %parallel_loop3A_952 = vector.shape_cast %parallel_loop3A_951 : vector<16xf32> to vector<16xf32>
      %parallel_loop3A_953 = vector.shape_cast %parallel_loop3A_946 : vector<16xf32> to vector<16xf32>
      tpu.vector_store %parallel_loop3A_949[%parallel_loop3A_950], %parallel_loop3A_953 {strides = array<i32>} : memref<16384xf32, #tpu.memory_space<vmem>>, vector<16xf32>,
    } {sc.loop_unroll_factor = 8 : i64, sc.parallel_access}
    %add3A_338 = arith.constant 32768 : i32
    %add3A_339 = arith.addi %mul3A_2, %add3A_338 : i32
    %multiple_of3A_340 = tpu.assume_multiple %add3A_339, 16384 : i32
    %dma_start3A_341 = arith.constant 0 : i32
    %dma_start3A_342 = arith.constant 0 : i32
    %dma_start3A_343 = arith.constant 0 : i32
    %dma_start3A_344 = tpu.memref_slice %arg9[%dma_start3A_341, %dma_start3A_343] : memref<2x16384xf32, #tpu.memory_space<vmem>> -> memref<1x16384xf32, #tpu.memory_space<vmem>>
    %dma_start3A_345 = tpu.memref_squeeze %dma_start3A_344 : memref<1x16384xf32, #tpu.memory_space<vmem>> -> memref<16384xf32, #tpu.memory_space<vmem>>
    %dma_start3A_346 = tpu.memref_slice %arg5[%multiple_of3A_340] : memref<4194304xf32, #tpu.memory_space<hbm>> -> memref<16384xf32, #tpu.memory_space<hbm>>
    %dma_start3A_347 = tpu.memref_slice %arg13[%dma_start3A_342] : memref<2x!tpu.dma_semaphore, #tpu.memory_space<semaphore_mem>> -> memref<1x!tpu.dma_semaphore, #tpu.memory_space<semaphore_mem>>
    %dma_start3A_348 = tpu.memref_squeeze %dma_start3A_347 : memref<1x!tpu.dma_semaphore, #tpu.memory_space<semaphore_mem>> -> memref<!tpu.dma_semaphore, #tpu.memory_space<semaphore_mem>>
    %dma_start3A_349 = tpu.memref_slice %arg5[%multiple_of3A_340] : memref<4194304xf32, #tpu.memory_space<hbm>> -> memref<16384xf32, #tpu.memory_space<hbm>>
    %dma_start3A_350 = arith.constant 0 : i32
    %dma_start3A_351 = tpu.memref_slice %arg9[%dma_start3A_341, %dma_start3A_350] : memref<2x16384xf32, #tpu.memory_space<vmem>> -> memref<1x16384xf32, #tpu.memory_space<vmem>>
    %dma_start3A_352 = tpu.memref_squeeze %dma_start3A_351 : memref<1x16384xf32, #tpu.memory_space<vmem>> -> memref<16384xf32, #tpu.memory_space<vmem>>
    tpu.enqueue_dma source(%dma_start3A_352 : memref<16384xf32, #tpu.memory_space<vmem>>) target(%dma_start3A_349 : memref<16384xf32, #tpu.memory_space<hbm>>) target_semaphore(%dma_start3A_348 : memref<!tpu.dma_semaphore, #tpu.memory_space<semaphore_mem>>)
    %add3A_353 = arith.constant 65536 : i32
    %add3A_354 = arith.addi %mul3A_2, %add3A_353 : i32
    %multiple_of3A_355 = tpu.assume_multiple %add3A_354, 16384 : i32
    %dma_start3A_356 = arith.constant 0 : i32
    %dma_start3A_357 = arith.constant 0 : i32
    %dma_start3A_358 = arith.constant 0 : i32
    %dma_start3A_359 = tpu.memref_slice %arg6[%dma_start3A_356, %dma_start3A_358] : memref<2x16384xf32, #tpu.memory_space<vmem>> -> memref<1x16384xf32, #tpu.memory_space<vmem>>
    %dma_start3A_360 = tpu.memref_squeeze %dma_start3A_359 : memref<1x16384xf32, #tpu.memory_space<vmem>> -> memref<16384xf32, #tpu.memory_space<vmem>>
    %dma_start3A_361 = tpu.memref_slice %arg2[%multiple_of3A_355] : memref<4194304xf32, #tpu.memory_space<hbm>> -> memref<16384xf32, #tpu.memory_space<hbm>>
    %dma_start3A_362 = tpu.memref_slice %arg10[%dma_start3A_357] : memref<2x!tpu.dma_semaphore, #tpu.memory_space<semaphore_mem>> -> memref<1x!tpu.dma_semaphore, #tpu.memory_space<semaphore_mem>>
    %dma_start3A_363 = tpu.memref_squeeze %dma_start3A_362 : memref<1x!tpu.dma_semaphore, #tpu.memory_space<semaphore_mem>> -> memref<!tpu.dma_semaphore, #tpu.memory_space<semaphore_mem>>
    %dma_start3A_364 = arith.constant 0 : i32
    %dma_start3A_365 = tpu.memref_slice %arg6[%dma_start3A_356, %dma_start3A_364] : memref<2x16384xf32, #tpu.memory_space<vmem>> -> memref<1x16384xf32, #tpu.memory_space<vmem>>
    %dma_start3A_366 = tpu.memref_squeeze %dma_start3A_365 : memref<1x16384xf32, #tpu.memory_space<vmem>> -> memref<16384xf32, #tpu.memory_space<vmem>>
    %dma_start3A_367 = tpu.memref_slice %arg2[%multiple_of3A_355] : memref<4194304xf32, #tpu.memory_space<hbm>> -> memref<16384xf32, #tpu.memory_space<hbm>>
    tpu.enqueue_dma source(%dma_start3A_367 : memref<16384xf32, #tpu.memory_space<hbm>>) target(%dma_start3A_366 : memref<16384xf32, #tpu.memory_space<vmem>>) target_semaphore(%dma_start3A_363 : memref<!tpu.dma_semaphore, #tpu.memory_space<semaphore_mem>>)
    %dma_start3A_368 = arith.constant 0 : i32
    %dma_start3A_369 = arith.constant 0 : i32
    %dma_start3A_370 = arith.constant 0 : i32
    %dma_start3A_371 = tpu.memref_slice %arg7[%dma_start3A_368, %dma_start3A_370] : memref<2x16384xf32, #tpu.memory_space<vmem>> -> memref<1x16384xf32, #tpu.memory_space<vmem>>
    %dma_start3A_372 = tpu.memref_squeeze %dma_start3A_371 : memref<1x16384xf32, #tpu.memory_space<vmem>> -> memref<16384xf32, #tpu.memory_space<vmem>>
    %dma_start3A_373 = tpu.memref_slice %arg3[%multiple_of3A_355] : memref<4194304xf32, #tpu.memory_space<hbm>> -> memref<16384xf32, #tpu.memory_space<hbm>>
    %dma_start3A_374 = tpu.memref_slice %arg11[%dma_start3A_369] : memref<2x!tpu.dma_semaphore, #tpu.memory_space<semaphore_mem>> -> memref<1x!tpu.dma_semaphore, #tpu.memory_space<semaphore_mem>>
    %dma_start3A_375 = tpu.memref_squeeze %dma_start3A_374 : memref<1x!tpu.dma_semaphore, #tpu.memory_space<semaphore_mem>> -> memref<!tpu.dma_semaphore, #tpu.memory_space<semaphore_mem>>
    %dma_start3A_376 = arith.constant 0 : i32
    %dma_start3A_377 = tpu.memref_slice %arg7[%dma_start3A_368, %dma_start3A_376] : memref<2x16384xf32, #tpu.memory_space<vmem>> -> memref<1x16384xf32, #tpu.memory_space<vmem>>
    %dma_start3A_378 = tpu.memref_squeeze %dma_start3A_377 : memref<1x16384xf32, #tpu.memory_space<vmem>> -> memref<16384xf32, #tpu.memory_space<vmem>>
    %dma_start3A_379 = tpu.memref_slice %arg3[%multiple_of3A_355] : memref<4194304xf32, #tpu.memory_space<hbm>> -> memref<16384xf32, #tpu.memory_space<hbm>>
    tpu.enqueue_dma source(%dma_start3A_379 : memref<16384xf32, #tpu.memory_space<hbm>>) target(%dma_start3A_378 : memref<16384xf32, #tpu.memory_space<vmem>>) target_semaphore(%dma_start3A_375 : memref<!tpu.dma_semaphore, #tpu.memory_space<semaphore_mem>>)
    %dma_start3A_380 = arith.constant 0 : i32
    %dma_start3A_381 = arith.constant 0 : i32
    %dma_start3A_382 = arith.constant 0 : i32
    %dma_start3A_383 = tpu.memref_slice %arg8[%dma_start3A_380, %dma_start3A_382] : memref<2x16384xi32, #tpu.memory_space<vmem>> -> memref<1x16384xi32, #tpu.memory_space<vmem>>
    %dma_start3A_384 = tpu.memref_squeeze %dma_start3A_383 : memref<1x16384xi32, #tpu.memory_space<vmem>> -> memref<16384xi32, #tpu.memory_space<vmem>>
    %dma_start3A_385 = tpu.memref_slice %arg4[%multiple_of3A_355] : memref<4194304xi32, #tpu.memory_space<hbm>> -> memref<16384xi32, #tpu.memory_space<hbm>>
    %dma_start3A_386 = tpu.memref_slice %arg12[%dma_start3A_381] : memref<2x!tpu.dma_semaphore, #tpu.memory_space<semaphore_mem>> -> memref<1x!tpu.dma_semaphore, #tpu.memory_space<semaphore_mem>>
    %dma_start3A_387 = tpu.memref_squeeze %dma_start3A_386 : memref<1x!tpu.dma_semaphore, #tpu.memory_space<semaphore_mem>> -> memref<!tpu.dma_semaphore, #tpu.memory_space<semaphore_mem>>
    %dma_start3A_388 = arith.constant 0 : i32
    %dma_start3A_389 = tpu.memref_slice %arg8[%dma_start3A_380, %dma_start3A_388] : memref<2x16384xi32, #tpu.memory_space<vmem>> -> memref<1x16384xi32, #tpu.memory_space<vmem>>
    %dma_start3A_390 = tpu.memref_squeeze %dma_start3A_389 : memref<1x16384xi32, #tpu.memory_space<vmem>> -> memref<16384xi32, #tpu.memory_space<vmem>>
    %dma_start3A_391 = tpu.memref_slice %arg4[%multiple_of3A_355] : memref<4194304xi32, #tpu.memory_space<hbm>> -> memref<16384xi32, #tpu.memory_space<hbm>>
    tpu.enqueue_dma source(%dma_start3A_391 : memref<16384xi32, #tpu.memory_space<hbm>>) target(%dma_start3A_390 : memref<16384xi32, #tpu.memory_space<vmem>>) target_semaphore(%dma_start3A_387 : memref<!tpu.dma_semaphore, #tpu.memory_space<semaphore_mem>>)
    %add3A_392 = arith.constant 49152 : i32
    %add3A_393 = arith.addi %mul3A_2, %add3A_392 : i32
    %multiple_of3A_394 = tpu.assume_multiple %add3A_393, 16384 : i32
    %dma_wait3A_395 = arith.constant 1 : i32
    %dma_wait3A_396 = arith.constant 1 : i32
    %dma_wait3A_397 = arith.constant 0 : i32
    %dma_wait3A_398 = tpu.memref_slice %arg6[%dma_wait3A_395, %dma_wait3A_397] : memref<2x16384xf32, #tpu.memory_space<vmem>> -> memref<1x16384xf32, #tpu.memory_space<vmem>>
    %dma_wait3A_399 = tpu.memref_squeeze %dma_wait3A_398 : memref<1x16384xf32, #tpu.memory_space<vmem>> -> memref<16384xf32, #tpu.memory_space<vmem>>
    %dma_wait3A_400 = tpu.memref_slice %arg2[%multiple_of3A_394] : memref<4194304xf32, #tpu.memory_space<hbm>> -> memref<16384xf32, #tpu.memory_space<hbm>>
    %dma_wait3A_401 = tpu.memref_slice %arg10[%dma_wait3A_396] : memref<2x!tpu.dma_semaphore, #tpu.memory_space<semaphore_mem>> -> memref<1x!tpu.dma_semaphore, #tpu.memory_space<semaphore_mem>>
    %dma_wait3A_402 = tpu.memref_squeeze %dma_wait3A_401 : memref<1x!tpu.dma_semaphore, #tpu.memory_space<semaphore_mem>> -> memref<!tpu.dma_semaphore, #tpu.memory_space<semaphore_mem>>
    %dma_wait3A_403 = arith.constant 0 : i32
    %dma_wait3A_404 = tpu.memref_slice %arg6[%dma_wait3A_395, %dma_wait3A_403] : memref<2x16384xf32, #tpu.memory_space<vmem>> -> memref<1x16384xf32, #tpu.memory_space<vmem>>
    %dma_wait3A_405 = tpu.memref_squeeze %dma_wait3A_404 : memref<1x16384xf32, #tpu.memory_space<vmem>> -> memref<16384xf32, #tpu.memory_space<vmem>>
    %dma_wait3A_406 = tpu.memref_slice %arg2[%multiple_of3A_394] : memref<4194304xf32, #tpu.memory_space<hbm>> -> memref<16384xf32, #tpu.memory_space<hbm>>
    tpu.wait_dma2 semaphore(%dma_wait3A_402 : memref<!tpu.dma_semaphore, #tpu.memory_space<semaphore_mem>>) src(%dma_wait3A_406 : memref<16384xf32, #tpu.memory_space<hbm>>) dst(%dma_wait3A_405 : memref<16384xf32, #tpu.memory_space<vmem>>)
    %dma_wait3A_407 = arith.constant 1 : i32
    %dma_wait3A_408 = arith.constant 1 : i32
    %dma_wait3A_409 = arith.constant 0 : i32
    %dma_wait3A_410 = tpu.memref_slice %arg7[%dma_wait3A_407, %dma_wait3A_409] : memref<2x16384xf32, #tpu.memory_space<vmem>> -> memref<1x16384xf32, #tpu.memory_space<vmem>>
    %dma_wait3A_411 = tpu.memref_squeeze %dma_wait3A_410 : memref<1x16384xf32, #tpu.memory_space<vmem>> -> memref<16384xf32, #tpu.memory_space<vmem>>
    %dma_wait3A_412 = tpu.memref_slice %arg3[%multiple_of3A_394] : memref<4194304xf32, #tpu.memory_space<hbm>> -> memref<16384xf32, #tpu.memory_space<hbm>>
    %dma_wait3A_413 = tpu.memref_slice %arg11[%dma_wait3A_408] : memref<2x!tpu.dma_semaphore, #tpu.memory_space<semaphore_mem>> -> memref<1x!tpu.dma_semaphore, #tpu.memory_space<semaphore_mem>>
    %dma_wait3A_414 = tpu.memref_squeeze %dma_wait3A_413 : memref<1x!tpu.dma_semaphore, #tpu.memory_space<semaphore_mem>> -> memref<!tpu.dma_semaphore, #tpu.memory_space<semaphore_mem>>
    %dma_wait3A_415 = arith.constant 0 : i32
    %dma_wait3A_416 = tpu.memref_slice %arg7[%dma_wait3A_407, %dma_wait3A_415] : memref<2x16384xf32, #tpu.memory_space<vmem>> -> memref<1x16384xf32, #tpu.memory_space<vmem>>
    %dma_wait3A_417 = tpu.memref_squeeze %dma_wait3A_416 : memref<1x16384xf32, #tpu.memory_space<vmem>> -> memref<16384xf32, #tpu.memory_space<vmem>>
    %dma_wait3A_418 = tpu.memref_slice %arg3[%multiple_of3A_394] : memref<4194304xf32, #tpu.memory_space<hbm>> -> memref<16384xf32, #tpu.memory_space<hbm>>
    tpu.wait_dma2 semaphore(%dma_wait3A_414 : memref<!tpu.dma_semaphore, #tpu.memory_space<semaphore_mem>>) src(%dma_wait3A_418 : memref<16384xf32, #tpu.memory_space<hbm>>) dst(%dma_wait3A_417 : memref<16384xf32, #tpu.memory_space<vmem>>)
    %dma_wait3A_419 = arith.constant 1 : i32
    %dma_wait3A_420 = arith.constant 1 : i32
    %dma_wait3A_421 = arith.constant 0 : i32
    %dma_wait3A_422 = tpu.memref_slice %arg8[%dma_wait3A_419, %dma_wait3A_421] : memref<2x16384xi32, #tpu.memory_space<vmem>> -> memref<1x16384xi32, #tpu.memory_space<vmem>>
    %dma_wait3A_423 = tpu.memref_squeeze %dma_wait3A_422 : memref<1x16384xi32, #tpu.memory_space<vmem>> -> memref<16384xi32, #tpu.memory_space<vmem>>
    %dma_wait3A_424 = tpu.memref_slice %arg4[%multiple_of3A_394] : memref<4194304xi32, #tpu.memory_space<hbm>> -> memref<16384xi32, #tpu.memory_space<hbm>>
    %dma_wait3A_425 = tpu.memref_slice %arg12[%dma_wait3A_420] : memref<2x!tpu.dma_semaphore, #tpu.memory_space<semaphore_mem>> -> memref<1x!tpu.dma_semaphore, #tpu.memory_space<semaphore_mem>>
    %dma_wait3A_426 = tpu.memref_squeeze %dma_wait3A_425 : memref<1x!tpu.dma_semaphore, #tpu.memory_space<semaphore_mem>> -> memref<!tpu.dma_semaphore, #tpu.memory_space<semaphore_mem>>
    %dma_wait3A_427 = arith.constant 0 : i32
    %dma_wait3A_428 = tpu.memref_slice %arg8[%dma_wait3A_419, %dma_wait3A_427] : memref<2x16384xi32, #tpu.memory_space<vmem>> -> memref<1x16384xi32, #tpu.memory_space<vmem>>
    %dma_wait3A_429 = tpu.memref_squeeze %dma_wait3A_428 : memref<1x16384xi32, #tpu.memory_space<vmem>> -> memref<16384xi32, #tpu.memory_space<vmem>>
    %dma_wait3A_430 = tpu.memref_slice %arg4[%multiple_of3A_394] : memref<4194304xi32, #tpu.memory_space<hbm>> -> memref<16384xi32, #tpu.memory_space<hbm>>
    tpu.wait_dma2 semaphore(%dma_wait3A_426 : memref<!tpu.dma_semaphore, #tpu.memory_space<semaphore_mem>>) src(%dma_wait3A_430 : memref<16384xi32, #tpu.memory_space<hbm>>) dst(%dma_wait3A_429 : memref<16384xi32, #tpu.memory_space<vmem>>)
    %add3A_431 = arith.constant 16384 : i32
    %add3A_432 = arith.addi %mul3A_2, %add3A_431 : i32
    %multiple_of3A_433 = tpu.assume_multiple %add3A_432, 16384 : i32
    %dma_wait3A_434 = arith.constant 1 : i32
    %dma_wait3A_435 = arith.constant 1 : i32
    %dma_wait3A_436 = arith.constant 0 : i32
    %dma_wait3A_437 = tpu.memref_slice %arg9[%dma_wait3A_434, %dma_wait3A_436] : memref<2x16384xf32, #tpu.memory_space<vmem>> -> memref<1x16384xf32, #tpu.memory_space<vmem>>
    %dma_wait3A_438 = tpu.memref_squeeze %dma_wait3A_437 : memref<1x16384xf32, #tpu.memory_space<vmem>> -> memref<16384xf32, #tpu.memory_space<vmem>>
    %dma_wait3A_439 = tpu.memref_slice %arg5[%multiple_of3A_433] : memref<4194304xf32, #tpu.memory_space<hbm>> -> memref<16384xf32, #tpu.memory_space<hbm>>
    %dma_wait3A_440 = tpu.memref_slice %arg13[%dma_wait3A_435] : memref<2x!tpu.dma_semaphore, #tpu.memory_space<semaphore_mem>> -> memref<1x!tpu.dma_semaphore, #tpu.memory_space<semaphore_mem>>
    %dma_wait3A_441 = tpu.memref_squeeze %dma_wait3A_440 : memref<1x!tpu.dma_semaphore, #tpu.memory_space<semaphore_mem>> -> memref<!tpu.dma_semaphore, #tpu.memory_space<semaphore_mem>>
    %dma_wait3A_442 = tpu.memref_slice %arg5[%multiple_of3A_433] : memref<4194304xf32, #tpu.memory_space<hbm>> -> memref<16384xf32, #tpu.memory_space<hbm>>
    %dma_wait3A_443 = arith.constant 0 : i32
    %dma_wait3A_444 = tpu.memref_slice %arg9[%dma_wait3A_434, %dma_wait3A_443] : memref<2x16384xf32, #tpu.memory_space<vmem>> -> memref<1x16384xf32, #tpu.memory_space<vmem>>
    %dma_wait3A_445 = tpu.memref_squeeze %dma_wait3A_444 : memref<1x16384xf32, #tpu.memory_space<vmem>> -> memref<16384xf32, #tpu.memory_space<vmem>>
    tpu.wait_dma2 semaphore(%dma_wait3A_441 : memref<!tpu.dma_semaphore, #tpu.memory_space<semaphore_mem>>) src(%dma_wait3A_445 : memref<16384xf32, #tpu.memory_space<vmem>>) dst(%dma_wait3A_442 : memref<16384xf32, #tpu.memory_space<hbm>>)
    %parallel_loop3A_446 = arith.constant 0 : i32
    %parallel_loop3A_447 = arith.constant 16384 : i32
    %parallel_loop3A_448 = arith.constant 16 : i32
    %parallel_loop3A_449 = arith.constant 1 : i32
    %parallel_loop3A_450 = arith.constant 1 : i32
    %parallel_loop3A_451 = arith.constant 1 : i32
    %parallel_loop3A_452 = arith.constant 1 : i32
    scf.for %parallel_loop3A_919 = %parallel_loop3A_446 to %parallel_loop3A_447 step %parallel_loop3A_448  : i32 {
      %parallel_loop3A_920 = tpu.assume_multiple %parallel_loop3A_919, 16 : i32
      %parallel_loop3A_921 = arith.constant 0 : i32
      %parallel_loop3A_922 = tpu.memref_slice %arg6[%parallel_loop3A_449, %parallel_loop3A_921] : memref<2x16384xf32, #tpu.memory_space<vmem>> -> memref<1x16384xf32, #tpu.memory_space<vmem>>
      %parallel_loop3A_923 = tpu.memref_squeeze %parallel_loop3A_922 : memref<1x16384xf32, #tpu.memory_space<vmem>> -> memref<16384xf32, #tpu.memory_space<vmem>>
      %parallel_loop3A_924 = arith.index_cast %parallel_loop3A_920 : i32 to index
      %parallel_loop3A_925 = tpu.vector_load %parallel_loop3A_923[%parallel_loop3A_924] {strides = array<i32>} : memref<16384xf32, #tpu.memory_space<vmem>>, vector<16xf32>,
      %parallel_loop3A_926 = vector.shape_cast %parallel_loop3A_925 : vector<16xf32> to vector<16xf32>
      %parallel_loop3A_927 = arith.constant 0 : i32
      %parallel_loop3A_928 = tpu.memref_slice %arg7[%parallel_loop3A_450, %parallel_loop3A_927] : memref<2x16384xf32, #tpu.memory_space<vmem>> -> memref<1x16384xf32, #tpu.memory_space<vmem>>
      %parallel_loop3A_929 = tpu.memref_squeeze %parallel_loop3A_928 : memref<1x16384xf32, #tpu.memory_space<vmem>> -> memref<16384xf32, #tpu.memory_space<vmem>>
      %parallel_loop3A_930 = arith.index_cast %parallel_loop3A_920 : i32 to index
      %parallel_loop3A_931 = tpu.vector_load %parallel_loop3A_929[%parallel_loop3A_930] {strides = array<i32>} : memref<16384xf32, #tpu.memory_space<vmem>>, vector<16xf32>,
      %parallel_loop3A_932 = vector.shape_cast %parallel_loop3A_931 : vector<16xf32> to vector<16xf32>
      %parallel_loop3A_933 = arith.constant 0 : i32
      %parallel_loop3A_934 = tpu.memref_slice %arg8[%parallel_loop3A_451, %parallel_loop3A_933] : memref<2x16384xi32, #tpu.memory_space<vmem>> -> memref<1x16384xi32, #tpu.memory_space<vmem>>
      %parallel_loop3A_935 = tpu.memref_squeeze %parallel_loop3A_934 : memref<1x16384xi32, #tpu.memory_space<vmem>> -> memref<16384xi32, #tpu.memory_space<vmem>>
      %parallel_loop3A_936 = arith.index_cast %parallel_loop3A_920 : i32 to index
      %parallel_loop3A_937 = tpu.vector_load %parallel_loop3A_935[%parallel_loop3A_936] {strides = array<i32>} : memref<16384xi32, #tpu.memory_space<vmem>>, vector<16xi32>,
      %parallel_loop3A_938 = vector.shape_cast %parallel_loop3A_937 : vector<16xi32> to vector<16xi32>
      %parallel_loop3A_939 = arith.subf %parallel_loop3A_926, %parallel_loop3A_932 : vector<16xf32>
      %parallel_loop3A_940 = arith.constant 0 : i32
      %parallel_loop3A_941 = vector.broadcast %parallel_loop3A_940 : i32 to vector<16xi32>
      %parallel_loop3A_942 = arith.cmpi ne, %parallel_loop3A_938, %parallel_loop3A_941 : vector<16xi32>
      %parallel_loop3A_943 = arith.mulf %parallel_loop3A_939, %parallel_loop3A_939 : vector<16xf32>
      %parallel_loop3A_944 = arith.constant 0.000000e+00 : f32
      %parallel_loop3A_945 = vector.broadcast %parallel_loop3A_944 : f32 to vector<16xf32>
      %parallel_loop3A_946 = arith.select %parallel_loop3A_942, %parallel_loop3A_943, %parallel_loop3A_945 : vector<16xi1>, vector<16xf32>
      %parallel_loop3A_947 = arith.constant 0 : i32
      %parallel_loop3A_948 = tpu.memref_slice %arg9[%parallel_loop3A_452, %parallel_loop3A_947] : memref<2x16384xf32, #tpu.memory_space<vmem>> -> memref<1x16384xf32, #tpu.memory_space<vmem>>
      %parallel_loop3A_949 = tpu.memref_squeeze %parallel_loop3A_948 : memref<1x16384xf32, #tpu.memory_space<vmem>> -> memref<16384xf32, #tpu.memory_space<vmem>>
      %parallel_loop3A_950 = arith.index_cast %parallel_loop3A_920 : i32 to index
      %parallel_loop3A_951 = tpu.vector_load %parallel_loop3A_949[%parallel_loop3A_950] {strides = array<i32>} : memref<16384xf32, #tpu.memory_space<vmem>>, vector<16xf32>,
      %parallel_loop3A_952 = vector.shape_cast %parallel_loop3A_951 : vector<16xf32> to vector<16xf32>
      %parallel_loop3A_953 = vector.shape_cast %parallel_loop3A_946 : vector<16xf32> to vector<16xf32>
      tpu.vector_store %parallel_loop3A_949[%parallel_loop3A_950], %parallel_loop3A_953 {strides = array<i32>} : memref<16384xf32, #tpu.memory_space<vmem>>, vector<16xf32>,
    } {sc.loop_unroll_factor = 8 : i64, sc.parallel_access}
    %add3A_453 = arith.constant 49152 : i32
    %add3A_454 = arith.addi %mul3A_2, %add3A_453 : i32
    %multiple_of3A_455 = tpu.assume_multiple %add3A_454, 16384 : i32
    %dma_start3A_456 = arith.constant 1 : i32
    %dma_start3A_457 = arith.constant 1 : i32
    %dma_start3A_458 = arith.constant 0 : i32
    %dma_start3A_459 = tpu.memref_slice %arg9[%dma_start3A_456, %dma_start3A_458] : memref<2x16384xf32, #tpu.memory_space<vmem>> -> memref<1x16384xf32, #tpu.memory_space<vmem>>
    %dma_start3A_460 = tpu.memref_squeeze %dma_start3A_459 : memref<1x16384xf32, #tpu.memory_space<vmem>> -> memref<16384xf32, #tpu.memory_space<vmem>>
    %dma_start3A_461 = tpu.memref_slice %arg5[%multiple_of3A_455] : memref<4194304xf32, #tpu.memory_space<hbm>> -> memref<16384xf32, #tpu.memory_space<hbm>>
    %dma_start3A_462 = tpu.memref_slice %arg13[%dma_start3A_457] : memref<2x!tpu.dma_semaphore, #tpu.memory_space<semaphore_mem>> -> memref<1x!tpu.dma_semaphore, #tpu.memory_space<semaphore_mem>>
    %dma_start3A_463 = tpu.memref_squeeze %dma_start3A_462 : memref<1x!tpu.dma_semaphore, #tpu.memory_space<semaphore_mem>> -> memref<!tpu.dma_semaphore, #tpu.memory_space<semaphore_mem>>
    %dma_start3A_464 = tpu.memref_slice %arg5[%multiple_of3A_455] : memref<4194304xf32, #tpu.memory_space<hbm>> -> memref<16384xf32, #tpu.memory_space<hbm>>
    %dma_start3A_465 = arith.constant 0 : i32
    %dma_start3A_466 = tpu.memref_slice %arg9[%dma_start3A_456, %dma_start3A_465] : memref<2x16384xf32, #tpu.memory_space<vmem>> -> memref<1x16384xf32, #tpu.memory_space<vmem>>
    %dma_start3A_467 = tpu.memref_squeeze %dma_start3A_466 : memref<1x16384xf32, #tpu.memory_space<vmem>> -> memref<16384xf32, #tpu.memory_space<vmem>>
    tpu.enqueue_dma source(%dma_start3A_467 : memref<16384xf32, #tpu.memory_space<vmem>>) target(%dma_start3A_464 : memref<16384xf32, #tpu.memory_space<hbm>>) target_semaphore(%dma_start3A_463 : memref<!tpu.dma_semaphore, #tpu.memory_space<semaphore_mem>>)
    %add3A_468 = arith.constant 81920 : i32
    %add3A_469 = arith.addi %mul3A_2, %add3A_468 : i32
    %multiple_of3A_470 = tpu.assume_multiple %add3A_469, 16384 : i32
    %dma_start3A_471 = arith.constant 1 : i32
    %dma_start3A_472 = arith.constant 1 : i32
    %dma_start3A_473 = arith.constant 0 : i32
    %dma_start3A_474 = tpu.memref_slice %arg6[%dma_start3A_471, %dma_start3A_473] : memref<2x16384xf32, #tpu.memory_space<vmem>> -> memref<1x16384xf32, #tpu.memory_space<vmem>>
    %dma_start3A_475 = tpu.memref_squeeze %dma_start3A_474 : memref<1x16384xf32, #tpu.memory_space<vmem>> -> memref<16384xf32, #tpu.memory_space<vmem>>
    %dma_start3A_476 = tpu.memref_slice %arg2[%multiple_of3A_470] : memref<4194304xf32, #tpu.memory_space<hbm>> -> memref<16384xf32, #tpu.memory_space<hbm>>
    %dma_start3A_477 = tpu.memref_slice %arg10[%dma_start3A_472] : memref<2x!tpu.dma_semaphore, #tpu.memory_space<semaphore_mem>> -> memref<1x!tpu.dma_semaphore, #tpu.memory_space<semaphore_mem>>
    %dma_start3A_478 = tpu.memref_squeeze %dma_start3A_477 : memref<1x!tpu.dma_semaphore, #tpu.memory_space<semaphore_mem>> -> memref<!tpu.dma_semaphore, #tpu.memory_space<semaphore_mem>>
    %dma_start3A_479 = arith.constant 0 : i32
    %dma_start3A_480 = tpu.memref_slice %arg6[%dma_start3A_471, %dma_start3A_479] : memref<2x16384xf32, #tpu.memory_space<vmem>> -> memref<1x16384xf32, #tpu.memory_space<vmem>>
    %dma_start3A_481 = tpu.memref_squeeze %dma_start3A_480 : memref<1x16384xf32, #tpu.memory_space<vmem>> -> memref<16384xf32, #tpu.memory_space<vmem>>
    %dma_start3A_482 = tpu.memref_slice %arg2[%multiple_of3A_470] : memref<4194304xf32, #tpu.memory_space<hbm>> -> memref<16384xf32, #tpu.memory_space<hbm>>
    tpu.enqueue_dma source(%dma_start3A_482 : memref<16384xf32, #tpu.memory_space<hbm>>) target(%dma_start3A_481 : memref<16384xf32, #tpu.memory_space<vmem>>) target_semaphore(%dma_start3A_478 : memref<!tpu.dma_semaphore, #tpu.memory_space<semaphore_mem>>)
    %dma_start3A_483 = arith.constant 1 : i32
    %dma_start3A_484 = arith.constant 1 : i32
    %dma_start3A_485 = arith.constant 0 : i32
    %dma_start3A_486 = tpu.memref_slice %arg7[%dma_start3A_483, %dma_start3A_485] : memref<2x16384xf32, #tpu.memory_space<vmem>> -> memref<1x16384xf32, #tpu.memory_space<vmem>>
    %dma_start3A_487 = tpu.memref_squeeze %dma_start3A_486 : memref<1x16384xf32, #tpu.memory_space<vmem>> -> memref<16384xf32, #tpu.memory_space<vmem>>
    %dma_start3A_488 = tpu.memref_slice %arg3[%multiple_of3A_470] : memref<4194304xf32, #tpu.memory_space<hbm>> -> memref<16384xf32, #tpu.memory_space<hbm>>
    %dma_start3A_489 = tpu.memref_slice %arg11[%dma_start3A_484] : memref<2x!tpu.dma_semaphore, #tpu.memory_space<semaphore_mem>> -> memref<1x!tpu.dma_semaphore, #tpu.memory_space<semaphore_mem>>
    %dma_start3A_490 = tpu.memref_squeeze %dma_start3A_489 : memref<1x!tpu.dma_semaphore, #tpu.memory_space<semaphore_mem>> -> memref<!tpu.dma_semaphore, #tpu.memory_space<semaphore_mem>>
    %dma_start3A_491 = arith.constant 0 : i32
    %dma_start3A_492 = tpu.memref_slice %arg7[%dma_start3A_483, %dma_start3A_491] : memref<2x16384xf32, #tpu.memory_space<vmem>> -> memref<1x16384xf32, #tpu.memory_space<vmem>>
    %dma_start3A_493 = tpu.memref_squeeze %dma_start3A_492 : memref<1x16384xf32, #tpu.memory_space<vmem>> -> memref<16384xf32, #tpu.memory_space<vmem>>
    %dma_start3A_494 = tpu.memref_slice %arg3[%multiple_of3A_470] : memref<4194304xf32, #tpu.memory_space<hbm>> -> memref<16384xf32, #tpu.memory_space<hbm>>
    tpu.enqueue_dma source(%dma_start3A_494 : memref<16384xf32, #tpu.memory_space<hbm>>) target(%dma_start3A_493 : memref<16384xf32, #tpu.memory_space<vmem>>) target_semaphore(%dma_start3A_490 : memref<!tpu.dma_semaphore, #tpu.memory_space<semaphore_mem>>)
    %dma_start3A_495 = arith.constant 1 : i32
    %dma_start3A_496 = arith.constant 1 : i32
    %dma_start3A_497 = arith.constant 0 : i32
    %dma_start3A_498 = tpu.memref_slice %arg8[%dma_start3A_495, %dma_start3A_497] : memref<2x16384xi32, #tpu.memory_space<vmem>> -> memref<1x16384xi32, #tpu.memory_space<vmem>>
    %dma_start3A_499 = tpu.memref_squeeze %dma_start3A_498 : memref<1x16384xi32, #tpu.memory_space<vmem>> -> memref<16384xi32, #tpu.memory_space<vmem>>
    %dma_start3A_500 = tpu.memref_slice %arg4[%multiple_of3A_470] : memref<4194304xi32, #tpu.memory_space<hbm>> -> memref<16384xi32, #tpu.memory_space<hbm>>
    %dma_start3A_501 = tpu.memref_slice %arg12[%dma_start3A_496] : memref<2x!tpu.dma_semaphore, #tpu.memory_space<semaphore_mem>> -> memref<1x!tpu.dma_semaphore, #tpu.memory_space<semaphore_mem>>
    %dma_start3A_502 = tpu.memref_squeeze %dma_start3A_501 : memref<1x!tpu.dma_semaphore, #tpu.memory_space<semaphore_mem>> -> memref<!tpu.dma_semaphore, #tpu.memory_space<semaphore_mem>>
    %dma_start3A_503 = arith.constant 0 : i32
    %dma_start3A_504 = tpu.memref_slice %arg8[%dma_start3A_495, %dma_start3A_503] : memref<2x16384xi32, #tpu.memory_space<vmem>> -> memref<1x16384xi32, #tpu.memory_space<vmem>>
    %dma_start3A_505 = tpu.memref_squeeze %dma_start3A_504 : memref<1x16384xi32, #tpu.memory_space<vmem>> -> memref<16384xi32, #tpu.memory_space<vmem>>
    %dma_start3A_506 = tpu.memref_slice %arg4[%multiple_of3A_470] : memref<4194304xi32, #tpu.memory_space<hbm>> -> memref<16384xi32, #tpu.memory_space<hbm>>
    tpu.enqueue_dma source(%dma_start3A_506 : memref<16384xi32, #tpu.memory_space<hbm>>) target(%dma_start3A_505 : memref<16384xi32, #tpu.memory_space<vmem>>) target_semaphore(%dma_start3A_502 : memref<!tpu.dma_semaphore, #tpu.memory_space<semaphore_mem>>)
    %add3A_507 = arith.constant 65536 : i32
    %add3A_508 = arith.addi %mul3A_2, %add3A_507 : i32
    %multiple_of3A_509 = tpu.assume_multiple %add3A_508, 16384 : i32
    %dma_wait3A_510 = arith.constant 0 : i32
    %dma_wait3A_511 = arith.constant 0 : i32
    %dma_wait3A_512 = arith.constant 0 : i32
    %dma_wait3A_513 = tpu.memref_slice %arg6[%dma_wait3A_510, %dma_wait3A_512] : memref<2x16384xf32, #tpu.memory_space<vmem>> -> memref<1x16384xf32, #tpu.memory_space<vmem>>
    %dma_wait3A_514 = tpu.memref_squeeze %dma_wait3A_513 : memref<1x16384xf32, #tpu.memory_space<vmem>> -> memref<16384xf32, #tpu.memory_space<vmem>>
    %dma_wait3A_515 = tpu.memref_slice %arg2[%multiple_of3A_509] : memref<4194304xf32, #tpu.memory_space<hbm>> -> memref<16384xf32, #tpu.memory_space<hbm>>
    %dma_wait3A_516 = tpu.memref_slice %arg10[%dma_wait3A_511] : memref<2x!tpu.dma_semaphore, #tpu.memory_space<semaphore_mem>> -> memref<1x!tpu.dma_semaphore, #tpu.memory_space<semaphore_mem>>
    %dma_wait3A_517 = tpu.memref_squeeze %dma_wait3A_516 : memref<1x!tpu.dma_semaphore, #tpu.memory_space<semaphore_mem>> -> memref<!tpu.dma_semaphore, #tpu.memory_space<semaphore_mem>>
    %dma_wait3A_518 = arith.constant 0 : i32
    %dma_wait3A_519 = tpu.memref_slice %arg6[%dma_wait3A_510, %dma_wait3A_518] : memref<2x16384xf32, #tpu.memory_space<vmem>> -> memref<1x16384xf32, #tpu.memory_space<vmem>>
    %dma_wait3A_520 = tpu.memref_squeeze %dma_wait3A_519 : memref<1x16384xf32, #tpu.memory_space<vmem>> -> memref<16384xf32, #tpu.memory_space<vmem>>
    %dma_wait3A_521 = tpu.memref_slice %arg2[%multiple_of3A_509] : memref<4194304xf32, #tpu.memory_space<hbm>> -> memref<16384xf32, #tpu.memory_space<hbm>>
    tpu.wait_dma2 semaphore(%dma_wait3A_517 : memref<!tpu.dma_semaphore, #tpu.memory_space<semaphore_mem>>) src(%dma_wait3A_521 : memref<16384xf32, #tpu.memory_space<hbm>>) dst(%dma_wait3A_520 : memref<16384xf32, #tpu.memory_space<vmem>>)
    %dma_wait3A_522 = arith.constant 0 : i32
    %dma_wait3A_523 = arith.constant 0 : i32
    %dma_wait3A_524 = arith.constant 0 : i32
    %dma_wait3A_525 = tpu.memref_slice %arg7[%dma_wait3A_522, %dma_wait3A_524] : memref<2x16384xf32, #tpu.memory_space<vmem>> -> memref<1x16384xf32, #tpu.memory_space<vmem>>
    %dma_wait3A_526 = tpu.memref_squeeze %dma_wait3A_525 : memref<1x16384xf32, #tpu.memory_space<vmem>> -> memref<16384xf32, #tpu.memory_space<vmem>>
    %dma_wait3A_527 = tpu.memref_slice %arg3[%multiple_of3A_509] : memref<4194304xf32, #tpu.memory_space<hbm>> -> memref<16384xf32, #tpu.memory_space<hbm>>
    %dma_wait3A_528 = tpu.memref_slice %arg11[%dma_wait3A_523] : memref<2x!tpu.dma_semaphore, #tpu.memory_space<semaphore_mem>> -> memref<1x!tpu.dma_semaphore, #tpu.memory_space<semaphore_mem>>
    %dma_wait3A_529 = tpu.memref_squeeze %dma_wait3A_528 : memref<1x!tpu.dma_semaphore, #tpu.memory_space<semaphore_mem>> -> memref<!tpu.dma_semaphore, #tpu.memory_space<semaphore_mem>>
    %dma_wait3A_530 = arith.constant 0 : i32
    %dma_wait3A_531 = tpu.memref_slice %arg7[%dma_wait3A_522, %dma_wait3A_530] : memref<2x16384xf32, #tpu.memory_space<vmem>> -> memref<1x16384xf32, #tpu.memory_space<vmem>>
    %dma_wait3A_532 = tpu.memref_squeeze %dma_wait3A_531 : memref<1x16384xf32, #tpu.memory_space<vmem>> -> memref<16384xf32, #tpu.memory_space<vmem>>
    %dma_wait3A_533 = tpu.memref_slice %arg3[%multiple_of3A_509] : memref<4194304xf32, #tpu.memory_space<hbm>> -> memref<16384xf32, #tpu.memory_space<hbm>>
    tpu.wait_dma2 semaphore(%dma_wait3A_529 : memref<!tpu.dma_semaphore, #tpu.memory_space<semaphore_mem>>) src(%dma_wait3A_533 : memref<16384xf32, #tpu.memory_space<hbm>>) dst(%dma_wait3A_532 : memref<16384xf32, #tpu.memory_space<vmem>>)
    %dma_wait3A_534 = arith.constant 0 : i32
    %dma_wait3A_535 = arith.constant 0 : i32
    %dma_wait3A_536 = arith.constant 0 : i32
    %dma_wait3A_537 = tpu.memref_slice %arg8[%dma_wait3A_534, %dma_wait3A_536] : memref<2x16384xi32, #tpu.memory_space<vmem>> -> memref<1x16384xi32, #tpu.memory_space<vmem>>
    %dma_wait3A_538 = tpu.memref_squeeze %dma_wait3A_537 : memref<1x16384xi32, #tpu.memory_space<vmem>> -> memref<16384xi32, #tpu.memory_space<vmem>>
    %dma_wait3A_539 = tpu.memref_slice %arg4[%multiple_of3A_509] : memref<4194304xi32, #tpu.memory_space<hbm>> -> memref<16384xi32, #tpu.memory_space<hbm>>
    %dma_wait3A_540 = tpu.memref_slice %arg12[%dma_wait3A_535] : memref<2x!tpu.dma_semaphore, #tpu.memory_space<semaphore_mem>> -> memref<1x!tpu.dma_semaphore, #tpu.memory_space<semaphore_mem>>
    %dma_wait3A_541 = tpu.memref_squeeze %dma_wait3A_540 : memref<1x!tpu.dma_semaphore, #tpu.memory_space<semaphore_mem>> -> memref<!tpu.dma_semaphore, #tpu.memory_space<semaphore_mem>>
    %dma_wait3A_542 = arith.constant 0 : i32
    %dma_wait3A_543 = tpu.memref_slice %arg8[%dma_wait3A_534, %dma_wait3A_542] : memref<2x16384xi32, #tpu.memory_space<vmem>> -> memref<1x16384xi32, #tpu.memory_space<vmem>>
    %dma_wait3A_544 = tpu.memref_squeeze %dma_wait3A_543 : memref<1x16384xi32, #tpu.memory_space<vmem>> -> memref<16384xi32, #tpu.memory_space<vmem>>
    %dma_wait3A_545 = tpu.memref_slice %arg4[%multiple_of3A_509] : memref<4194304xi32, #tpu.memory_space<hbm>> -> memref<16384xi32, #tpu.memory_space<hbm>>
    tpu.wait_dma2 semaphore(%dma_wait3A_541 : memref<!tpu.dma_semaphore, #tpu.memory_space<semaphore_mem>>) src(%dma_wait3A_545 : memref<16384xi32, #tpu.memory_space<hbm>>) dst(%dma_wait3A_544 : memref<16384xi32, #tpu.memory_space<vmem>>)
    %add3A_546 = arith.constant 32768 : i32
    %add3A_547 = arith.addi %mul3A_2, %add3A_546 : i32
    %multiple_of3A_548 = tpu.assume_multiple %add3A_547, 16384 : i32
    %dma_wait3A_549 = arith.constant 0 : i32
    %dma_wait3A_550 = arith.constant 0 : i32
    %dma_wait3A_551 = arith.constant 0 : i32
    %dma_wait3A_552 = tpu.memref_slice %arg9[%dma_wait3A_549, %dma_wait3A_551] : memref<2x16384xf32, #tpu.memory_space<vmem>> -> memref<1x16384xf32, #tpu.memory_space<vmem>>
    %dma_wait3A_553 = tpu.memref_squeeze %dma_wait3A_552 : memref<1x16384xf32, #tpu.memory_space<vmem>> -> memref<16384xf32, #tpu.memory_space<vmem>>
    %dma_wait3A_554 = tpu.memref_slice %arg5[%multiple_of3A_548] : memref<4194304xf32, #tpu.memory_space<hbm>> -> memref<16384xf32, #tpu.memory_space<hbm>>
    %dma_wait3A_555 = tpu.memref_slice %arg13[%dma_wait3A_550] : memref<2x!tpu.dma_semaphore, #tpu.memory_space<semaphore_mem>> -> memref<1x!tpu.dma_semaphore, #tpu.memory_space<semaphore_mem>>
    %dma_wait3A_556 = tpu.memref_squeeze %dma_wait3A_555 : memref<1x!tpu.dma_semaphore, #tpu.memory_space<semaphore_mem>> -> memref<!tpu.dma_semaphore, #tpu.memory_space<semaphore_mem>>
    %dma_wait3A_557 = tpu.memref_slice %arg5[%multiple_of3A_548] : memref<4194304xf32, #tpu.memory_space<hbm>> -> memref<16384xf32, #tpu.memory_space<hbm>>
    %dma_wait3A_558 = arith.constant 0 : i32
    %dma_wait3A_559 = tpu.memref_slice %arg9[%dma_wait3A_549, %dma_wait3A_558] : memref<2x16384xf32, #tpu.memory_space<vmem>> -> memref<1x16384xf32, #tpu.memory_space<vmem>>
    %dma_wait3A_560 = tpu.memref_squeeze %dma_wait3A_559 : memref<1x16384xf32, #tpu.memory_space<vmem>> -> memref<16384xf32, #tpu.memory_space<vmem>>
    tpu.wait_dma2 semaphore(%dma_wait3A_556 : memref<!tpu.dma_semaphore, #tpu.memory_space<semaphore_mem>>) src(%dma_wait3A_560 : memref<16384xf32, #tpu.memory_space<vmem>>) dst(%dma_wait3A_557 : memref<16384xf32, #tpu.memory_space<hbm>>)
    %parallel_loop3A_561 = arith.constant 0 : i32
    %parallel_loop3A_562 = arith.constant 16384 : i32
    %parallel_loop3A_563 = arith.constant 16 : i32
    %parallel_loop3A_564 = arith.constant 0 : i32
    %parallel_loop3A_565 = arith.constant 0 : i32
    %parallel_loop3A_566 = arith.constant 0 : i32
    %parallel_loop3A_567 = arith.constant 0 : i32
    scf.for %parallel_loop3A_919 = %parallel_loop3A_561 to %parallel_loop3A_562 step %parallel_loop3A_563  : i32 {
      %parallel_loop3A_920 = tpu.assume_multiple %parallel_loop3A_919, 16 : i32
      %parallel_loop3A_921 = arith.constant 0 : i32
      %parallel_loop3A_922 = tpu.memref_slice %arg6[%parallel_loop3A_564, %parallel_loop3A_921] : memref<2x16384xf32, #tpu.memory_space<vmem>> -> memref<1x16384xf32, #tpu.memory_space<vmem>>
      %parallel_loop3A_923 = tpu.memref_squeeze %parallel_loop3A_922 : memref<1x16384xf32, #tpu.memory_space<vmem>> -> memref<16384xf32, #tpu.memory_space<vmem>>
      %parallel_loop3A_924 = arith.index_cast %parallel_loop3A_920 : i32 to index
      %parallel_loop3A_925 = tpu.vector_load %parallel_loop3A_923[%parallel_loop3A_924] {strides = array<i32>} : memref<16384xf32, #tpu.memory_space<vmem>>, vector<16xf32>,
      %parallel_loop3A_926 = vector.shape_cast %parallel_loop3A_925 : vector<16xf32> to vector<16xf32>
      %parallel_loop3A_927 = arith.constant 0 : i32
      %parallel_loop3A_928 = tpu.memref_slice %arg7[%parallel_loop3A_565, %parallel_loop3A_927] : memref<2x16384xf32, #tpu.memory_space<vmem>> -> memref<1x16384xf32, #tpu.memory_space<vmem>>
      %parallel_loop3A_929 = tpu.memref_squeeze %parallel_loop3A_928 : memref<1x16384xf32, #tpu.memory_space<vmem>> -> memref<16384xf32, #tpu.memory_space<vmem>>
      %parallel_loop3A_930 = arith.index_cast %parallel_loop3A_920 : i32 to index
      %parallel_loop3A_931 = tpu.vector_load %parallel_loop3A_929[%parallel_loop3A_930] {strides = array<i32>} : memref<16384xf32, #tpu.memory_space<vmem>>, vector<16xf32>,
      %parallel_loop3A_932 = vector.shape_cast %parallel_loop3A_931 : vector<16xf32> to vector<16xf32>
      %parallel_loop3A_933 = arith.constant 0 : i32
      %parallel_loop3A_934 = tpu.memref_slice %arg8[%parallel_loop3A_566, %parallel_loop3A_933] : memref<2x16384xi32, #tpu.memory_space<vmem>> -> memref<1x16384xi32, #tpu.memory_space<vmem>>
      %parallel_loop3A_935 = tpu.memref_squeeze %parallel_loop3A_934 : memref<1x16384xi32, #tpu.memory_space<vmem>> -> memref<16384xi32, #tpu.memory_space<vmem>>
      %parallel_loop3A_936 = arith.index_cast %parallel_loop3A_920 : i32 to index
      %parallel_loop3A_937 = tpu.vector_load %parallel_loop3A_935[%parallel_loop3A_936] {strides = array<i32>} : memref<16384xi32, #tpu.memory_space<vmem>>, vector<16xi32>,
      %parallel_loop3A_938 = vector.shape_cast %parallel_loop3A_937 : vector<16xi32> to vector<16xi32>
      %parallel_loop3A_939 = arith.subf %parallel_loop3A_926, %parallel_loop3A_932 : vector<16xf32>
      %parallel_loop3A_940 = arith.constant 0 : i32
      %parallel_loop3A_941 = vector.broadcast %parallel_loop3A_940 : i32 to vector<16xi32>
      %parallel_loop3A_942 = arith.cmpi ne, %parallel_loop3A_938, %parallel_loop3A_941 : vector<16xi32>
      %parallel_loop3A_943 = arith.mulf %parallel_loop3A_939, %parallel_loop3A_939 : vector<16xf32>
      %parallel_loop3A_944 = arith.constant 0.000000e+00 : f32
      %parallel_loop3A_945 = vector.broadcast %parallel_loop3A_944 : f32 to vector<16xf32>
      %parallel_loop3A_946 = arith.select %parallel_loop3A_942, %parallel_loop3A_943, %parallel_loop3A_945 : vector<16xi1>, vector<16xf32>
      %parallel_loop3A_947 = arith.constant 0 : i32
      %parallel_loop3A_948 = tpu.memref_slice %arg9[%parallel_loop3A_567, %parallel_loop3A_947] : memref<2x16384xf32, #tpu.memory_space<vmem>> -> memref<1x16384xf32, #tpu.memory_space<vmem>>
      %parallel_loop3A_949 = tpu.memref_squeeze %parallel_loop3A_948 : memref<1x16384xf32, #tpu.memory_space<vmem>> -> memref<16384xf32, #tpu.memory_space<vmem>>
      %parallel_loop3A_950 = arith.index_cast %parallel_loop3A_920 : i32 to index
      %parallel_loop3A_951 = tpu.vector_load %parallel_loop3A_949[%parallel_loop3A_950] {strides = array<i32>} : memref<16384xf32, #tpu.memory_space<vmem>>, vector<16xf32>,
      %parallel_loop3A_952 = vector.shape_cast %parallel_loop3A_951 : vector<16xf32> to vector<16xf32>
      %parallel_loop3A_953 = vector.shape_cast %parallel_loop3A_946 : vector<16xf32> to vector<16xf32>
      tpu.vector_store %parallel_loop3A_949[%parallel_loop3A_950], %parallel_loop3A_953 {strides = array<i32>} : memref<16384xf32, #tpu.memory_space<vmem>>, vector<16xf32>,
    } {sc.loop_unroll_factor = 8 : i64, sc.parallel_access}
    %add3A_568 = arith.constant 65536 : i32
    %add3A_569 = arith.addi %mul3A_2, %add3A_568 : i32
    %multiple_of3A_570 = tpu.assume_multiple %add3A_569, 16384 : i32
    %dma_start3A_571 = arith.constant 0 : i32
    %dma_start3A_572 = arith.constant 0 : i32
    %dma_start3A_573 = arith.constant 0 : i32
    %dma_start3A_574 = tpu.memref_slice %arg9[%dma_start3A_571, %dma_start3A_573] : memref<2x16384xf32, #tpu.memory_space<vmem>> -> memref<1x16384xf32, #tpu.memory_space<vmem>>
    %dma_start3A_575 = tpu.memref_squeeze %dma_start3A_574 : memref<1x16384xf32, #tpu.memory_space<vmem>> -> memref<16384xf32, #tpu.memory_space<vmem>>
    %dma_start3A_576 = tpu.memref_slice %arg5[%multiple_of3A_570] : memref<4194304xf32, #tpu.memory_space<hbm>> -> memref<16384xf32, #tpu.memory_space<hbm>>
    %dma_start3A_577 = tpu.memref_slice %arg13[%dma_start3A_572] : memref<2x!tpu.dma_semaphore, #tpu.memory_space<semaphore_mem>> -> memref<1x!tpu.dma_semaphore, #tpu.memory_space<semaphore_mem>>
    %dma_start3A_578 = tpu.memref_squeeze %dma_start3A_577 : memref<1x!tpu.dma_semaphore, #tpu.memory_space<semaphore_mem>> -> memref<!tpu.dma_semaphore, #tpu.memory_space<semaphore_mem>>
    %dma_start3A_579 = tpu.memref_slice %arg5[%multiple_of3A_570] : memref<4194304xf32, #tpu.memory_space<hbm>> -> memref<16384xf32, #tpu.memory_space<hbm>>
    %dma_start3A_580 = arith.constant 0 : i32
    %dma_start3A_581 = tpu.memref_slice %arg9[%dma_start3A_571, %dma_start3A_580] : memref<2x16384xf32, #tpu.memory_space<vmem>> -> memref<1x16384xf32, #tpu.memory_space<vmem>>
    %dma_start3A_582 = tpu.memref_squeeze %dma_start3A_581 : memref<1x16384xf32, #tpu.memory_space<vmem>> -> memref<16384xf32, #tpu.memory_space<vmem>>
    tpu.enqueue_dma source(%dma_start3A_582 : memref<16384xf32, #tpu.memory_space<vmem>>) target(%dma_start3A_579 : memref<16384xf32, #tpu.memory_space<hbm>>) target_semaphore(%dma_start3A_578 : memref<!tpu.dma_semaphore, #tpu.memory_space<semaphore_mem>>)
    %add3A_583 = arith.constant 98304 : i32
    %add3A_584 = arith.addi %mul3A_2, %add3A_583 : i32
    %multiple_of3A_585 = tpu.assume_multiple %add3A_584, 16384 : i32
    %dma_start3A_586 = arith.constant 0 : i32
    %dma_start3A_587 = arith.constant 0 : i32
    %dma_start3A_588 = arith.constant 0 : i32
    %dma_start3A_589 = tpu.memref_slice %arg6[%dma_start3A_586, %dma_start3A_588] : memref<2x16384xf32, #tpu.memory_space<vmem>> -> memref<1x16384xf32, #tpu.memory_space<vmem>>
    %dma_start3A_590 = tpu.memref_squeeze %dma_start3A_589 : memref<1x16384xf32, #tpu.memory_space<vmem>> -> memref<16384xf32, #tpu.memory_space<vmem>>
    %dma_start3A_591 = tpu.memref_slice %arg2[%multiple_of3A_585] : memref<4194304xf32, #tpu.memory_space<hbm>> -> memref<16384xf32, #tpu.memory_space<hbm>>
    %dma_start3A_592 = tpu.memref_slice %arg10[%dma_start3A_587] : memref<2x!tpu.dma_semaphore, #tpu.memory_space<semaphore_mem>> -> memref<1x!tpu.dma_semaphore, #tpu.memory_space<semaphore_mem>>
    %dma_start3A_593 = tpu.memref_squeeze %dma_start3A_592 : memref<1x!tpu.dma_semaphore, #tpu.memory_space<semaphore_mem>> -> memref<!tpu.dma_semaphore, #tpu.memory_space<semaphore_mem>>
    %dma_start3A_594 = arith.constant 0 : i32
    %dma_start3A_595 = tpu.memref_slice %arg6[%dma_start3A_586, %dma_start3A_594] : memref<2x16384xf32, #tpu.memory_space<vmem>> -> memref<1x16384xf32, #tpu.memory_space<vmem>>
    %dma_start3A_596 = tpu.memref_squeeze %dma_start3A_595 : memref<1x16384xf32, #tpu.memory_space<vmem>> -> memref<16384xf32, #tpu.memory_space<vmem>>
    %dma_start3A_597 = tpu.memref_slice %arg2[%multiple_of3A_585] : memref<4194304xf32, #tpu.memory_space<hbm>> -> memref<16384xf32, #tpu.memory_space<hbm>>
    tpu.enqueue_dma source(%dma_start3A_597 : memref<16384xf32, #tpu.memory_space<hbm>>) target(%dma_start3A_596 : memref<16384xf32, #tpu.memory_space<vmem>>) target_semaphore(%dma_start3A_593 : memref<!tpu.dma_semaphore, #tpu.memory_space<semaphore_mem>>)
    %dma_start3A_598 = arith.constant 0 : i32
    %dma_start3A_599 = arith.constant 0 : i32
    %dma_start3A_600 = arith.constant 0 : i32
    %dma_start3A_601 = tpu.memref_slice %arg7[%dma_start3A_598, %dma_start3A_600] : memref<2x16384xf32, #tpu.memory_space<vmem>> -> memref<1x16384xf32, #tpu.memory_space<vmem>>
    %dma_start3A_602 = tpu.memref_squeeze %dma_start3A_601 : memref<1x16384xf32, #tpu.memory_space<vmem>> -> memref<16384xf32, #tpu.memory_space<vmem>>
    %dma_start3A_603 = tpu.memref_slice %arg3[%multiple_of3A_585] : memref<4194304xf32, #tpu.memory_space<hbm>> -> memref<16384xf32, #tpu.memory_space<hbm>>
    %dma_start3A_604 = tpu.memref_slice %arg11[%dma_start3A_599] : memref<2x!tpu.dma_semaphore, #tpu.memory_space<semaphore_mem>> -> memref<1x!tpu.dma_semaphore, #tpu.memory_space<semaphore_mem>>
    %dma_start3A_605 = tpu.memref_squeeze %dma_start3A_604 : memref<1x!tpu.dma_semaphore, #tpu.memory_space<semaphore_mem>> -> memref<!tpu.dma_semaphore, #tpu.memory_space<semaphore_mem>>
    %dma_start3A_606 = arith.constant 0 : i32
    %dma_start3A_607 = tpu.memref_slice %arg7[%dma_start3A_598, %dma_start3A_606] : memref<2x16384xf32, #tpu.memory_space<vmem>> -> memref<1x16384xf32, #tpu.memory_space<vmem>>
    %dma_start3A_608 = tpu.memref_squeeze %dma_start3A_607 : memref<1x16384xf32, #tpu.memory_space<vmem>> -> memref<16384xf32, #tpu.memory_space<vmem>>
    %dma_start3A_609 = tpu.memref_slice %arg3[%multiple_of3A_585] : memref<4194304xf32, #tpu.memory_space<hbm>> -> memref<16384xf32, #tpu.memory_space<hbm>>
    tpu.enqueue_dma source(%dma_start3A_609 : memref<16384xf32, #tpu.memory_space<hbm>>) target(%dma_start3A_608 : memref<16384xf32, #tpu.memory_space<vmem>>) target_semaphore(%dma_start3A_605 : memref<!tpu.dma_semaphore, #tpu.memory_space<semaphore_mem>>)
    %dma_start3A_610 = arith.constant 0 : i32
    %dma_start3A_611 = arith.constant 0 : i32
    %dma_start3A_612 = arith.constant 0 : i32
    %dma_start3A_613 = tpu.memref_slice %arg8[%dma_start3A_610, %dma_start3A_612] : memref<2x16384xi32, #tpu.memory_space<vmem>> -> memref<1x16384xi32, #tpu.memory_space<vmem>>
    %dma_start3A_614 = tpu.memref_squeeze %dma_start3A_613 : memref<1x16384xi32, #tpu.memory_space<vmem>> -> memref<16384xi32, #tpu.memory_space<vmem>>
    %dma_start3A_615 = tpu.memref_slice %arg4[%multiple_of3A_585] : memref<4194304xi32, #tpu.memory_space<hbm>> -> memref<16384xi32, #tpu.memory_space<hbm>>
    %dma_start3A_616 = tpu.memref_slice %arg12[%dma_start3A_611] : memref<2x!tpu.dma_semaphore, #tpu.memory_space<semaphore_mem>> -> memref<1x!tpu.dma_semaphore, #tpu.memory_space<semaphore_mem>>
    %dma_start3A_617 = tpu.memref_squeeze %dma_start3A_616 : memref<1x!tpu.dma_semaphore, #tpu.memory_space<semaphore_mem>> -> memref<!tpu.dma_semaphore, #tpu.memory_space<semaphore_mem>>
    %dma_start3A_618 = arith.constant 0 : i32
    %dma_start3A_619 = tpu.memref_slice %arg8[%dma_start3A_610, %dma_start3A_618] : memref<2x16384xi32, #tpu.memory_space<vmem>> -> memref<1x16384xi32, #tpu.memory_space<vmem>>
    %dma_start3A_620 = tpu.memref_squeeze %dma_start3A_619 : memref<1x16384xi32, #tpu.memory_space<vmem>> -> memref<16384xi32, #tpu.memory_space<vmem>>
    %dma_start3A_621 = tpu.memref_slice %arg4[%multiple_of3A_585] : memref<4194304xi32, #tpu.memory_space<hbm>> -> memref<16384xi32, #tpu.memory_space<hbm>>
    tpu.enqueue_dma source(%dma_start3A_621 : memref<16384xi32, #tpu.memory_space<hbm>>) target(%dma_start3A_620 : memref<16384xi32, #tpu.memory_space<vmem>>) target_semaphore(%dma_start3A_617 : memref<!tpu.dma_semaphore, #tpu.memory_space<semaphore_mem>>)
    %add3A_622 = arith.constant 81920 : i32
    %add3A_623 = arith.addi %mul3A_2, %add3A_622 : i32
    %multiple_of3A_624 = tpu.assume_multiple %add3A_623, 16384 : i32
    %dma_wait3A_625 = arith.constant 1 : i32
    %dma_wait3A_626 = arith.constant 1 : i32
    %dma_wait3A_627 = arith.constant 0 : i32
    %dma_wait3A_628 = tpu.memref_slice %arg6[%dma_wait3A_625, %dma_wait3A_627] : memref<2x16384xf32, #tpu.memory_space<vmem>> -> memref<1x16384xf32, #tpu.memory_space<vmem>>
    %dma_wait3A_629 = tpu.memref_squeeze %dma_wait3A_628 : memref<1x16384xf32, #tpu.memory_space<vmem>> -> memref<16384xf32, #tpu.memory_space<vmem>>
    %dma_wait3A_630 = tpu.memref_slice %arg2[%multiple_of3A_624] : memref<4194304xf32, #tpu.memory_space<hbm>> -> memref<16384xf32, #tpu.memory_space<hbm>>
    %dma_wait3A_631 = tpu.memref_slice %arg10[%dma_wait3A_626] : memref<2x!tpu.dma_semaphore, #tpu.memory_space<semaphore_mem>> -> memref<1x!tpu.dma_semaphore, #tpu.memory_space<semaphore_mem>>
    %dma_wait3A_632 = tpu.memref_squeeze %dma_wait3A_631 : memref<1x!tpu.dma_semaphore, #tpu.memory_space<semaphore_mem>> -> memref<!tpu.dma_semaphore, #tpu.memory_space<semaphore_mem>>
    %dma_wait3A_633 = arith.constant 0 : i32
    %dma_wait3A_634 = tpu.memref_slice %arg6[%dma_wait3A_625, %dma_wait3A_633] : memref<2x16384xf32, #tpu.memory_space<vmem>> -> memref<1x16384xf32, #tpu.memory_space<vmem>>
    %dma_wait3A_635 = tpu.memref_squeeze %dma_wait3A_634 : memref<1x16384xf32, #tpu.memory_space<vmem>> -> memref<16384xf32, #tpu.memory_space<vmem>>
    %dma_wait3A_636 = tpu.memref_slice %arg2[%multiple_of3A_624] : memref<4194304xf32, #tpu.memory_space<hbm>> -> memref<16384xf32, #tpu.memory_space<hbm>>
    tpu.wait_dma2 semaphore(%dma_wait3A_632 : memref<!tpu.dma_semaphore, #tpu.memory_space<semaphore_mem>>) src(%dma_wait3A_636 : memref<16384xf32, #tpu.memory_space<hbm>>) dst(%dma_wait3A_635 : memref<16384xf32, #tpu.memory_space<vmem>>)
    %dma_wait3A_637 = arith.constant 1 : i32
    %dma_wait3A_638 = arith.constant 1 : i32
    %dma_wait3A_639 = arith.constant 0 : i32
    %dma_wait3A_640 = tpu.memref_slice %arg7[%dma_wait3A_637, %dma_wait3A_639] : memref<2x16384xf32, #tpu.memory_space<vmem>> -> memref<1x16384xf32, #tpu.memory_space<vmem>>
    %dma_wait3A_641 = tpu.memref_squeeze %dma_wait3A_640 : memref<1x16384xf32, #tpu.memory_space<vmem>> -> memref<16384xf32, #tpu.memory_space<vmem>>
    %dma_wait3A_642 = tpu.memref_slice %arg3[%multiple_of3A_624] : memref<4194304xf32, #tpu.memory_space<hbm>> -> memref<16384xf32, #tpu.memory_space<hbm>>
    %dma_wait3A_643 = tpu.memref_slice %arg11[%dma_wait3A_638] : memref<2x!tpu.dma_semaphore, #tpu.memory_space<semaphore_mem>> -> memref<1x!tpu.dma_semaphore, #tpu.memory_space<semaphore_mem>>
    %dma_wait3A_644 = tpu.memref_squeeze %dma_wait3A_643 : memref<1x!tpu.dma_semaphore, #tpu.memory_space<semaphore_mem>> -> memref<!tpu.dma_semaphore, #tpu.memory_space<semaphore_mem>>
    %dma_wait3A_645 = arith.constant 0 : i32
    %dma_wait3A_646 = tpu.memref_slice %arg7[%dma_wait3A_637, %dma_wait3A_645] : memref<2x16384xf32, #tpu.memory_space<vmem>> -> memref<1x16384xf32, #tpu.memory_space<vmem>>
    %dma_wait3A_647 = tpu.memref_squeeze %dma_wait3A_646 : memref<1x16384xf32, #tpu.memory_space<vmem>> -> memref<16384xf32, #tpu.memory_space<vmem>>
    %dma_wait3A_648 = tpu.memref_slice %arg3[%multiple_of3A_624] : memref<4194304xf32, #tpu.memory_space<hbm>> -> memref<16384xf32, #tpu.memory_space<hbm>>
    tpu.wait_dma2 semaphore(%dma_wait3A_644 : memref<!tpu.dma_semaphore, #tpu.memory_space<semaphore_mem>>) src(%dma_wait3A_648 : memref<16384xf32, #tpu.memory_space<hbm>>) dst(%dma_wait3A_647 : memref<16384xf32, #tpu.memory_space<vmem>>)
    %dma_wait3A_649 = arith.constant 1 : i32
    %dma_wait3A_650 = arith.constant 1 : i32
    %dma_wait3A_651 = arith.constant 0 : i32
    %dma_wait3A_652 = tpu.memref_slice %arg8[%dma_wait3A_649, %dma_wait3A_651] : memref<2x16384xi32, #tpu.memory_space<vmem>> -> memref<1x16384xi32, #tpu.memory_space<vmem>>
    %dma_wait3A_653 = tpu.memref_squeeze %dma_wait3A_652 : memref<1x16384xi32, #tpu.memory_space<vmem>> -> memref<16384xi32, #tpu.memory_space<vmem>>
    %dma_wait3A_654 = tpu.memref_slice %arg4[%multiple_of3A_624] : memref<4194304xi32, #tpu.memory_space<hbm>> -> memref<16384xi32, #tpu.memory_space<hbm>>
    %dma_wait3A_655 = tpu.memref_slice %arg12[%dma_wait3A_650] : memref<2x!tpu.dma_semaphore, #tpu.memory_space<semaphore_mem>> -> memref<1x!tpu.dma_semaphore, #tpu.memory_space<semaphore_mem>>
    %dma_wait3A_656 = tpu.memref_squeeze %dma_wait3A_655 : memref<1x!tpu.dma_semaphore, #tpu.memory_space<semaphore_mem>> -> memref<!tpu.dma_semaphore, #tpu.memory_space<semaphore_mem>>
    %dma_wait3A_657 = arith.constant 0 : i32
    %dma_wait3A_658 = tpu.memref_slice %arg8[%dma_wait3A_649, %dma_wait3A_657] : memref<2x16384xi32, #tpu.memory_space<vmem>> -> memref<1x16384xi32, #tpu.memory_space<vmem>>
    %dma_wait3A_659 = tpu.memref_squeeze %dma_wait3A_658 : memref<1x16384xi32, #tpu.memory_space<vmem>> -> memref<16384xi32, #tpu.memory_space<vmem>>
    %dma_wait3A_660 = tpu.memref_slice %arg4[%multiple_of3A_624] : memref<4194304xi32, #tpu.memory_space<hbm>> -> memref<16384xi32, #tpu.memory_space<hbm>>
    tpu.wait_dma2 semaphore(%dma_wait3A_656 : memref<!tpu.dma_semaphore, #tpu.memory_space<semaphore_mem>>) src(%dma_wait3A_660 : memref<16384xi32, #tpu.memory_space<hbm>>) dst(%dma_wait3A_659 : memref<16384xi32, #tpu.memory_space<vmem>>)
    %add3A_661 = arith.constant 49152 : i32
    %add3A_662 = arith.addi %mul3A_2, %add3A_661 : i32
    %multiple_of3A_663 = tpu.assume_multiple %add3A_662, 16384 : i32
    %dma_wait3A_664 = arith.constant 1 : i32
    %dma_wait3A_665 = arith.constant 1 : i32
    %dma_wait3A_666 = arith.constant 0 : i32
    %dma_wait3A_667 = tpu.memref_slice %arg9[%dma_wait3A_664, %dma_wait3A_666] : memref<2x16384xf32, #tpu.memory_space<vmem>> -> memref<1x16384xf32, #tpu.memory_space<vmem>>
    %dma_wait3A_668 = tpu.memref_squeeze %dma_wait3A_667 : memref<1x16384xf32, #tpu.memory_space<vmem>> -> memref<16384xf32, #tpu.memory_space<vmem>>
    %dma_wait3A_669 = tpu.memref_slice %arg5[%multiple_of3A_663] : memref<4194304xf32, #tpu.memory_space<hbm>> -> memref<16384xf32, #tpu.memory_space<hbm>>
    %dma_wait3A_670 = tpu.memref_slice %arg13[%dma_wait3A_665] : memref<2x!tpu.dma_semaphore, #tpu.memory_space<semaphore_mem>> -> memref<1x!tpu.dma_semaphore, #tpu.memory_space<semaphore_mem>>
    %dma_wait3A_671 = tpu.memref_squeeze %dma_wait3A_670 : memref<1x!tpu.dma_semaphore, #tpu.memory_space<semaphore_mem>> -> memref<!tpu.dma_semaphore, #tpu.memory_space<semaphore_mem>>
    %dma_wait3A_672 = tpu.memref_slice %arg5[%multiple_of3A_663] : memref<4194304xf32, #tpu.memory_space<hbm>> -> memref<16384xf32, #tpu.memory_space<hbm>>
    %dma_wait3A_673 = arith.constant 0 : i32
    %dma_wait3A_674 = tpu.memref_slice %arg9[%dma_wait3A_664, %dma_wait3A_673] : memref<2x16384xf32, #tpu.memory_space<vmem>> -> memref<1x16384xf32, #tpu.memory_space<vmem>>
    %dma_wait3A_675 = tpu.memref_squeeze %dma_wait3A_674 : memref<1x16384xf32, #tpu.memory_space<vmem>> -> memref<16384xf32, #tpu.memory_space<vmem>>
    tpu.wait_dma2 semaphore(%dma_wait3A_671 : memref<!tpu.dma_semaphore, #tpu.memory_space<semaphore_mem>>) src(%dma_wait3A_675 : memref<16384xf32, #tpu.memory_space<vmem>>) dst(%dma_wait3A_672 : memref<16384xf32, #tpu.memory_space<hbm>>)
    %parallel_loop3A_676 = arith.constant 0 : i32
    %parallel_loop3A_677 = arith.constant 16384 : i32
    %parallel_loop3A_678 = arith.constant 16 : i32
    %parallel_loop3A_679 = arith.constant 1 : i32
    %parallel_loop3A_680 = arith.constant 1 : i32
    %parallel_loop3A_681 = arith.constant 1 : i32
    %parallel_loop3A_682 = arith.constant 1 : i32
    scf.for %parallel_loop3A_919 = %parallel_loop3A_676 to %parallel_loop3A_677 step %parallel_loop3A_678  : i32 {
      %parallel_loop3A_920 = tpu.assume_multiple %parallel_loop3A_919, 16 : i32
      %parallel_loop3A_921 = arith.constant 0 : i32
      %parallel_loop3A_922 = tpu.memref_slice %arg6[%parallel_loop3A_679, %parallel_loop3A_921] : memref<2x16384xf32, #tpu.memory_space<vmem>> -> memref<1x16384xf32, #tpu.memory_space<vmem>>
      %parallel_loop3A_923 = tpu.memref_squeeze %parallel_loop3A_922 : memref<1x16384xf32, #tpu.memory_space<vmem>> -> memref<16384xf32, #tpu.memory_space<vmem>>
      %parallel_loop3A_924 = arith.index_cast %parallel_loop3A_920 : i32 to index
      %parallel_loop3A_925 = tpu.vector_load %parallel_loop3A_923[%parallel_loop3A_924] {strides = array<i32>} : memref<16384xf32, #tpu.memory_space<vmem>>, vector<16xf32>,
      %parallel_loop3A_926 = vector.shape_cast %parallel_loop3A_925 : vector<16xf32> to vector<16xf32>
      %parallel_loop3A_927 = arith.constant 0 : i32
      %parallel_loop3A_928 = tpu.memref_slice %arg7[%parallel_loop3A_680, %parallel_loop3A_927] : memref<2x16384xf32, #tpu.memory_space<vmem>> -> memref<1x16384xf32, #tpu.memory_space<vmem>>
      %parallel_loop3A_929 = tpu.memref_squeeze %parallel_loop3A_928 : memref<1x16384xf32, #tpu.memory_space<vmem>> -> memref<16384xf32, #tpu.memory_space<vmem>>
      %parallel_loop3A_930 = arith.index_cast %parallel_loop3A_920 : i32 to index
      %parallel_loop3A_931 = tpu.vector_load %parallel_loop3A_929[%parallel_loop3A_930] {strides = array<i32>} : memref<16384xf32, #tpu.memory_space<vmem>>, vector<16xf32>,
      %parallel_loop3A_932 = vector.shape_cast %parallel_loop3A_931 : vector<16xf32> to vector<16xf32>
      %parallel_loop3A_933 = arith.constant 0 : i32
      %parallel_loop3A_934 = tpu.memref_slice %arg8[%parallel_loop3A_681, %parallel_loop3A_933] : memref<2x16384xi32, #tpu.memory_space<vmem>> -> memref<1x16384xi32, #tpu.memory_space<vmem>>
      %parallel_loop3A_935 = tpu.memref_squeeze %parallel_loop3A_934 : memref<1x16384xi32, #tpu.memory_space<vmem>> -> memref<16384xi32, #tpu.memory_space<vmem>>
      %parallel_loop3A_936 = arith.index_cast %parallel_loop3A_920 : i32 to index
      %parallel_loop3A_937 = tpu.vector_load %parallel_loop3A_935[%parallel_loop3A_936] {strides = array<i32>} : memref<16384xi32, #tpu.memory_space<vmem>>, vector<16xi32>,
      %parallel_loop3A_938 = vector.shape_cast %parallel_loop3A_937 : vector<16xi32> to vector<16xi32>
      %parallel_loop3A_939 = arith.subf %parallel_loop3A_926, %parallel_loop3A_932 : vector<16xf32>
      %parallel_loop3A_940 = arith.constant 0 : i32
      %parallel_loop3A_941 = vector.broadcast %parallel_loop3A_940 : i32 to vector<16xi32>
      %parallel_loop3A_942 = arith.cmpi ne, %parallel_loop3A_938, %parallel_loop3A_941 : vector<16xi32>
      %parallel_loop3A_943 = arith.mulf %parallel_loop3A_939, %parallel_loop3A_939 : vector<16xf32>
      %parallel_loop3A_944 = arith.constant 0.000000e+00 : f32
      %parallel_loop3A_945 = vector.broadcast %parallel_loop3A_944 : f32 to vector<16xf32>
      %parallel_loop3A_946 = arith.select %parallel_loop3A_942, %parallel_loop3A_943, %parallel_loop3A_945 : vector<16xi1>, vector<16xf32>
      %parallel_loop3A_947 = arith.constant 0 : i32
      %parallel_loop3A_948 = tpu.memref_slice %arg9[%parallel_loop3A_682, %parallel_loop3A_947] : memref<2x16384xf32, #tpu.memory_space<vmem>> -> memref<1x16384xf32, #tpu.memory_space<vmem>>
      %parallel_loop3A_949 = tpu.memref_squeeze %parallel_loop3A_948 : memref<1x16384xf32, #tpu.memory_space<vmem>> -> memref<16384xf32, #tpu.memory_space<vmem>>
      %parallel_loop3A_950 = arith.index_cast %parallel_loop3A_920 : i32 to index
      %parallel_loop3A_951 = tpu.vector_load %parallel_loop3A_949[%parallel_loop3A_950] {strides = array<i32>} : memref<16384xf32, #tpu.memory_space<vmem>>, vector<16xf32>,
      %parallel_loop3A_952 = vector.shape_cast %parallel_loop3A_951 : vector<16xf32> to vector<16xf32>
      %parallel_loop3A_953 = vector.shape_cast %parallel_loop3A_946 : vector<16xf32> to vector<16xf32>
      tpu.vector_store %parallel_loop3A_949[%parallel_loop3A_950], %parallel_loop3A_953 {strides = array<i32>} : memref<16384xf32, #tpu.memory_space<vmem>>, vector<16xf32>,
    } {sc.loop_unroll_factor = 8 : i64, sc.parallel_access}
    %add3A_683 = arith.constant 81920 : i32
    %add3A_684 = arith.addi %mul3A_2, %add3A_683 : i32
    %multiple_of3A_685 = tpu.assume_multiple %add3A_684, 16384 : i32
    %dma_start3A_686 = arith.constant 1 : i32
    %dma_start3A_687 = arith.constant 1 : i32
    %dma_start3A_688 = arith.constant 0 : i32
    %dma_start3A_689 = tpu.memref_slice %arg9[%dma_start3A_686, %dma_start3A_688] : memref<2x16384xf32, #tpu.memory_space<vmem>> -> memref<1x16384xf32, #tpu.memory_space<vmem>>
    %dma_start3A_690 = tpu.memref_squeeze %dma_start3A_689 : memref<1x16384xf32, #tpu.memory_space<vmem>> -> memref<16384xf32, #tpu.memory_space<vmem>>
    %dma_start3A_691 = tpu.memref_slice %arg5[%multiple_of3A_685] : memref<4194304xf32, #tpu.memory_space<hbm>> -> memref<16384xf32, #tpu.memory_space<hbm>>
    %dma_start3A_692 = tpu.memref_slice %arg13[%dma_start3A_687] : memref<2x!tpu.dma_semaphore, #tpu.memory_space<semaphore_mem>> -> memref<1x!tpu.dma_semaphore, #tpu.memory_space<semaphore_mem>>
    %dma_start3A_693 = tpu.memref_squeeze %dma_start3A_692 : memref<1x!tpu.dma_semaphore, #tpu.memory_space<semaphore_mem>> -> memref<!tpu.dma_semaphore, #tpu.memory_space<semaphore_mem>>
    %dma_start3A_694 = tpu.memref_slice %arg5[%multiple_of3A_685] : memref<4194304xf32, #tpu.memory_space<hbm>> -> memref<16384xf32, #tpu.memory_space<hbm>>
    %dma_start3A_695 = arith.constant 0 : i32
    %dma_start3A_696 = tpu.memref_slice %arg9[%dma_start3A_686, %dma_start3A_695] : memref<2x16384xf32, #tpu.memory_space<vmem>> -> memref<1x16384xf32, #tpu.memory_space<vmem>>
    %dma_start3A_697 = tpu.memref_squeeze %dma_start3A_696 : memref<1x16384xf32, #tpu.memory_space<vmem>> -> memref<16384xf32, #tpu.memory_space<vmem>>
    tpu.enqueue_dma source(%dma_start3A_697 : memref<16384xf32, #tpu.memory_space<vmem>>) target(%dma_start3A_694 : memref<16384xf32, #tpu.memory_space<hbm>>) target_semaphore(%dma_start3A_693 : memref<!tpu.dma_semaphore, #tpu.memory_space<semaphore_mem>>)
    %add3A_698 = arith.constant 114688 : i32
    %add3A_699 = arith.addi %mul3A_2, %add3A_698 : i32
    %multiple_of3A_700 = tpu.assume_multiple %add3A_699, 16384 : i32
    %dma_start3A_701 = arith.constant 1 : i32
    %dma_start3A_702 = arith.constant 1 : i32
    %dma_start3A_703 = arith.constant 0 : i32
    %dma_start3A_704 = tpu.memref_slice %arg6[%dma_start3A_701, %dma_start3A_703] : memref<2x16384xf32, #tpu.memory_space<vmem>> -> memref<1x16384xf32, #tpu.memory_space<vmem>>
    %dma_start3A_705 = tpu.memref_squeeze %dma_start3A_704 : memref<1x16384xf32, #tpu.memory_space<vmem>> -> memref<16384xf32, #tpu.memory_space<vmem>>
    %dma_start3A_706 = tpu.memref_slice %arg2[%multiple_of3A_700] : memref<4194304xf32, #tpu.memory_space<hbm>> -> memref<16384xf32, #tpu.memory_space<hbm>>
    %dma_start3A_707 = tpu.memref_slice %arg10[%dma_start3A_702] : memref<2x!tpu.dma_semaphore, #tpu.memory_space<semaphore_mem>> -> memref<1x!tpu.dma_semaphore, #tpu.memory_space<semaphore_mem>>
    %dma_start3A_708 = tpu.memref_squeeze %dma_start3A_707 : memref<1x!tpu.dma_semaphore, #tpu.memory_space<semaphore_mem>> -> memref<!tpu.dma_semaphore, #tpu.memory_space<semaphore_mem>>
    %dma_start3A_709 = arith.constant 0 : i32
    %dma_start3A_710 = tpu.memref_slice %arg6[%dma_start3A_701, %dma_start3A_709] : memref<2x16384xf32, #tpu.memory_space<vmem>> -> memref<1x16384xf32, #tpu.memory_space<vmem>>
    %dma_start3A_711 = tpu.memref_squeeze %dma_start3A_710 : memref<1x16384xf32, #tpu.memory_space<vmem>> -> memref<16384xf32, #tpu.memory_space<vmem>>
    %dma_start3A_712 = tpu.memref_slice %arg2[%multiple_of3A_700] : memref<4194304xf32, #tpu.memory_space<hbm>> -> memref<16384xf32, #tpu.memory_space<hbm>>
    tpu.enqueue_dma source(%dma_start3A_712 : memref<16384xf32, #tpu.memory_space<hbm>>) target(%dma_start3A_711 : memref<16384xf32, #tpu.memory_space<vmem>>) target_semaphore(%dma_start3A_708 : memref<!tpu.dma_semaphore, #tpu.memory_space<semaphore_mem>>)
    %dma_start3A_713 = arith.constant 1 : i32
    %dma_start3A_714 = arith.constant 1 : i32
    %dma_start3A_715 = arith.constant 0 : i32
    %dma_start3A_716 = tpu.memref_slice %arg7[%dma_start3A_713, %dma_start3A_715] : memref<2x16384xf32, #tpu.memory_space<vmem>> -> memref<1x16384xf32, #tpu.memory_space<vmem>>
    %dma_start3A_717 = tpu.memref_squeeze %dma_start3A_716 : memref<1x16384xf32, #tpu.memory_space<vmem>> -> memref<16384xf32, #tpu.memory_space<vmem>>
    %dma_start3A_718 = tpu.memref_slice %arg3[%multiple_of3A_700] : memref<4194304xf32, #tpu.memory_space<hbm>> -> memref<16384xf32, #tpu.memory_space<hbm>>
    %dma_start3A_719 = tpu.memref_slice %arg11[%dma_start3A_714] : memref<2x!tpu.dma_semaphore, #tpu.memory_space<semaphore_mem>> -> memref<1x!tpu.dma_semaphore, #tpu.memory_space<semaphore_mem>>
    %dma_start3A_720 = tpu.memref_squeeze %dma_start3A_719 : memref<1x!tpu.dma_semaphore, #tpu.memory_space<semaphore_mem>> -> memref<!tpu.dma_semaphore, #tpu.memory_space<semaphore_mem>>
    %dma_start3A_721 = arith.constant 0 : i32
    %dma_start3A_722 = tpu.memref_slice %arg7[%dma_start3A_713, %dma_start3A_721] : memref<2x16384xf32, #tpu.memory_space<vmem>> -> memref<1x16384xf32, #tpu.memory_space<vmem>>
    %dma_start3A_723 = tpu.memref_squeeze %dma_start3A_722 : memref<1x16384xf32, #tpu.memory_space<vmem>> -> memref<16384xf32, #tpu.memory_space<vmem>>
    %dma_start3A_724 = tpu.memref_slice %arg3[%multiple_of3A_700] : memref<4194304xf32, #tpu.memory_space<hbm>> -> memref<16384xf32, #tpu.memory_space<hbm>>
    tpu.enqueue_dma source(%dma_start3A_724 : memref<16384xf32, #tpu.memory_space<hbm>>) target(%dma_start3A_723 : memref<16384xf32, #tpu.memory_space<vmem>>) target_semaphore(%dma_start3A_720 : memref<!tpu.dma_semaphore, #tpu.memory_space<semaphore_mem>>)
    %dma_start3A_725 = arith.constant 1 : i32
    %dma_start3A_726 = arith.constant 1 : i32
    %dma_start3A_727 = arith.constant 0 : i32
    %dma_start3A_728 = tpu.memref_slice %arg8[%dma_start3A_725, %dma_start3A_727] : memref<2x16384xi32, #tpu.memory_space<vmem>> -> memref<1x16384xi32, #tpu.memory_space<vmem>>
    %dma_start3A_729 = tpu.memref_squeeze %dma_start3A_728 : memref<1x16384xi32, #tpu.memory_space<vmem>> -> memref<16384xi32, #tpu.memory_space<vmem>>
    %dma_start3A_730 = tpu.memref_slice %arg4[%multiple_of3A_700] : memref<4194304xi32, #tpu.memory_space<hbm>> -> memref<16384xi32, #tpu.memory_space<hbm>>
    %dma_start3A_731 = tpu.memref_slice %arg12[%dma_start3A_726] : memref<2x!tpu.dma_semaphore, #tpu.memory_space<semaphore_mem>> -> memref<1x!tpu.dma_semaphore, #tpu.memory_space<semaphore_mem>>
    %dma_start3A_732 = tpu.memref_squeeze %dma_start3A_731 : memref<1x!tpu.dma_semaphore, #tpu.memory_space<semaphore_mem>> -> memref<!tpu.dma_semaphore, #tpu.memory_space<semaphore_mem>>
    %dma_start3A_733 = arith.constant 0 : i32
    %dma_start3A_734 = tpu.memref_slice %arg8[%dma_start3A_725, %dma_start3A_733] : memref<2x16384xi32, #tpu.memory_space<vmem>> -> memref<1x16384xi32, #tpu.memory_space<vmem>>
    %dma_start3A_735 = tpu.memref_squeeze %dma_start3A_734 : memref<1x16384xi32, #tpu.memory_space<vmem>> -> memref<16384xi32, #tpu.memory_space<vmem>>
    %dma_start3A_736 = tpu.memref_slice %arg4[%multiple_of3A_700] : memref<4194304xi32, #tpu.memory_space<hbm>> -> memref<16384xi32, #tpu.memory_space<hbm>>
    tpu.enqueue_dma source(%dma_start3A_736 : memref<16384xi32, #tpu.memory_space<hbm>>) target(%dma_start3A_735 : memref<16384xi32, #tpu.memory_space<vmem>>) target_semaphore(%dma_start3A_732 : memref<!tpu.dma_semaphore, #tpu.memory_space<semaphore_mem>>)
    %add3A_737 = arith.constant 98304 : i32
    %add3A_738 = arith.addi %mul3A_2, %add3A_737 : i32
    %multiple_of3A_739 = tpu.assume_multiple %add3A_738, 16384 : i32
    %dma_wait3A_740 = arith.constant 0 : i32
    %dma_wait3A_741 = arith.constant 0 : i32
    %dma_wait3A_742 = arith.constant 0 : i32
    %dma_wait3A_743 = tpu.memref_slice %arg6[%dma_wait3A_740, %dma_wait3A_742] : memref<2x16384xf32, #tpu.memory_space<vmem>> -> memref<1x16384xf32, #tpu.memory_space<vmem>>
    %dma_wait3A_744 = tpu.memref_squeeze %dma_wait3A_743 : memref<1x16384xf32, #tpu.memory_space<vmem>> -> memref<16384xf32, #tpu.memory_space<vmem>>
    %dma_wait3A_745 = tpu.memref_slice %arg2[%multiple_of3A_739] : memref<4194304xf32, #tpu.memory_space<hbm>> -> memref<16384xf32, #tpu.memory_space<hbm>>
    %dma_wait3A_746 = tpu.memref_slice %arg10[%dma_wait3A_741] : memref<2x!tpu.dma_semaphore, #tpu.memory_space<semaphore_mem>> -> memref<1x!tpu.dma_semaphore, #tpu.memory_space<semaphore_mem>>
    %dma_wait3A_747 = tpu.memref_squeeze %dma_wait3A_746 : memref<1x!tpu.dma_semaphore, #tpu.memory_space<semaphore_mem>> -> memref<!tpu.dma_semaphore, #tpu.memory_space<semaphore_mem>>
    %dma_wait3A_748 = arith.constant 0 : i32
    %dma_wait3A_749 = tpu.memref_slice %arg6[%dma_wait3A_740, %dma_wait3A_748] : memref<2x16384xf32, #tpu.memory_space<vmem>> -> memref<1x16384xf32, #tpu.memory_space<vmem>>
    %dma_wait3A_750 = tpu.memref_squeeze %dma_wait3A_749 : memref<1x16384xf32, #tpu.memory_space<vmem>> -> memref<16384xf32, #tpu.memory_space<vmem>>
    %dma_wait3A_751 = tpu.memref_slice %arg2[%multiple_of3A_739] : memref<4194304xf32, #tpu.memory_space<hbm>> -> memref<16384xf32, #tpu.memory_space<hbm>>
    tpu.wait_dma2 semaphore(%dma_wait3A_747 : memref<!tpu.dma_semaphore, #tpu.memory_space<semaphore_mem>>) src(%dma_wait3A_751 : memref<16384xf32, #tpu.memory_space<hbm>>) dst(%dma_wait3A_750 : memref<16384xf32, #tpu.memory_space<vmem>>)
    %dma_wait3A_752 = arith.constant 0 : i32
    %dma_wait3A_753 = arith.constant 0 : i32
    %dma_wait3A_754 = arith.constant 0 : i32
    %dma_wait3A_755 = tpu.memref_slice %arg7[%dma_wait3A_752, %dma_wait3A_754] : memref<2x16384xf32, #tpu.memory_space<vmem>> -> memref<1x16384xf32, #tpu.memory_space<vmem>>
    %dma_wait3A_756 = tpu.memref_squeeze %dma_wait3A_755 : memref<1x16384xf32, #tpu.memory_space<vmem>> -> memref<16384xf32, #tpu.memory_space<vmem>>
    %dma_wait3A_757 = tpu.memref_slice %arg3[%multiple_of3A_739] : memref<4194304xf32, #tpu.memory_space<hbm>> -> memref<16384xf32, #tpu.memory_space<hbm>>
    %dma_wait3A_758 = tpu.memref_slice %arg11[%dma_wait3A_753] : memref<2x!tpu.dma_semaphore, #tpu.memory_space<semaphore_mem>> -> memref<1x!tpu.dma_semaphore, #tpu.memory_space<semaphore_mem>>
    %dma_wait3A_759 = tpu.memref_squeeze %dma_wait3A_758 : memref<1x!tpu.dma_semaphore, #tpu.memory_space<semaphore_mem>> -> memref<!tpu.dma_semaphore, #tpu.memory_space<semaphore_mem>>
    %dma_wait3A_760 = arith.constant 0 : i32
    %dma_wait3A_761 = tpu.memref_slice %arg7[%dma_wait3A_752, %dma_wait3A_760] : memref<2x16384xf32, #tpu.memory_space<vmem>> -> memref<1x16384xf32, #tpu.memory_space<vmem>>
    %dma_wait3A_762 = tpu.memref_squeeze %dma_wait3A_761 : memref<1x16384xf32, #tpu.memory_space<vmem>> -> memref<16384xf32, #tpu.memory_space<vmem>>
    %dma_wait3A_763 = tpu.memref_slice %arg3[%multiple_of3A_739] : memref<4194304xf32, #tpu.memory_space<hbm>> -> memref<16384xf32, #tpu.memory_space<hbm>>
    tpu.wait_dma2 semaphore(%dma_wait3A_759 : memref<!tpu.dma_semaphore, #tpu.memory_space<semaphore_mem>>) src(%dma_wait3A_763 : memref<16384xf32, #tpu.memory_space<hbm>>) dst(%dma_wait3A_762 : memref<16384xf32, #tpu.memory_space<vmem>>)
    %dma_wait3A_764 = arith.constant 0 : i32
    %dma_wait3A_765 = arith.constant 0 : i32
    %dma_wait3A_766 = arith.constant 0 : i32
    %dma_wait3A_767 = tpu.memref_slice %arg8[%dma_wait3A_764, %dma_wait3A_766] : memref<2x16384xi32, #tpu.memory_space<vmem>> -> memref<1x16384xi32, #tpu.memory_space<vmem>>
    %dma_wait3A_768 = tpu.memref_squeeze %dma_wait3A_767 : memref<1x16384xi32, #tpu.memory_space<vmem>> -> memref<16384xi32, #tpu.memory_space<vmem>>
    %dma_wait3A_769 = tpu.memref_slice %arg4[%multiple_of3A_739] : memref<4194304xi32, #tpu.memory_space<hbm>> -> memref<16384xi32, #tpu.memory_space<hbm>>
    %dma_wait3A_770 = tpu.memref_slice %arg12[%dma_wait3A_765] : memref<2x!tpu.dma_semaphore, #tpu.memory_space<semaphore_mem>> -> memref<1x!tpu.dma_semaphore, #tpu.memory_space<semaphore_mem>>
    %dma_wait3A_771 = tpu.memref_squeeze %dma_wait3A_770 : memref<1x!tpu.dma_semaphore, #tpu.memory_space<semaphore_mem>> -> memref<!tpu.dma_semaphore, #tpu.memory_space<semaphore_mem>>
    %dma_wait3A_772 = arith.constant 0 : i32
    %dma_wait3A_773 = tpu.memref_slice %arg8[%dma_wait3A_764, %dma_wait3A_772] : memref<2x16384xi32, #tpu.memory_space<vmem>> -> memref<1x16384xi32, #tpu.memory_space<vmem>>
    %dma_wait3A_774 = tpu.memref_squeeze %dma_wait3A_773 : memref<1x16384xi32, #tpu.memory_space<vmem>> -> memref<16384xi32, #tpu.memory_space<vmem>>
    %dma_wait3A_775 = tpu.memref_slice %arg4[%multiple_of3A_739] : memref<4194304xi32, #tpu.memory_space<hbm>> -> memref<16384xi32, #tpu.memory_space<hbm>>
    tpu.wait_dma2 semaphore(%dma_wait3A_771 : memref<!tpu.dma_semaphore, #tpu.memory_space<semaphore_mem>>) src(%dma_wait3A_775 : memref<16384xi32, #tpu.memory_space<hbm>>) dst(%dma_wait3A_774 : memref<16384xi32, #tpu.memory_space<vmem>>)
    %add3A_776 = arith.constant 65536 : i32
    %add3A_777 = arith.addi %mul3A_2, %add3A_776 : i32
    %multiple_of3A_778 = tpu.assume_multiple %add3A_777, 16384 : i32
    %dma_wait3A_779 = arith.constant 0 : i32
    %dma_wait3A_780 = arith.constant 0 : i32
    %dma_wait3A_781 = arith.constant 0 : i32
    %dma_wait3A_782 = tpu.memref_slice %arg9[%dma_wait3A_779, %dma_wait3A_781] : memref<2x16384xf32, #tpu.memory_space<vmem>> -> memref<1x16384xf32, #tpu.memory_space<vmem>>
    %dma_wait3A_783 = tpu.memref_squeeze %dma_wait3A_782 : memref<1x16384xf32, #tpu.memory_space<vmem>> -> memref<16384xf32, #tpu.memory_space<vmem>>
    %dma_wait3A_784 = tpu.memref_slice %arg5[%multiple_of3A_778] : memref<4194304xf32, #tpu.memory_space<hbm>> -> memref<16384xf32, #tpu.memory_space<hbm>>
    %dma_wait3A_785 = tpu.memref_slice %arg13[%dma_wait3A_780] : memref<2x!tpu.dma_semaphore, #tpu.memory_space<semaphore_mem>> -> memref<1x!tpu.dma_semaphore, #tpu.memory_space<semaphore_mem>>
    %dma_wait3A_786 = tpu.memref_squeeze %dma_wait3A_785 : memref<1x!tpu.dma_semaphore, #tpu.memory_space<semaphore_mem>> -> memref<!tpu.dma_semaphore, #tpu.memory_space<semaphore_mem>>
    %dma_wait3A_787 = tpu.memref_slice %arg5[%multiple_of3A_778] : memref<4194304xf32, #tpu.memory_space<hbm>> -> memref<16384xf32, #tpu.memory_space<hbm>>
    %dma_wait3A_788 = arith.constant 0 : i32
    %dma_wait3A_789 = tpu.memref_slice %arg9[%dma_wait3A_779, %dma_wait3A_788] : memref<2x16384xf32, #tpu.memory_space<vmem>> -> memref<1x16384xf32, #tpu.memory_space<vmem>>
    %dma_wait3A_790 = tpu.memref_squeeze %dma_wait3A_789 : memref<1x16384xf32, #tpu.memory_space<vmem>> -> memref<16384xf32, #tpu.memory_space<vmem>>
    tpu.wait_dma2 semaphore(%dma_wait3A_786 : memref<!tpu.dma_semaphore, #tpu.memory_space<semaphore_mem>>) src(%dma_wait3A_790 : memref<16384xf32, #tpu.memory_space<vmem>>) dst(%dma_wait3A_787 : memref<16384xf32, #tpu.memory_space<hbm>>)
    %parallel_loop3A_791 = arith.constant 0 : i32
    %parallel_loop3A_792 = arith.constant 16384 : i32
    %parallel_loop3A_793 = arith.constant 16 : i32
    %parallel_loop3A_794 = arith.constant 0 : i32
    %parallel_loop3A_795 = arith.constant 0 : i32
    %parallel_loop3A_796 = arith.constant 0 : i32
    %parallel_loop3A_797 = arith.constant 0 : i32
    scf.for %parallel_loop3A_919 = %parallel_loop3A_791 to %parallel_loop3A_792 step %parallel_loop3A_793  : i32 {
      %parallel_loop3A_920 = tpu.assume_multiple %parallel_loop3A_919, 16 : i32
      %parallel_loop3A_921 = arith.constant 0 : i32
      %parallel_loop3A_922 = tpu.memref_slice %arg6[%parallel_loop3A_794, %parallel_loop3A_921] : memref<2x16384xf32, #tpu.memory_space<vmem>> -> memref<1x16384xf32, #tpu.memory_space<vmem>>
      %parallel_loop3A_923 = tpu.memref_squeeze %parallel_loop3A_922 : memref<1x16384xf32, #tpu.memory_space<vmem>> -> memref<16384xf32, #tpu.memory_space<vmem>>
      %parallel_loop3A_924 = arith.index_cast %parallel_loop3A_920 : i32 to index
      %parallel_loop3A_925 = tpu.vector_load %parallel_loop3A_923[%parallel_loop3A_924] {strides = array<i32>} : memref<16384xf32, #tpu.memory_space<vmem>>, vector<16xf32>,
      %parallel_loop3A_926 = vector.shape_cast %parallel_loop3A_925 : vector<16xf32> to vector<16xf32>
      %parallel_loop3A_927 = arith.constant 0 : i32
      %parallel_loop3A_928 = tpu.memref_slice %arg7[%parallel_loop3A_795, %parallel_loop3A_927] : memref<2x16384xf32, #tpu.memory_space<vmem>> -> memref<1x16384xf32, #tpu.memory_space<vmem>>
      %parallel_loop3A_929 = tpu.memref_squeeze %parallel_loop3A_928 : memref<1x16384xf32, #tpu.memory_space<vmem>> -> memref<16384xf32, #tpu.memory_space<vmem>>
      %parallel_loop3A_930 = arith.index_cast %parallel_loop3A_920 : i32 to index
      %parallel_loop3A_931 = tpu.vector_load %parallel_loop3A_929[%parallel_loop3A_930] {strides = array<i32>} : memref<16384xf32, #tpu.memory_space<vmem>>, vector<16xf32>,
      %parallel_loop3A_932 = vector.shape_cast %parallel_loop3A_931 : vector<16xf32> to vector<16xf32>
      %parallel_loop3A_933 = arith.constant 0 : i32
      %parallel_loop3A_934 = tpu.memref_slice %arg8[%parallel_loop3A_796, %parallel_loop3A_933] : memref<2x16384xi32, #tpu.memory_space<vmem>> -> memref<1x16384xi32, #tpu.memory_space<vmem>>
      %parallel_loop3A_935 = tpu.memref_squeeze %parallel_loop3A_934 : memref<1x16384xi32, #tpu.memory_space<vmem>> -> memref<16384xi32, #tpu.memory_space<vmem>>
      %parallel_loop3A_936 = arith.index_cast %parallel_loop3A_920 : i32 to index
      %parallel_loop3A_937 = tpu.vector_load %parallel_loop3A_935[%parallel_loop3A_936] {strides = array<i32>} : memref<16384xi32, #tpu.memory_space<vmem>>, vector<16xi32>,
      %parallel_loop3A_938 = vector.shape_cast %parallel_loop3A_937 : vector<16xi32> to vector<16xi32>
      %parallel_loop3A_939 = arith.subf %parallel_loop3A_926, %parallel_loop3A_932 : vector<16xf32>
      %parallel_loop3A_940 = arith.constant 0 : i32
      %parallel_loop3A_941 = vector.broadcast %parallel_loop3A_940 : i32 to vector<16xi32>
      %parallel_loop3A_942 = arith.cmpi ne, %parallel_loop3A_938, %parallel_loop3A_941 : vector<16xi32>
      %parallel_loop3A_943 = arith.mulf %parallel_loop3A_939, %parallel_loop3A_939 : vector<16xf32>
      %parallel_loop3A_944 = arith.constant 0.000000e+00 : f32
      %parallel_loop3A_945 = vector.broadcast %parallel_loop3A_944 : f32 to vector<16xf32>
      %parallel_loop3A_946 = arith.select %parallel_loop3A_942, %parallel_loop3A_943, %parallel_loop3A_945 : vector<16xi1>, vector<16xf32>
      %parallel_loop3A_947 = arith.constant 0 : i32
      %parallel_loop3A_948 = tpu.memref_slice %arg9[%parallel_loop3A_797, %parallel_loop3A_947] : memref<2x16384xf32, #tpu.memory_space<vmem>> -> memref<1x16384xf32, #tpu.memory_space<vmem>>
      %parallel_loop3A_949 = tpu.memref_squeeze %parallel_loop3A_948 : memref<1x16384xf32, #tpu.memory_space<vmem>> -> memref<16384xf32, #tpu.memory_space<vmem>>
      %parallel_loop3A_950 = arith.index_cast %parallel_loop3A_920 : i32 to index
      %parallel_loop3A_951 = tpu.vector_load %parallel_loop3A_949[%parallel_loop3A_950] {strides = array<i32>} : memref<16384xf32, #tpu.memory_space<vmem>>, vector<16xf32>,
      %parallel_loop3A_952 = vector.shape_cast %parallel_loop3A_951 : vector<16xf32> to vector<16xf32>
      %parallel_loop3A_953 = vector.shape_cast %parallel_loop3A_946 : vector<16xf32> to vector<16xf32>
      tpu.vector_store %parallel_loop3A_949[%parallel_loop3A_950], %parallel_loop3A_953 {strides = array<i32>} : memref<16384xf32, #tpu.memory_space<vmem>>, vector<16xf32>,
    } {sc.loop_unroll_factor = 8 : i64, sc.parallel_access}
    %add3A_798 = arith.constant 98304 : i32
    %add3A_799 = arith.addi %mul3A_2, %add3A_798 : i32
    %multiple_of3A_800 = tpu.assume_multiple %add3A_799, 16384 : i32
    %dma_start3A_801 = arith.constant 0 : i32
    %dma_start3A_802 = arith.constant 0 : i32
    %dma_start3A_803 = arith.constant 0 : i32
    %dma_start3A_804 = tpu.memref_slice %arg9[%dma_start3A_801, %dma_start3A_803] : memref<2x16384xf32, #tpu.memory_space<vmem>> -> memref<1x16384xf32, #tpu.memory_space<vmem>>
    %dma_start3A_805 = tpu.memref_squeeze %dma_start3A_804 : memref<1x16384xf32, #tpu.memory_space<vmem>> -> memref<16384xf32, #tpu.memory_space<vmem>>
    %dma_start3A_806 = tpu.memref_slice %arg5[%multiple_of3A_800] : memref<4194304xf32, #tpu.memory_space<hbm>> -> memref<16384xf32, #tpu.memory_space<hbm>>
    %dma_start3A_807 = tpu.memref_slice %arg13[%dma_start3A_802] : memref<2x!tpu.dma_semaphore, #tpu.memory_space<semaphore_mem>> -> memref<1x!tpu.dma_semaphore, #tpu.memory_space<semaphore_mem>>
    %dma_start3A_808 = tpu.memref_squeeze %dma_start3A_807 : memref<1x!tpu.dma_semaphore, #tpu.memory_space<semaphore_mem>> -> memref<!tpu.dma_semaphore, #tpu.memory_space<semaphore_mem>>
    %dma_start3A_809 = tpu.memref_slice %arg5[%multiple_of3A_800] : memref<4194304xf32, #tpu.memory_space<hbm>> -> memref<16384xf32, #tpu.memory_space<hbm>>
    %dma_start3A_810 = arith.constant 0 : i32
    %dma_start3A_811 = tpu.memref_slice %arg9[%dma_start3A_801, %dma_start3A_810] : memref<2x16384xf32, #tpu.memory_space<vmem>> -> memref<1x16384xf32, #tpu.memory_space<vmem>>
    %dma_start3A_812 = tpu.memref_squeeze %dma_start3A_811 : memref<1x16384xf32, #tpu.memory_space<vmem>> -> memref<16384xf32, #tpu.memory_space<vmem>>
    tpu.enqueue_dma source(%dma_start3A_812 : memref<16384xf32, #tpu.memory_space<vmem>>) target(%dma_start3A_809 : memref<16384xf32, #tpu.memory_space<hbm>>) target_semaphore(%dma_start3A_808 : memref<!tpu.dma_semaphore, #tpu.memory_space<semaphore_mem>>)
    %add3A_813 = arith.constant 114688 : i32
    %add3A_814 = arith.addi %mul3A_2, %add3A_813 : i32
    %multiple_of3A_815 = tpu.assume_multiple %add3A_814, 16384 : i32
    %dma_wait3A_816 = arith.constant 1 : i32
    %dma_wait3A_817 = arith.constant 1 : i32
    %dma_wait3A_818 = arith.constant 0 : i32
    %dma_wait3A_819 = tpu.memref_slice %arg6[%dma_wait3A_816, %dma_wait3A_818] : memref<2x16384xf32, #tpu.memory_space<vmem>> -> memref<1x16384xf32, #tpu.memory_space<vmem>>
    %dma_wait3A_820 = tpu.memref_squeeze %dma_wait3A_819 : memref<1x16384xf32, #tpu.memory_space<vmem>> -> memref<16384xf32, #tpu.memory_space<vmem>>
    %dma_wait3A_821 = tpu.memref_slice %arg2[%multiple_of3A_815] : memref<4194304xf32, #tpu.memory_space<hbm>> -> memref<16384xf32, #tpu.memory_space<hbm>>
    %dma_wait3A_822 = tpu.memref_slice %arg10[%dma_wait3A_817] : memref<2x!tpu.dma_semaphore, #tpu.memory_space<semaphore_mem>> -> memref<1x!tpu.dma_semaphore, #tpu.memory_space<semaphore_mem>>
    %dma_wait3A_823 = tpu.memref_squeeze %dma_wait3A_822 : memref<1x!tpu.dma_semaphore, #tpu.memory_space<semaphore_mem>> -> memref<!tpu.dma_semaphore, #tpu.memory_space<semaphore_mem>>
    %dma_wait3A_824 = arith.constant 0 : i32
    %dma_wait3A_825 = tpu.memref_slice %arg6[%dma_wait3A_816, %dma_wait3A_824] : memref<2x16384xf32, #tpu.memory_space<vmem>> -> memref<1x16384xf32, #tpu.memory_space<vmem>>
    %dma_wait3A_826 = tpu.memref_squeeze %dma_wait3A_825 : memref<1x16384xf32, #tpu.memory_space<vmem>> -> memref<16384xf32, #tpu.memory_space<vmem>>
    %dma_wait3A_827 = tpu.memref_slice %arg2[%multiple_of3A_815] : memref<4194304xf32, #tpu.memory_space<hbm>> -> memref<16384xf32, #tpu.memory_space<hbm>>
    tpu.wait_dma2 semaphore(%dma_wait3A_823 : memref<!tpu.dma_semaphore, #tpu.memory_space<semaphore_mem>>) src(%dma_wait3A_827 : memref<16384xf32, #tpu.memory_space<hbm>>) dst(%dma_wait3A_826 : memref<16384xf32, #tpu.memory_space<vmem>>)
    %dma_wait3A_828 = arith.constant 1 : i32
    %dma_wait3A_829 = arith.constant 1 : i32
    %dma_wait3A_830 = arith.constant 0 : i32
    %dma_wait3A_831 = tpu.memref_slice %arg7[%dma_wait3A_828, %dma_wait3A_830] : memref<2x16384xf32, #tpu.memory_space<vmem>> -> memref<1x16384xf32, #tpu.memory_space<vmem>>
    %dma_wait3A_832 = tpu.memref_squeeze %dma_wait3A_831 : memref<1x16384xf32, #tpu.memory_space<vmem>> -> memref<16384xf32, #tpu.memory_space<vmem>>
    %dma_wait3A_833 = tpu.memref_slice %arg3[%multiple_of3A_815] : memref<4194304xf32, #tpu.memory_space<hbm>> -> memref<16384xf32, #tpu.memory_space<hbm>>
    %dma_wait3A_834 = tpu.memref_slice %arg11[%dma_wait3A_829] : memref<2x!tpu.dma_semaphore, #tpu.memory_space<semaphore_mem>> -> memref<1x!tpu.dma_semaphore, #tpu.memory_space<semaphore_mem>>
    %dma_wait3A_835 = tpu.memref_squeeze %dma_wait3A_834 : memref<1x!tpu.dma_semaphore, #tpu.memory_space<semaphore_mem>> -> memref<!tpu.dma_semaphore, #tpu.memory_space<semaphore_mem>>
    %dma_wait3A_836 = arith.constant 0 : i32
    %dma_wait3A_837 = tpu.memref_slice %arg7[%dma_wait3A_828, %dma_wait3A_836] : memref<2x16384xf32, #tpu.memory_space<vmem>> -> memref<1x16384xf32, #tpu.memory_space<vmem>>
    %dma_wait3A_838 = tpu.memref_squeeze %dma_wait3A_837 : memref<1x16384xf32, #tpu.memory_space<vmem>> -> memref<16384xf32, #tpu.memory_space<vmem>>
    %dma_wait3A_839 = tpu.memref_slice %arg3[%multiple_of3A_815] : memref<4194304xf32, #tpu.memory_space<hbm>> -> memref<16384xf32, #tpu.memory_space<hbm>>
    tpu.wait_dma2 semaphore(%dma_wait3A_835 : memref<!tpu.dma_semaphore, #tpu.memory_space<semaphore_mem>>) src(%dma_wait3A_839 : memref<16384xf32, #tpu.memory_space<hbm>>) dst(%dma_wait3A_838 : memref<16384xf32, #tpu.memory_space<vmem>>)
    %dma_wait3A_840 = arith.constant 1 : i32
    %dma_wait3A_841 = arith.constant 1 : i32
    %dma_wait3A_842 = arith.constant 0 : i32
    %dma_wait3A_843 = tpu.memref_slice %arg8[%dma_wait3A_840, %dma_wait3A_842] : memref<2x16384xi32, #tpu.memory_space<vmem>> -> memref<1x16384xi32, #tpu.memory_space<vmem>>
    %dma_wait3A_844 = tpu.memref_squeeze %dma_wait3A_843 : memref<1x16384xi32, #tpu.memory_space<vmem>> -> memref<16384xi32, #tpu.memory_space<vmem>>
    %dma_wait3A_845 = tpu.memref_slice %arg4[%multiple_of3A_815] : memref<4194304xi32, #tpu.memory_space<hbm>> -> memref<16384xi32, #tpu.memory_space<hbm>>
    %dma_wait3A_846 = tpu.memref_slice %arg12[%dma_wait3A_841] : memref<2x!tpu.dma_semaphore, #tpu.memory_space<semaphore_mem>> -> memref<1x!tpu.dma_semaphore, #tpu.memory_space<semaphore_mem>>
    %dma_wait3A_847 = tpu.memref_squeeze %dma_wait3A_846 : memref<1x!tpu.dma_semaphore, #tpu.memory_space<semaphore_mem>> -> memref<!tpu.dma_semaphore, #tpu.memory_space<semaphore_mem>>
    %dma_wait3A_848 = arith.constant 0 : i32
    %dma_wait3A_849 = tpu.memref_slice %arg8[%dma_wait3A_840, %dma_wait3A_848] : memref<2x16384xi32, #tpu.memory_space<vmem>> -> memref<1x16384xi32, #tpu.memory_space<vmem>>
    %dma_wait3A_850 = tpu.memref_squeeze %dma_wait3A_849 : memref<1x16384xi32, #tpu.memory_space<vmem>> -> memref<16384xi32, #tpu.memory_space<vmem>>
    %dma_wait3A_851 = tpu.memref_slice %arg4[%multiple_of3A_815] : memref<4194304xi32, #tpu.memory_space<hbm>> -> memref<16384xi32, #tpu.memory_space<hbm>>
    tpu.wait_dma2 semaphore(%dma_wait3A_847 : memref<!tpu.dma_semaphore, #tpu.memory_space<semaphore_mem>>) src(%dma_wait3A_851 : memref<16384xi32, #tpu.memory_space<hbm>>) dst(%dma_wait3A_850 : memref<16384xi32, #tpu.memory_space<vmem>>)
    %add3A_852 = arith.constant 81920 : i32
    %add3A_853 = arith.addi %mul3A_2, %add3A_852 : i32
    %multiple_of3A_854 = tpu.assume_multiple %add3A_853, 16384 : i32
    %dma_wait3A_855 = arith.constant 1 : i32
    %dma_wait3A_856 = arith.constant 1 : i32
    %dma_wait3A_857 = arith.constant 0 : i32
    %dma_wait3A_858 = tpu.memref_slice %arg9[%dma_wait3A_855, %dma_wait3A_857] : memref<2x16384xf32, #tpu.memory_space<vmem>> -> memref<1x16384xf32, #tpu.memory_space<vmem>>
    %dma_wait3A_859 = tpu.memref_squeeze %dma_wait3A_858 : memref<1x16384xf32, #tpu.memory_space<vmem>> -> memref<16384xf32, #tpu.memory_space<vmem>>
    %dma_wait3A_860 = tpu.memref_slice %arg5[%multiple_of3A_854] : memref<4194304xf32, #tpu.memory_space<hbm>> -> memref<16384xf32, #tpu.memory_space<hbm>>
    %dma_wait3A_861 = tpu.memref_slice %arg13[%dma_wait3A_856] : memref<2x!tpu.dma_semaphore, #tpu.memory_space<semaphore_mem>> -> memref<1x!tpu.dma_semaphore, #tpu.memory_space<semaphore_mem>>
    %dma_wait3A_862 = tpu.memref_squeeze %dma_wait3A_861 : memref<1x!tpu.dma_semaphore, #tpu.memory_space<semaphore_mem>> -> memref<!tpu.dma_semaphore, #tpu.memory_space<semaphore_mem>>
    %dma_wait3A_863 = tpu.memref_slice %arg5[%multiple_of3A_854] : memref<4194304xf32, #tpu.memory_space<hbm>> -> memref<16384xf32, #tpu.memory_space<hbm>>
    %dma_wait3A_864 = arith.constant 0 : i32
    %dma_wait3A_865 = tpu.memref_slice %arg9[%dma_wait3A_855, %dma_wait3A_864] : memref<2x16384xf32, #tpu.memory_space<vmem>> -> memref<1x16384xf32, #tpu.memory_space<vmem>>
    %dma_wait3A_866 = tpu.memref_squeeze %dma_wait3A_865 : memref<1x16384xf32, #tpu.memory_space<vmem>> -> memref<16384xf32, #tpu.memory_space<vmem>>
    tpu.wait_dma2 semaphore(%dma_wait3A_862 : memref<!tpu.dma_semaphore, #tpu.memory_space<semaphore_mem>>) src(%dma_wait3A_866 : memref<16384xf32, #tpu.memory_space<vmem>>) dst(%dma_wait3A_863 : memref<16384xf32, #tpu.memory_space<hbm>>)
    %parallel_loop3A_867 = arith.constant 0 : i32
    %parallel_loop3A_868 = arith.constant 16384 : i32
    %parallel_loop3A_869 = arith.constant 16 : i32
    %parallel_loop3A_870 = arith.constant 1 : i32
    %parallel_loop3A_871 = arith.constant 1 : i32
    %parallel_loop3A_872 = arith.constant 1 : i32
    %parallel_loop3A_873 = arith.constant 1 : i32
    scf.for %parallel_loop3A_919 = %parallel_loop3A_867 to %parallel_loop3A_868 step %parallel_loop3A_869  : i32 {
      %parallel_loop3A_920 = tpu.assume_multiple %parallel_loop3A_919, 16 : i32
      %parallel_loop3A_921 = arith.constant 0 : i32
      %parallel_loop3A_922 = tpu.memref_slice %arg6[%parallel_loop3A_870, %parallel_loop3A_921] : memref<2x16384xf32, #tpu.memory_space<vmem>> -> memref<1x16384xf32, #tpu.memory_space<vmem>>
      %parallel_loop3A_923 = tpu.memref_squeeze %parallel_loop3A_922 : memref<1x16384xf32, #tpu.memory_space<vmem>> -> memref<16384xf32, #tpu.memory_space<vmem>>
      %parallel_loop3A_924 = arith.index_cast %parallel_loop3A_920 : i32 to index
      %parallel_loop3A_925 = tpu.vector_load %parallel_loop3A_923[%parallel_loop3A_924] {strides = array<i32>} : memref<16384xf32, #tpu.memory_space<vmem>>, vector<16xf32>,
      %parallel_loop3A_926 = vector.shape_cast %parallel_loop3A_925 : vector<16xf32> to vector<16xf32>
      %parallel_loop3A_927 = arith.constant 0 : i32
      %parallel_loop3A_928 = tpu.memref_slice %arg7[%parallel_loop3A_871, %parallel_loop3A_927] : memref<2x16384xf32, #tpu.memory_space<vmem>> -> memref<1x16384xf32, #tpu.memory_space<vmem>>
      %parallel_loop3A_929 = tpu.memref_squeeze %parallel_loop3A_928 : memref<1x16384xf32, #tpu.memory_space<vmem>> -> memref<16384xf32, #tpu.memory_space<vmem>>
      %parallel_loop3A_930 = arith.index_cast %parallel_loop3A_920 : i32 to index
      %parallel_loop3A_931 = tpu.vector_load %parallel_loop3A_929[%parallel_loop3A_930] {strides = array<i32>} : memref<16384xf32, #tpu.memory_space<vmem>>, vector<16xf32>,
      %parallel_loop3A_932 = vector.shape_cast %parallel_loop3A_931 : vector<16xf32> to vector<16xf32>
      %parallel_loop3A_933 = arith.constant 0 : i32
      %parallel_loop3A_934 = tpu.memref_slice %arg8[%parallel_loop3A_872, %parallel_loop3A_933] : memref<2x16384xi32, #tpu.memory_space<vmem>> -> memref<1x16384xi32, #tpu.memory_space<vmem>>
      %parallel_loop3A_935 = tpu.memref_squeeze %parallel_loop3A_934 : memref<1x16384xi32, #tpu.memory_space<vmem>> -> memref<16384xi32, #tpu.memory_space<vmem>>
      %parallel_loop3A_936 = arith.index_cast %parallel_loop3A_920 : i32 to index
      %parallel_loop3A_937 = tpu.vector_load %parallel_loop3A_935[%parallel_loop3A_936] {strides = array<i32>} : memref<16384xi32, #tpu.memory_space<vmem>>, vector<16xi32>,
      %parallel_loop3A_938 = vector.shape_cast %parallel_loop3A_937 : vector<16xi32> to vector<16xi32>
      %parallel_loop3A_939 = arith.subf %parallel_loop3A_926, %parallel_loop3A_932 : vector<16xf32>
      %parallel_loop3A_940 = arith.constant 0 : i32
      %parallel_loop3A_941 = vector.broadcast %parallel_loop3A_940 : i32 to vector<16xi32>
      %parallel_loop3A_942 = arith.cmpi ne, %parallel_loop3A_938, %parallel_loop3A_941 : vector<16xi32>
      %parallel_loop3A_943 = arith.mulf %parallel_loop3A_939, %parallel_loop3A_939 : vector<16xf32>
      %parallel_loop3A_944 = arith.constant 0.000000e+00 : f32
      %parallel_loop3A_945 = vector.broadcast %parallel_loop3A_944 : f32 to vector<16xf32>
      %parallel_loop3A_946 = arith.select %parallel_loop3A_942, %parallel_loop3A_943, %parallel_loop3A_945 : vector<16xi1>, vector<16xf32>
      %parallel_loop3A_947 = arith.constant 0 : i32
      %parallel_loop3A_948 = tpu.memref_slice %arg9[%parallel_loop3A_873, %parallel_loop3A_947] : memref<2x16384xf32, #tpu.memory_space<vmem>> -> memref<1x16384xf32, #tpu.memory_space<vmem>>
      %parallel_loop3A_949 = tpu.memref_squeeze %parallel_loop3A_948 : memref<1x16384xf32, #tpu.memory_space<vmem>> -> memref<16384xf32, #tpu.memory_space<vmem>>
      %parallel_loop3A_950 = arith.index_cast %parallel_loop3A_920 : i32 to index
      %parallel_loop3A_951 = tpu.vector_load %parallel_loop3A_949[%parallel_loop3A_950] {strides = array<i32>} : memref<16384xf32, #tpu.memory_space<vmem>>, vector<16xf32>,
      %parallel_loop3A_952 = vector.shape_cast %parallel_loop3A_951 : vector<16xf32> to vector<16xf32>
      %parallel_loop3A_953 = vector.shape_cast %parallel_loop3A_946 : vector<16xf32> to vector<16xf32>
      tpu.vector_store %parallel_loop3A_949[%parallel_loop3A_950], %parallel_loop3A_953 {strides = array<i32>} : memref<16384xf32, #tpu.memory_space<vmem>>, vector<16xf32>,
    } {sc.loop_unroll_factor = 8 : i64, sc.parallel_access}
    %add3A_874 = arith.constant 114688 : i32
    %add3A_875 = arith.addi %mul3A_2, %add3A_874 : i32
    %multiple_of3A_876 = tpu.assume_multiple %add3A_875, 16384 : i32
    %dma_start3A_877 = arith.constant 1 : i32
    %dma_start3A_878 = arith.constant 1 : i32
    %dma_start3A_879 = arith.constant 0 : i32
    %dma_start3A_880 = tpu.memref_slice %arg9[%dma_start3A_877, %dma_start3A_879] : memref<2x16384xf32, #tpu.memory_space<vmem>> -> memref<1x16384xf32, #tpu.memory_space<vmem>>
    %dma_start3A_881 = tpu.memref_squeeze %dma_start3A_880 : memref<1x16384xf32, #tpu.memory_space<vmem>> -> memref<16384xf32, #tpu.memory_space<vmem>>
    %dma_start3A_882 = tpu.memref_slice %arg5[%multiple_of3A_876] : memref<4194304xf32, #tpu.memory_space<hbm>> -> memref<16384xf32, #tpu.memory_space<hbm>>
    %dma_start3A_883 = tpu.memref_slice %arg13[%dma_start3A_878] : memref<2x!tpu.dma_semaphore, #tpu.memory_space<semaphore_mem>> -> memref<1x!tpu.dma_semaphore, #tpu.memory_space<semaphore_mem>>
    %dma_start3A_884 = tpu.memref_squeeze %dma_start3A_883 : memref<1x!tpu.dma_semaphore, #tpu.memory_space<semaphore_mem>> -> memref<!tpu.dma_semaphore, #tpu.memory_space<semaphore_mem>>
    %dma_start3A_885 = tpu.memref_slice %arg5[%multiple_of3A_876] : memref<4194304xf32, #tpu.memory_space<hbm>> -> memref<16384xf32, #tpu.memory_space<hbm>>
    %dma_start3A_886 = arith.constant 0 : i32
    %dma_start3A_887 = tpu.memref_slice %arg9[%dma_start3A_877, %dma_start3A_886] : memref<2x16384xf32, #tpu.memory_space<vmem>> -> memref<1x16384xf32, #tpu.memory_space<vmem>>
    %dma_start3A_888 = tpu.memref_squeeze %dma_start3A_887 : memref<1x16384xf32, #tpu.memory_space<vmem>> -> memref<16384xf32, #tpu.memory_space<vmem>>
    tpu.enqueue_dma source(%dma_start3A_888 : memref<16384xf32, #tpu.memory_space<vmem>>) target(%dma_start3A_885 : memref<16384xf32, #tpu.memory_space<hbm>>) target_semaphore(%dma_start3A_884 : memref<!tpu.dma_semaphore, #tpu.memory_space<semaphore_mem>>)
    %add3A_889 = arith.constant 98304 : i32
    %add3A_890 = arith.addi %mul3A_2, %add3A_889 : i32
    %multiple_of3A_891 = tpu.assume_multiple %add3A_890, 16384 : i32
    %dma_wait3A_892 = arith.constant 0 : i32
    %dma_wait3A_893 = arith.constant 0 : i32
    %dma_wait3A_894 = arith.constant 0 : i32
    %dma_wait3A_895 = tpu.memref_slice %arg9[%dma_wait3A_892, %dma_wait3A_894] : memref<2x16384xf32, #tpu.memory_space<vmem>> -> memref<1x16384xf32, #tpu.memory_space<vmem>>
    %dma_wait3A_896 = tpu.memref_squeeze %dma_wait3A_895 : memref<1x16384xf32, #tpu.memory_space<vmem>> -> memref<16384xf32, #tpu.memory_space<vmem>>
    %dma_wait3A_897 = tpu.memref_slice %arg5[%multiple_of3A_891] : memref<4194304xf32, #tpu.memory_space<hbm>> -> memref<16384xf32, #tpu.memory_space<hbm>>
    %dma_wait3A_898 = tpu.memref_slice %arg13[%dma_wait3A_893] : memref<2x!tpu.dma_semaphore, #tpu.memory_space<semaphore_mem>> -> memref<1x!tpu.dma_semaphore, #tpu.memory_space<semaphore_mem>>
    %dma_wait3A_899 = tpu.memref_squeeze %dma_wait3A_898 : memref<1x!tpu.dma_semaphore, #tpu.memory_space<semaphore_mem>> -> memref<!tpu.dma_semaphore, #tpu.memory_space<semaphore_mem>>
    %dma_wait3A_900 = tpu.memref_slice %arg5[%multiple_of3A_891] : memref<4194304xf32, #tpu.memory_space<hbm>> -> memref<16384xf32, #tpu.memory_space<hbm>>
    %dma_wait3A_901 = arith.constant 0 : i32
    %dma_wait3A_902 = tpu.memref_slice %arg9[%dma_wait3A_892, %dma_wait3A_901] : memref<2x16384xf32, #tpu.memory_space<vmem>> -> memref<1x16384xf32, #tpu.memory_space<vmem>>
    %dma_wait3A_903 = tpu.memref_squeeze %dma_wait3A_902 : memref<1x16384xf32, #tpu.memory_space<vmem>> -> memref<16384xf32, #tpu.memory_space<vmem>>
    tpu.wait_dma2 semaphore(%dma_wait3A_899 : memref<!tpu.dma_semaphore, #tpu.memory_space<semaphore_mem>>) src(%dma_wait3A_903 : memref<16384xf32, #tpu.memory_space<vmem>>) dst(%dma_wait3A_900 : memref<16384xf32, #tpu.memory_space<hbm>>)
    %add3A_904 = arith.constant 114688 : i32
    %add3A_905 = arith.addi %mul3A_2, %add3A_904 : i32
    %multiple_of3A_906 = tpu.assume_multiple %add3A_905, 16384 : i32
    %dma_wait3A_907 = arith.constant 1 : i32
    %dma_wait3A_908 = arith.constant 1 : i32
    %dma_wait3A_909 = arith.constant 0 : i32
    %dma_wait3A_910 = tpu.memref_slice %arg9[%dma_wait3A_907, %dma_wait3A_909] : memref<2x16384xf32, #tpu.memory_space<vmem>> -> memref<1x16384xf32, #tpu.memory_space<vmem>>
    %dma_wait3A_911 = tpu.memref_squeeze %dma_wait3A_910 : memref<1x16384xf32, #tpu.memory_space<vmem>> -> memref<16384xf32, #tpu.memory_space<vmem>>
    %dma_wait3A_912 = tpu.memref_slice %arg5[%multiple_of3A_906] : memref<4194304xf32, #tpu.memory_space<hbm>> -> memref<16384xf32, #tpu.memory_space<hbm>>
    %dma_wait3A_913 = tpu.memref_slice %arg13[%dma_wait3A_908] : memref<2x!tpu.dma_semaphore, #tpu.memory_space<semaphore_mem>> -> memref<1x!tpu.dma_semaphore, #tpu.memory_space<semaphore_mem>>
    %dma_wait3A_914 = tpu.memref_squeeze %dma_wait3A_913 : memref<1x!tpu.dma_semaphore, #tpu.memory_space<semaphore_mem>> -> memref<!tpu.dma_semaphore, #tpu.memory_space<semaphore_mem>>
    %dma_wait3A_915 = tpu.memref_slice %arg5[%multiple_of3A_906] : memref<4194304xf32, #tpu.memory_space<hbm>> -> memref<16384xf32, #tpu.memory_space<hbm>>
    %dma_wait3A_916 = arith.constant 0 : i32
    %dma_wait3A_917 = tpu.memref_slice %arg9[%dma_wait3A_907, %dma_wait3A_916] : memref<2x16384xf32, #tpu.memory_space<vmem>> -> memref<1x16384xf32, #tpu.memory_space<vmem>>
    %dma_wait3A_918 = tpu.memref_squeeze %dma_wait3A_917 : memref<1x16384xf32, #tpu.memory_space<vmem>> -> memref<16384xf32, #tpu.memory_space<vmem>>
    tpu.wait_dma2 semaphore(%dma_wait3A_914 : memref<!tpu.dma_semaphore, #tpu.memory_space<semaphore_mem>>) src(%dma_wait3A_918 : memref<16384xf32, #tpu.memory_space<vmem>>) dst(%dma_wait3A_915 : memref<16384xf32, #tpu.memory_space<hbm>>)
    return
  }
}

</mosaic_0001>

<sc_bundles>
// kernel: kernel.3.cloned.1.call-start
scs
__scs_entry_jumppad:
0x0: {  	(pc) =	sbr.rel $0x88, $3  }
0x1: {  	(tag) =	ssettag $0x0;
	lr =	simm.s32 $0x1  }
0x2: {  	[smem:$0x3F9E] =	sst lr;
	_ =	strace $0xD0000000  }
0x3: {  	_ = 	snop  }
0x4: {  	_ = 	snop  }
0x5: {  	_ = 	snop  }
0x6: {  	_ = 	snop  }
0x7: {  	_ = 	snop  }
__scs_overlays_trampoline_lowered:
0x8: {  	[smem:$0x3FAD] =	sst s0  }
0x9: {  	[smem:$0x3FAE] =	sst s1  }
0xa: {  	[smem:$0x3FAF] =	sst s2  }
0xb: {  	[smem:$0x3FB0] =	sst s3  }
0xc: {  	[smem:$0x3FB1] =	sst s4  }
0xd: {  	[smem:$0x3FB2] =	sst s5  }
0xe: {  	[smem:$0x3FB3] =	sst s6  }
0xf: {  	[smem:$0x3FB4] =	sst s7  }
0x10: {  	[smem:$0x3FB5] =	sst s8  }
0x11: {  	[smem:$0x3FB6] =	sst s9;
	s0 =	simm.s32 @!p0 $0x0  }
0x12: {  	s1 =	sld [smem:$0x3F9C];
	s0 =	simm.s32 @p0 $0x1  }
0x13: {  	[smem:$0x3FB7] =	sst s0;
	s0 =	simm.s32 @!p1 $0x0  }
0x14: {  	s2 =	sld [smem:$0x3F9B];
	s0 =	simm.s32 @p1 $0x1  }
0x15: {  	[smem:$0x3FB8] =	sst s0;
	s0 =	simm.s32 @!p2 $0x0  }
0x16: {  	s3 =	sld [smem:$0x3FDB];
	s0 =	simm.s32 @p2 $0x1  }
0x17: {  	s4 =	simm.s32 $0x1BF5;
	[smem:$0x3FBA] =	sst s0  }
0x18: {  	s0 =	sld [smem:$0x3F9D];
	_ =	swait.ge [sflag:s4], $0x0  }
0x19: {  	s7 =	sld [smem:$0x3F9E]  }
0x1a: {  	s8 =	sadd.s32 $0xFFFFE003, lr  }
0x1b: {  	s9 =	sadd.s32 $0xFFFFFEF7, lr;
	s5 =	simm.s32 $0xFFFFFFFF;
	p2 =	slt.u32 s8, $0xFFFFF086  }
0x1c: {  	p1 =	slt.u32 s9, $0xF7A;
	s5 =	simm.s32 @!p2 $0x0  }
0x1d: {  	s5 =	simm.s32 @p1 $0x1;
	p0 =	seq.s32 s7, s2  }
0x1e: {  	s7 =	smul.u32 @!p0 $0xF7A, s2;
	p2 =	seq.s32 @!p0 s5, $0x0  }
0x1f: {  	s9 =	smul.u32 $0xF7A, s1;
	s8 =	simm.s32 @!p0 $0x1BF5;
	p2 =	por !p2, p0  }
0x20: {  	[sflag:s8] =	ssyncset.s32 @!p0 $0xFFFFF086;
	s6 =	sadd.s32 @!p0 s3, s7;
	s7 =	simm.s32 @!p0 $0x108  }
0x21: {  	s3 =	sadd.s32 s3, s9;
	s6 =	sadd.s32 @!p0 $0x88, s6;
	s7 =	simm.s32 @p2 $0x1082  }
0x22: {  	[simem:s7], [sflag:s8] =	dma.local @!p0 [hbm:s6], $0xF7A  }
0x23: {  	s9 =	sor.u32 $0xD0000000, s2;
	s6 =	simm.s32 $0x108;
	_ =	swait.ge @!p0 [sflag:s8], $0x0  }
0x24: {  	s3 =	sadd.s32 $0x88, s3;
	s6 =	simm.s32 @!p1 $0x1082;
	[sflag:s4] =	ssyncset.s32 $0xFFFFF086  }
0x25: {  	[simem:s6], [sflag:s4] =	dma.local [hbm:s3], $0xF7A  }
0x26: {  	[smem:$0x3F9E] =	sst s1;
	(tag) =	ssettag s2;
	_ =	strace s9  }
0x27: {  	s1 =	sld [smem:$0x3FAE]  }
0x28: {  	s2 =	sld [smem:$0x3FAF]  }
0x29: {  	s4 =	sld [smem:$0x3FB1]  }
0x2a: {  	p0 =	seq.s32 s5, $0x0;
	s5 =	sld [smem:$0x3FB2]  }
0x2b: {  	s6 =	sld [smem:$0x3FB3]  }
0x2c: {  	s7 =	sld [smem:$0x3FB4]  }
0x2d: {  	s3 =	simm.s32 $0x108;
	s8 =	sld [smem:$0x3FB5]  }
0x2e: {  	s3 =	simm.s32 @!p0 $0x1082;
	s9 =	sld [smem:$0x3FB6]  }
0x2f: {  	lr =	sadd.s32 s0, s3;
	s0 =	sld [smem:$0x3FAD]  }
0x30: {  	s3 =	sld [smem:$0x3FB0]  }
0x31: {  	[smem:$0x3FB9] =	sst s10  }
0x32: {  	s10 =	sld [smem:$0x3FB7];
	_ =	sdelay $0x3  }
0x33: {  	p0 =	seq.s32 s10, $0x1;
	s10 =	sld [smem:$0x3FB9];
	_ =	sdelay $0x3  }
0x34: {  	[smem:$0x3FB9] =	sst s10  }
0x35: {  	s10 =	sld [smem:$0x3FB8];
	_ =	sdelay $0x3  }
0x36: {  	p1 =	seq.s32 s10, $0x1;
	s10 =	sld [smem:$0x3FB9];
	_ =	sdelay $0x3  }
0x37: {  	[smem:$0x3FB9] =	sst s10  }
0x38: {  	s10 =	sld [smem:$0x3FBA]  }
0x39: {  	_ = 	snop;
	(pc) =	sbr.ind lr, $3  }
0x3a: {  	_ = 	snop  }
0x3b: {  	_ = 	snop  }
0x3c: {  	p2 =	seq.s32 s10, $0x1;
	s10 =	sld [smem:$0x3FB9]  }
0x3d: {  	_ =	shalt  }
0x3e: {  	_ =	shalt  }
0x3f: {  	_ =	shalt  }
0x40: {  	_ =	shalt  }
0x41: {  	_ =	shalt  }
0x42: {  	_ =	shalt  }
0x43: {  	_ =	shalt  }
0x44: {  	_ =	shalt  }
0x45: {  	_ =	shalt  }
0x46: {  	_ =	shalt  }
0x47: {  	_ =	shalt  }
0x48: {  	_ =	shalt  }
0x49: {  	_ =	shalt  }
0x4a: {  	_ =	shalt  }
0x4b: {  	_ =	shalt  }
0x4c: {  	_ =	shalt  }
0x4d: {  	_ =	shalt  }
0x4e: {  	_ =	shalt  }
0x4f: {  	_ =	shalt  }
0x50: {  	_ =	shalt  }
0x51: {  	_ =	shalt  }
0x52: {  	_ =	shalt  }
0x53: {  	_ =	shalt  }
0x54: {  	_ =	shalt  }
0x55: {  	_ =	shalt  }
0x56: {  	_ =	shalt  }
0x57: {  	_ =	shalt  }
0x58: {  	_ =	shalt  }
0x59: {  	_ =	shalt  }
0x5a: {  	_ =	shalt  }
0x5b: {  	_ =	shalt  }
0x5c: {  	_ =	shalt  }
0x5d: {  	_ =	shalt  }
0x5e: {  	_ =	shalt  }
0x5f: {  	_ =	shalt  }
0x60: {  	_ =	shalt  }
0x61: {  	_ =	shalt  }
0x62: {  	_ =	shalt  }
0x63: {  	_ =	shalt  }
0x64: {  	_ =	shalt  }
0x65: {  	_ =	shalt  }
0x66: {  	_ =	shalt  }
0x67: {  	_ =	shalt  }
0x68: {  	_ =	shalt  }
0x69: {  	_ =	shalt  }
0x6a: {  	_ =	shalt  }
0x6b: {  	_ =	shalt  }
0x6c: {  	_ =	shalt  }
0x6d: {  	_ =	shalt  }
0x6e: {  	_ =	shalt  }
0x6f: {  	_ =	shalt  }
0x70: {  	_ =	shalt  }
0x71: {  	_ =	shalt  }
0x72: {  	_ =	shalt  }
0x73: {  	_ =	shalt  }
0x74: {  	_ =	shalt  }
0x75: {  	_ =	shalt  }
0x76: {  	_ =	shalt  }
0x77: {  	_ =	shalt  }
0x78: {  	_ =	shalt  }
0x79: {  	_ =	shalt  }
0x7a: {  	_ =	shalt  }
0x7b: {  	_ =	shalt  }
0x7c: {  	_ =	shalt  }
0x7d: {  	_ =	shalt  }
0x7e: {  	_ =	shalt  }
0x7f: {  	_ =	shalt  }
0x80: {  	_ =	shalt  }
0x81: {  	_ =	shalt  }
0x82: {  	_ =	shalt  }
0x83: {  	_ =	shalt  }
0x84: {  	_ =	shalt  }
0x85: {  	_ =	shalt  }
0x86: {  	_ =	shalt  }
0x87: {  	_ =	shalt  }
.Lfunc_end0:
.L_simem_size_0:
called_computation_lowered:
.L_overlay_start_0:
0x88: {  	s2 =	sld [smem:$0x3FD9]  }
0x89: {  	s3 =	sld [smem:$0x3FFE];
	_ =	sdelay $0x1  }
0x8a: {  	s1 =	srdreg.scid  }
0x8b: {  	s0 =	sand.u32 $0x1, s1  }
0x8c: {  	s17 =	sshll.u32 s0, $0xA;
	s2 =	sadd.s32 s3, s2  }
0x8d: {  	s2 =	sadd.s32 s2, s17  }
0x8e: {  	[smem:$0x3FC5] =	sst s2  }
0x8f: {  	_ = 	snop  }
0x90: {  	s2 =	sld [smem:$0x3FC9]  }
0x91: {  	s18 =	sld [smem:$0x3FC8]  }
0x92: {  	s4 =	sld [smem:$0x3FD0];
	(tm) =	ssettm $0x1  }
0x93: {  	s5 =	sld [smem:$0x3FFB];
	_ =	sdelay $0x3  }
0x94: {  	_ =	strace s5  }
0x95: {  	s5 =	sld [smem:$0x3FFC];
	_ =	sdelay $0x3  }
0x96: {  	_ =	strace s5  }
0x97: {  	s5 =	sld [smem:$0x3FFD];
	_ =	sdelay $0x3  }
0x98: {  	_ =	strace s5  }
0x99: {  	_ =	strace $0x8FFFFFFF  }
0x9a: {  	s19 =	sld [smem:$0x3FDB];
	_ =	sdelay $0x1  }
0x9b: {  	s6 =	simm.s32 $_scs_section_size  }
0x9c: {  	s7 =	simm.s32 $_size__tile_overlayer_lowered;
	s8 =	simm.s32 $_tile_overlayer_lowered  }
0x9d: {  	s22 =	simm.s32 $0x1BFF;
	s21 =	sshll.u32 s8, $0x1;
	s5 =	sadd.s32 s6, s19  }
0x9e: {  	s9 =	simm.s32 $0x0;
	s20 =	sshll.u32 s7, $0x1;
	s7 =	sadd.s32 s21, s5  }
0x9f: {  	[timem:s9], [sflag:s22] =	dma.local [hbm:s7], s20  }
0xa0: {  	_ =	swait.ge [sflag:s22], s20  }
0xa1: {  	s6 =	ssub.s32 $0x0, s20;
	[sflag:s22] =	ssyncset.done $0x0  }
0xa2: {  	[sflag:s22] =	ssyncadd.s32 s6;
	_ =	sdelay $0x1  }
0xa3: {  	s23 =	simm.s32 $0x1B8B  }
0xa4: {  	_ =	swait.ge [sflag:s23], $0x1  }
0xa5: {  	[sflag:s23] =	ssyncset.done $0x0  }
0xa6: {  	s25 =	simm.s32 $0x1B8E;
	s24 =	sld [smem:$0x3FFE];
	[sflag:s23] =	ssyncadd.s32 $0xFFFFFFFF  }
0xa7: {  	s26 =	simm.s32 $execute0_lowered;
	[smem:$0x3FD2] =	sst s25  }
0xa8: {  	s7 =	sshll.u32 s26, $0x1;
	_ =	strace $0x80000046;
	[dreg:$0x1] =	wrdreg $0xFFFFFFFF  }
0xa9: {  	s28 =	simm.s32 $_size_execute0_lowered;
	s5 =	sadd.s32 s5, s7;
	[dreg:$0x0] =	wrdreg $0x0  }
0xaa: {  	s7 =	sshll.u32 s28, $0x1;
	[dreg:$0x2] =	wrdreg s5  }
0xab: {  	[dreg:$0x3] =	wrdreg s7  }
0xac: {  	[dreg:$0x4] =	wrdreg $0xC0  }
0xad: {  	_ =	task [dreg:s9], $0x5FFFF  }
0xae: {  	[dreg:$0x1] =	wrdreg $0xFFFFFFFF  }
0xaf: {  	[dreg:$0x0] =	wrdreg $0x60  }
0xb0: {  	[dreg:$0x2] =	wrdreg s2  }
0xb1: {  	[dreg:$0x3] =	wrdreg s18  }
0xb2: {  	[dreg:$0x4] =	wrdreg s24  }
0xb3: {  	[dreg:$0x5] =	wrdreg s4  }
0xb4: {  	[dreg:$0x6] =	wrdreg $0x9  }
0xb5: {  	_ =	task.clear_ibuf [dreg:s9], $0x7FFFF;
	_ =	strace $0x90000046  }
0xb6: {  	s29 =	simm.s32 $0x9;
	_ =	strace $0x80000048  }
0xb7: {  	_ =	swait.ge [sflag:s29], $0x1  }
0xb8: {  	[sflag:s29] =	ssyncadd.s32 $0xFFFFFFFF  }
0xb9: {  	_ =	strace $0x90000048  }
0xba: {  	_ =	sfence  }
0xbb: {  	s30 =	sld [smem:$0x0];
	_ =	sdelay $0x2  }
0xbc: {  	s31 =	sshll.u32 s1, $0xD;
	s1 =	sshrl.u32 s1, $0x2  }
0xbd: {  	s3 =	sand.u32 $0x4000, s31;
	s1 =	sadd.s32 s1, s30  }
0xbe: {  	s0 =	sor.u32 s3, s0;
	s1 =	sshll.u32 s1, $0x11  }
0xbf: {  	s0 =	sor.u32 s1, s0  }
0xc0: {  	s0 =	sadd.s32 $0x8F2B, s0  }
0xc1: {  	[sflag:s0] =	ssyncadd.remote.s32 $0x1  }
0xc2: {  	_ =	sfence.sel $0xFFFF  }
0xc3: {  	[dreg:$0x0] =	wrdreg $0xFFFFFFFF;
	(pc) =	sbr.abs _section_cstart, $3  }
0xc4: {  	[dreg:$0x1] =	wrdreg $0xFFFFFFFF  }
0xc5: {  	_ =	task.clear_ibuf [dreg:s9], $0x2FFFF;
	_ =	strace $0x9FFFFFFF  }
0xc6: {  	(tm) =	ssettm $0x7FFFFFFF  }
0xc7: {  	_ =	shalt  }
tec
execute0_lowered:
.L_overlay_start_1:
0x0: {  	(tag) =	ssettag $0x1  }
0x1: {  	s0 =	rddreg [dreg:$0x0]  }
0x2: {  	s2 =	rddreg [dreg:$0x1]  }
0x3: {  	s3 =	rddreg [dreg:$0x2]  }
0x4: {  	s4 =	srdreg.scid;
	s5 =	rddreg [dreg:$0x3]  }
0x5: {  	s1 =	simm.s32 $0x0;
	s8 =	stileid.u32;
	s4 =	sand.u32 $0x1, s4  }
0x6: {  	s8 =	sshll.u32 s8, $0xF;
	s6 =	ssub.s32 $0x2, s4;
	s4 =	sshll.u32 s4, $0xE  }
0x7: {  	[smem:$0x7FF] =	sst s1;
	s7 =	sshrl.u32 s6, $0x1;
	s4 =	sor.u32 s4, s8  }
0x8: {  	s3 =	sadd.s32 $0x400, s3;
	s6 =	ssub.s32 s6, s7;
	s19 =	sadd.s32 s2, s4  }
0x9: {  	s20 =	sor.u32 $0x800, s4;
	s22 =	sor.u32 $0x1000, s4;
	s25 =	sor.u32 $0x1800, s4  }
0xa: {  	s26 =	sor.u32 $0x2800, s4;
	s8 =	sor.u32 $0x3000, s4;
	[dreg:$0x10] =	wrdreg s6  }
0xb: {  	s6 =	sadd.s32 s0, s4;
	[dreg:$0x6] =	wrdreg s19;
	s9 =	sadd.s32 s0, s20  }
0xc: {  	s21 =	sadd.s32 s2, s20;
	s10 =	sadd.s32 s3, s20;
	s11 =	sadd.s32 s0, s22  }
0xd: {  	s23 =	sadd.s32 s2, s22;
	s24 =	sadd.s32 s3, s22;
	s7 =	sadd.s32 s5, s20  }
0xe: {  	s12 =	sadd.s32 s2, s25;
	s19 =	sor.u32 $0x2000, s4;
	[dreg:$0x8] =	wrdreg s21  }
0xf: {  	s13 =	sadd.s32 s3, s25;
	s14 =	sadd.s32 s5, s22;
	[dreg:$0xa] =	wrdreg s11  }
0x10: {  	s18 =	sadd.s32 s5, s25;
	s20 =	sadd.s32 s3, s4;
	[dreg:$0xb] =	wrdreg s23  }
0x11: {  	s22 =	sadd.s32 s0, s26;
	s30 =	sadd.s32 s2, s8;
	[dreg:$0xc] =	wrdreg s24  }
0x12: {  	s28 =	sadd.s32 s3, s8;
	[dreg:$0xd] =	wrdreg s7;
	s11 =	sadd.s32 s0, s25  }
0x13: {  	s15 =	sadd.s32 s0, s19;
	s16 =	sadd.s32 s2, s19;
	s17 =	sadd.s32 s3, s19  }
0x14: {  	s21 =	sadd.s32 s5, s4;
	s4 =	sor.u32 $0x3800, s4;
	s23 =	sadd.s32 s2, s26  }
0x15: {  	s24 =	sadd.s32 s3, s26;
	s25 =	sadd.s32 s5, s26;
	s26 =	sadd.s32 s0, s8  }
0x16: {  	s29 =	sadd.s32 s0, s4;
	_ =	strace $0x80000047;
	[dreg:$0x7] =	wrdreg s9  }
0x17: {  	s31 =	sadd.s32 s2, s4;
	s0 =	sadd.s32 s3, s4;
	[dreg:$0x9] =	wrdreg s10  }
0x18: {  	s2 =	sadd.s32 s5, s8;
	s8 =	smov.u32 s6;
	s7 =	rddreg [dreg:$0x10]  }
0x19: {  	s3 =	sadd.s32 s5, s4;
	[dreg:$0x5] =	wrdreg s8;
	s4 =	smax.u32 s7, $0x1  }
0x1a: {  	s19 =	sadd.s32 s5, s19;
	s6 =	simm.s32 $0x0;
	[dreg:$0xe] =	wrdreg s4  }
.LBB2_1:
0x1b: {  	[dreg:$0xf] =	wrdreg s6;
	s4 =	simm.s32 $0x10  }
0x1c: {  	s7 =	sadd.s32 $0x0, s8;
	s5 =	simm.s32 $0x100;
	s6 =	simm.s32 $0x0  }
.LBB2_2:
0x1d: {  	[tilespmem:s6], [sflag:$0x1] =	stream.linear.gather [hbm4b:s7+s1], $0x80, $0x38;
	v63 =	vld [tilespmem:$0x0]  }
0x1e: {  	s7 =	smov.u32 s4;
	s6 =	smov.u32 s5;
	p0 =	sne.s32 s4, $0x7F0  }
.Ltmp0:
0x1f: {  	s4 =	sadd.s32 $0x10, s4;
	(pc) =	sbr.rel @p0 .LBB2_2-.Ltmp0, $2  }
0x20: {  	_ =	sdelay $0x2  }
0x21: {  	s5 =	sadd.s32 $0x100, s5;
	s7 =	sadd.s32 s7, s8  }
0x22: {  	[tilespmem:s6], [sflag:$0x1] =	stream.linear.gather [hbm4b:s7+s1], $0x80, $0x38;
	v63 =	vld [tilespmem:$0x0]  }
0x23: {  	s4 =	simm.s32 $0x8000;
	s9 =	rddreg [dreg:$0x6]  }
0x24: {  	s5 =	simm.s32 $0x10;
	s6 =	simm.s32 $0x8100;
	s7 =	sadd.s32 $0x0, s9  }
.LBB2_4:
0x25: {  	[tilespmem:s4], [sflag:$0x3] =	stream.linear.gather [hbm4b:s7+s1], $0x80, $0x38;
	v63 =	vld [tilespmem:$0x0]  }
0x26: {  	s7 =	smov.u32 s5;
	s4 =	smov.u32 s6;
	p0 =	sne.s32 s5, $0x7F0  }
.Ltmp1:
0x27: {  	s5 =	sadd.s32 $0x10, s5;
	(pc) =	sbr.rel @p0 .LBB2_4-.Ltmp1, $2  }
0x28: {  	_ =	sdelay $0x2  }
0x29: {  	s6 =	sadd.s32 $0x100, s6;
	s7 =	sadd.s32 s7, s9  }
0x2a: {  	[tilespmem:s4], [sflag:$0x3] =	stream.linear.gather [hbm4b:s7+s1], $0x80, $0x38;
	v63 =	vld [tilespmem:$0x0]  }
0x2b: {  	s4 =	simm.s32 $0x10000  }
0x2c: {  	s5 =	simm.s32 $0x10;
	s7 =	sadd.s32 $0x0, s20;
	s6 =	simm.s32 $0x10100  }
.LBB2_6:
0x2d: {  	[tilespmem:s4], [sflag:$0x5] =	stream.linear.gather [hbm4b:s7+s1], $0x80, $0x38;
	v63 =	vld [tilespmem:$0x0]  }
0x2e: {  	s7 =	smov.u32 s5;
	s4 =	smov.u32 s6;
	p0 =	sne.s32 s5, $0x7F0  }
.Ltmp2:
0x2f: {  	s5 =	sadd.s32 $0x10, s5;
	(pc) =	sbr.rel @p0 .LBB2_6-.Ltmp2, $2  }
0x30: {  	_ =	sdelay $0x2  }
0x31: {  	s6 =	sadd.s32 $0x100, s6;
	s7 =	sadd.s32 s7, s20  }
0x32: {  	[tilespmem:s4], [sflag:$0x5] =	stream.linear.gather [hbm4b:s7+s1], $0x80, $0x38;
	v63 =	vld [tilespmem:$0x0]  }
0x33: {  	s4 =	simm.s32 $0x80;
	s9 =	rddreg [dreg:$0x7]  }
0x34: {  	s5 =	simm.s32 $0x10;
	s6 =	simm.s32 $0x180;
	s7 =	sadd.s32 $0x0, s9  }
.LBB2_8:
0x35: {  	[tilespmem:s4], [sflag:$0x2] =	stream.linear.gather [hbm4b:s7+s1], $0x80, $0x38;
	v63 =	vld [tilespmem:$0x0]  }
0x36: {  	s7 =	smov.u32 s5;
	s4 =	smov.u32 s6;
	p0 =	sne.s32 s5, $0x7F0  }
.Ltmp3:
0x37: {  	s5 =	sadd.s32 $0x10, s5;
	(pc) =	sbr.rel @p0 .LBB2_8-.Ltmp3, $2  }
0x38: {  	_ =	sdelay $0x2  }
0x39: {  	s6 =	sadd.s32 $0x100, s6;
	s7 =	sadd.s32 s7, s9  }
0x3a: {  	[tilespmem:s4], [sflag:$0x2] =	stream.linear.gather [hbm4b:s7+s1], $0x80, $0x38;
	v63 =	vld [tilespmem:$0x0]  }
0x3b: {  	s4 =	simm.s32 $0x8080;
	s10 =	rddreg [dreg:$0x8]  }
0x3c: {  	s5 =	simm.s32 $0x10;
	s6 =	simm.s32 $0x8180;
	s7 =	sadd.s32 $0x0, s10  }
.LBB2_10:
0x3d: {  	[tilespmem:s4], [sflag:$0x4] =	stream.linear.gather [hbm4b:s7+s1], $0x80, $0x38;
	v63 =	vld [tilespmem:$0x0]  }
0x3e: {  	s7 =	smov.u32 s5;
	s4 =	smov.u32 s6;
	p0 =	sne.s32 s5, $0x7F0  }
.Ltmp4:
0x3f: {  	s5 =	sadd.s32 $0x10, s5;
	(pc) =	sbr.rel @p0 .LBB2_10-.Ltmp4, $2  }
0x40: {  	_ =	sdelay $0x2  }
0x41: {  	s6 =	sadd.s32 $0x100, s6;
	s7 =	sadd.s32 s7, s10  }
0x42: {  	[tilespmem:s4], [sflag:$0x4] =	stream.linear.gather [hbm4b:s7+s1], $0x80, $0x38;
	v63 =	vld [tilespmem:$0x0]  }
0x43: {  	s4 =	simm.s32 $0x10080;
	s10 =	rddreg [dreg:$0x9]  }
0x44: {  	s5 =	simm.s32 $0x10;
	s6 =	simm.s32 $0x10180;
	s7 =	sadd.s32 $0x0, s10  }
.LBB2_12:
0x45: {  	[tilespmem:s4], [sflag:$0x6] =	stream.linear.gather [hbm4b:s7+s1], $0x80, $0x38;
	v63 =	vld [tilespmem:$0x0]  }
0x46: {  	s7 =	smov.u32 s5;
	s4 =	smov.u32 s6;
	p0 =	sne.s32 s5, $0x7F0  }
.Ltmp5:
0x47: {  	s5 =	sadd.s32 $0x10, s5;
	(pc) =	sbr.rel @p0 .LBB2_12-.Ltmp5, $2  }
0x48: {  	_ =	sdelay $0x2  }
0x49: {  	s6 =	sadd.s32 $0x100, s6;
	s7 =	sadd.s32 s7, s10  }
0x4a: {  	[tilespmem:s4], [sflag:$0x6] =	stream.linear.gather [hbm4b:s7+s1], $0x80, $0x38;
	v63 =	vld [tilespmem:$0x0]  }
0x4b: {  	s8 =	simm.s32 $0x1  }
0x4c: {  	_ =	swait.ge [sflag:s8], $0x4000  }
0x4d: {  	[sflag:s8] =	ssyncset.done $0x0  }
0x4e: {  	s9 =	simm.s32 $0x3;
	[sflag:s8] =	ssyncadd.s32 $0xFFFFC000  }
0x4f: {  	_ =	swait.ge [sflag:s9], $0x4000  }
0x50: {  	[sflag:s9] =	ssyncset.done $0x0  }
0x51: {  	s10 =	simm.s32 $0x5;
	[sflag:s9] =	ssyncadd.s32 $0xFFFFC000  }
0x52: {  	_ =	swait.ge [sflag:s10], $0x4000  }
0x53: {  	[sflag:s10] =	ssyncset.done $0x0  }
0x54: {  	s6 =	simm.s32 $0x40;
	[sflag:s10] =	ssyncadd.s32 $0xFFFFC000  }
0x55: {  	s4 =	simm.s32 $0x8040;
	v0 =	vld [tilespmem:s6+$0x30]  }
0x56: {  	v1 =	vld [tilespmem:s4+$0x30]  }
0x57: {  	v3 =	vld [tilespmem:s4+$0xFFFFFFC0]  }
0x58: {  	s5 =	simm.s32 $0x10040;
	v2 =	vld [tilespmem:s6+$0xFFFFFFD0]  }
0x59: {  	v4 =	vld [tilespmem:s5+$0x30]  }
0x5a: {  	v5 =	vld [tilespmem:s4+$0xFFFFFFD0]  }
0x5b: {  	v6 =	vld [tilespmem:s6+$0xFFFFFFE0]  }
0x5c: {  	v7 =	vld [tilespmem:s4+$0xFFFFFFE0]  }
0x5d: {  	v8 =	vld [tilespmem:s6+$0xFFFFFFF0]  }
0x5e: {  	v9 =	vld [tilespmem:s4+$0xFFFFFFF0]  }
0x5f: {  	v10 =	vld [tilespmem:s6+$0x0]  }
0x60: {  	v11 =	vld [tilespmem:s4+$0x0]  }
0x61: {  	v12 =	vld [tilespmem:s6+$0x10]  }
0x62: {  	v13 =	vld [tilespmem:s4+$0x10]  }
0x63: {  	v14 =	vld [tilespmem:s6+$0x20]  }
0x64: {  	v15 =	vld [tilespmem:s4+$0x20]  }
0x65: {  	v0 =	vsub.f32 v0, v1;
	v1 =	vld [tilespmem:s6+$0xFFFFFFC0]  }
0x66: {  	v2 =	vsub.f32 v2, v5;
	v5 =	vld [tilespmem:s5+$0xFFFFFFC0]  }
0x67: {  	v7 =	vsub.f32 v6, v7;
	v8 =	vsub.f32 v8, v9;
	v9 =	vld [tilespmem:s5+$0xFFFFFFD0];
	vm0 =	veq.s32 v4, $0x0  }
0x68: {  	v11 =	vsub.f32 v10, v11;
	v12 =	vsub.f32 v12, v13;
	v10 =	vld [tilespmem:s5+$0xFFFFFFE0];
	v0 =	vmul.f32 v0, v0  }
0x69: {  	v14 =	vsub.f32 v14, v15;
	v6 =	vld [tilespmem:s5+$0xFFFFFFF0];
	v4 =	vmul.f32 v2, v2;
	v2 =	vmul.f32 v7, v7  }
0x6a: {  	v7 =	vld [tilespmem:s5+$0x0];
	v61 =	vsel vm0, $0x0, v0;
	v0 =	vmul.f32 v8, v8;
	v62 =	vsub.f32 v1, v3  }
0x6b: {  	s6 =	simm.s32 $0x18040;
	v8 =	vld [tilespmem:s5+$0x10];
	v3 =	vmul.f32 v11, v11;
	v1 =	vmul.f32 v12, v12;
	vm0 =	veq.s32 v5, $0x0  }
0x6c: {  	s7 =	simm.s32 $0x0;
	s8 =	simm.s32 $0x140;
	[tilespmem:s6+$0x30] =	vst v61;
	v5 =	vmul.f32 v14, v14;
	vm1 =	veq.s32 v9, $0x0;
	v9 =	vld [tilespmem:s5+$0x20];
	v11 =	vmul.f32 v62, v62  }
.LBB2_14:
0x6d: {  	v12 =	vld [tilespmem:s8+$0x30];
	v4 =	vsel vm1, $0x0, v4;
	vm1 =	veq.s32 v10, $0x0;
	s4 =	sadd.s32 $0x100, s4  }
0x6e: {  	s7 =	sadd.s32 $0x80, s7;
	v10 =	vld [tilespmem:s4+$0x30];
	v11 =	vsel vm0, $0x0, v11;
	[tilespmem:s6+$0xFFFFFFD0] =	vst v4;
	v2 =	vsel vm1, $0x0, v2;
	vm0 =	veq.s32 v6, $0x0  }
0x6f: {  	p0 =	slt.u32 s7, $0x3F80;
	v13 =	vld [tilespmem:s4+$0xFFFFFFC0];
	[tilespmem:s6+$0xFFFFFFC0] =	vst v11;
	v0 =	vsel vm0, $0x0, v0;
	vm0 =	veq.s32 v7, $0x0  }
0x70: {  	s5 =	sadd.s32 $0x100, s5;
	v4 =	vld [tilespmem:s8+$0xFFFFFFD0];
	[tilespmem:s6+$0xFFFFFFE0] =	vst v2;
	v2 =	vsel vm0, $0x0, v3;
	vm0 =	veq.s32 v8, $0x0  }
0x71: {  	v3 =	vld [tilespmem:s5+$0x30];
	[tilespmem:s6+$0xFFFFFFF0] =	vst v0;
	v0 =	vsel vm0, $0x0, v1;
	vm0 =	veq.s32 v9, $0x0  }
0x72: {  	v1 =	vld [tilespmem:s4+$0xFFFFFFD0];
	[tilespmem:s6+$0x0] =	vst v2;
	v2 =	vsel vm0, $0x0, v5  }
0x73: {  	v5 =	vld [tilespmem:s8+$0xFFFFFFE0];
	v6 =	vsub.f32 v12, v10;
	[tilespmem:s6+$0x10] =	vst v0  }
0x74: {  	v0 =	vld [tilespmem:s4+$0xFFFFFFE0];
	[tilespmem:s6+$0x20] =	vst v2  }
0x75: {  	v7 =	vld [tilespmem:s8+$0xFFFFFFF0];
	v2 =	vmul.f32 v6, v6  }
0x76: {  	v6 =	vld [tilespmem:s4+$0xFFFFFFF0];
	vm0 =	veq.s32 v3, $0x0  }
0x77: {  	s6 =	sadd.s32 $0x100, s6;
	v1 =	vsub.f32 v4, v1;
	v3 =	vld [tilespmem:s8+$0x0];
	v2 =	vsel vm0, $0x0, v2  }
0x78: {  	v8 =	vld [tilespmem:s4+$0x0];
	[tilespmem:s6+$0x30] =	vst v2  }
0x79: {  	v4 =	vmul.f32 v1, v1;
	v0 =	vsub.f32 v5, v0;
	v1 =	vld [tilespmem:s8+$0x10]  }
0x7a: {  	v5 =	vld [tilespmem:s4+$0x10]  }
0x7b: {  	v2 =	vmul.f32 v0, v0;
	v0 =	vsub.f32 v7, v6;
	v7 =	vld [tilespmem:s8+$0x20]  }
0x7c: {  	v9 =	vld [tilespmem:s4+$0x20]  }
0x7d: {  	v11 =	vld [tilespmem:s8+$0xFFFFFFC0];
	v0 =	vmul.f32 v0, v0;
	v3 =	vsub.f32 v3, v8  }
0x7e: {  	v8 =	vld [tilespmem:s5+$0xFFFFFFC0]  }
0x7f: {  	v12 =	vld [tilespmem:s5+$0xFFFFFFD0];
	v3 =	vmul.f32 v3, v3;
	v1 =	vsub.f32 v1, v5  }
.Ltmp6:
0x80: {  	v10 =	vld [tilespmem:s5+$0xFFFFFFE0];
	(pc) =	sbr.rel @p0 .LBB2_14-.Ltmp6, $4  }
0x81: {  	v6 =	vld [tilespmem:s5+$0xFFFFFFF0];
	v1 =	vmul.f32 v1, v1;
	v5 =	vsub.f32 v7, v9  }
0x82: {  	v9 =	vsub.f32 v11, v13;
	v7 =	vld [tilespmem:s5+$0x0]  }
0x83: {  	vm0 =	veq.s32 v8, $0x0;
	v8 =	vld [tilespmem:s5+$0x10];
	v5 =	vmul.f32 v5, v5  }
0x84: {  	s8 =	sadd.s32 $0x100, s8;
	v11 =	vmul.f32 v9, v9;
	vm1 =	veq.s32 v12, $0x0;
	v9 =	vld [tilespmem:s5+$0x20]  }
0x85: {  	v4 =	vsel vm1, $0x0, v4  }
0x86: {  	vm11 =	veq.s32 v10, $0x0;
	v59 =	vsel vm0, $0x0, v11;
	[tilespmem:s6+$0xFFFFFFD0] =	vst v4  }
0x87: {  	v2 =	vsel vm11, $0x0, v2;
	vm12 =	veq.s32 v6, $0x0;
	[tilespmem:s6+$0xFFFFFFC0] =	vst v59  }
0x88: {  	v0 =	vsel vm12, $0x0, v0;
	vm13 =	veq.s32 v7, $0x0;
	[tilespmem:s6+$0xFFFFFFE0] =	vst v2  }
0x89: {  	v60 =	vsel vm13, $0x0, v3;
	vm14 =	veq.s32 v8, $0x0;
	[tilespmem:s6+$0xFFFFFFF0] =	vst v0  }
0x8a: {  	v61 =	vsel vm14, $0x0, v1;
	vm15 =	veq.s32 v9, $0x0;
	[tilespmem:s6+$0x0] =	vst v60  }
0x8b: {  	s4 =	simm.s32 $0x18000;
	v62 =	vsel vm15, $0x0, v5;
	[tilespmem:s6+$0x10] =	vst v61  }
0x8c: {  	s5 =	simm.s32 $0x10;
	s7 =	sadd.s32 $0x0, s21;
	[tilespmem:s6+$0x20] =	vst v62;
	s6 =	simm.s32 $0x18100  }
.LBB2_16:
0x8d: {  	[hbm4b:s7+s1] =	stream.linear.scatter [tilespmem:s4], [sflag:$0x7], $0x80, $0x38;
	v63 =	vld [tilespmem:$0x0]  }
0x8e: {  	s7 =	smov.u32 s5;
	s4 =	smov.u32 s6;
	p0 =	sne.s32 s5, $0x7F0  }
.Ltmp7:
0x8f: {  	s5 =	sadd.s32 $0x10, s5;
	(pc) =	sbr.rel @p0 .LBB2_16-.Ltmp7, $2  }
0x90: {  	_ =	sdelay $0x2  }
0x91: {  	s6 =	sadd.s32 $0x100, s6;
	s7 =	sadd.s32 s7, s21  }
0x92: {  	[hbm4b:s7+s1] =	stream.linear.scatter [tilespmem:s4], [sflag:$0x7], $0x80, $0x38;
	v63 =	vld [tilespmem:$0x0]  }
0x93: {  	s4 =	simm.s32 $0x0;
	s8 =	rddreg [dreg:$0xa]  }
0x94: {  	s5 =	simm.s32 $0x10;
	s6 =	simm.s32 $0x100;
	s7 =	sadd.s32 $0x0, s8  }
.LBB2_18:
0x95: {  	[tilespmem:s4], [sflag:$0x1] =	stream.linear.gather [hbm4b:s7+s1], $0x80, $0x38;
	v63 =	vld [tilespmem:$0x0]  }
0x96: {  	s7 =	smov.u32 s5;
	s4 =	smov.u32 s6;
	p0 =	sne.s32 s5, $0x7F0  }
.Ltmp8:
0x97: {  	s5 =	sadd.s32 $0x10, s5;
	(pc) =	sbr.rel @p0 .LBB2_18-.Ltmp8, $2  }
0x98: {  	_ =	sdelay $0x2  }
0x99: {  	s6 =	sadd.s32 $0x100, s6;
	s7 =	sadd.s32 s7, s8  }
0x9a: {  	[tilespmem:s4], [sflag:$0x1] =	stream.linear.gather [hbm4b:s7+s1], $0x80, $0x38;
	v63 =	vld [tilespmem:$0x0]  }
0x9b: {  	s4 =	simm.s32 $0x8000;
	s8 =	rddreg [dreg:$0xb]  }
0x9c: {  	s5 =	simm.s32 $0x10;
	s6 =	simm.s32 $0x8100;
	s7 =	sadd.s32 $0x0, s8  }
.LBB2_20:
0x9d: {  	[tilespmem:s4], [sflag:$0x3] =	stream.linear.gather [hbm4b:s7+s1], $0x80, $0x38;
	v63 =	vld [tilespmem:$0x0]  }
0x9e: {  	s7 =	smov.u32 s5;
	s4 =	smov.u32 s6;
	p0 =	sne.s32 s5, $0x7F0  }
.Ltmp9:
0x9f: {  	s5 =	sadd.s32 $0x10, s5;
	(pc) =	sbr.rel @p0 .LBB2_20-.Ltmp9, $2  }
0xa0: {  	_ =	sdelay $0x2  }
0xa1: {  	s6 =	sadd.s32 $0x100, s6;
	s7 =	sadd.s32 s7, s8  }
0xa2: {  	[tilespmem:s4], [sflag:$0x3] =	stream.linear.gather [hbm4b:s7+s1], $0x80, $0x38;
	v63 =	vld [tilespmem:$0x0]  }
0xa3: {  	s4 =	simm.s32 $0x10000;
	s8 =	rddreg [dreg:$0xc]  }
0xa4: {  	s5 =	simm.s32 $0x10;
	s6 =	simm.s32 $0x10100;
	s7 =	sadd.s32 $0x0, s8  }
.LBB2_22:
0xa5: {  	[tilespmem:s4], [sflag:$0x5] =	stream.linear.gather [hbm4b:s7+s1], $0x80, $0x38;
	v63 =	vld [tilespmem:$0x0]  }
0xa6: {  	s7 =	smov.u32 s5;
	s4 =	smov.u32 s6;
	p0 =	sne.s32 s5, $0x7F0  }
.Ltmp10:
0xa7: {  	s5 =	sadd.s32 $0x10, s5;
	(pc) =	sbr.rel @p0 .LBB2_22-.Ltmp10, $2  }
0xa8: {  	_ =	sdelay $0x2  }
0xa9: {  	s6 =	sadd.s32 $0x100, s6;
	s7 =	sadd.s32 s7, s8  }
0xaa: {  	[tilespmem:s4], [sflag:$0x5] =	stream.linear.gather [hbm4b:s7+s1], $0x80, $0x38;
	v63 =	vld [tilespmem:$0x0]  }
0xab: {  	s8 =	simm.s32 $0x2  }
0xac: {  	_ =	swait.ge [sflag:s8], $0x4000  }
0xad: {  	[sflag:s8] =	ssyncset.done $0x0  }
0xae: {  	s9 =	simm.s32 $0x4;
	[sflag:s8] =	ssyncadd.s32 $0xFFFFC000  }
0xaf: {  	_ =	swait.ge [sflag:s9], $0x4000  }
0xb0: {  	[sflag:s9] =	ssyncset.done $0x0  }
0xb1: {  	s10 =	simm.s32 $0x6;
	[sflag:s9] =	ssyncadd.s32 $0xFFFFC000  }
0xb2: {  	_ =	swait.ge [sflag:s10], $0x4000  }
0xb3: {  	[sflag:s10] =	ssyncset.done $0x0  }
0xb4: {  	s6 =	simm.s32 $0xF0;
	[sflag:s10] =	ssyncadd.s32 $0xFFFFC000  }
0xb5: {  	s4 =	simm.s32 $0x80F0;
	v0 =	vld [tilespmem:s6+$0x0]  }
0xb6: {  	v1 =	vld [tilespmem:s4+$0x0]  }
0xb7: {  	v3 =	vld [tilespmem:s4+$0xFFFFFF90]  }
0xb8: {  	s5 =	simm.s32 $0x100F0;
	v2 =	vld [tilespmem:s6+$0xFFFFFFA0]  }
0xb9: {  	v4 =	vld [tilespmem:s5+$0x0]  }
0xba: {  	v5 =	vld [tilespmem:s4+$0xFFFFFFA0]  }
0xbb: {  	v6 =	vld [tilespmem:s6+$0xFFFFFFB0]  }
0xbc: {  	v7 =	vld [tilespmem:s4+$0xFFFFFFB0]  }
0xbd: {  	v8 =	vld [tilespmem:s6+$0xFFFFFFC0]  }
0xbe: {  	v9 =	vld [tilespmem:s4+$0xFFFFFFC0]  }
0xbf: {  	v10 =	vld [tilespmem:s6+$0xFFFFFFD0]  }
0xc0: {  	v11 =	vld [tilespmem:s4+$0xFFFFFFD0]  }
0xc1: {  	v12 =	vld [tilespmem:s6+$0xFFFFFFE0]  }
0xc2: {  	v13 =	vld [tilespmem:s4+$0xFFFFFFE0]  }
0xc3: {  	v14 =	vld [tilespmem:s6+$0xFFFFFFF0]  }
0xc4: {  	v15 =	vld [tilespmem:s4+$0xFFFFFFF0]  }
0xc5: {  	v0 =	vsub.f32 v0, v1;
	v1 =	vld [tilespmem:s6+$0xFFFFFF90]  }
0xc6: {  	v2 =	vsub.f32 v2, v5;
	v5 =	vld [tilespmem:s5+$0xFFFFFF90]  }
0xc7: {  	v7 =	vsub.f32 v6, v7;
	v8 =	vsub.f32 v8, v9;
	v9 =	vld [tilespmem:s5+$0xFFFFFFA0];
	vm0 =	veq.s32 v4, $0x0  }
0xc8: {  	v11 =	vsub.f32 v10, v11;
	v12 =	vsub.f32 v12, v13;
	v10 =	vld [tilespmem:s5+$0xFFFFFFB0];
	v0 =	vmul.f32 v0, v0  }
0xc9: {  	v14 =	vsub.f32 v14, v15;
	v6 =	vld [tilespmem:s5+$0xFFFFFFC0];
	v4 =	vmul.f32 v2, v2;
	v2 =	vmul.f32 v7, v7  }
0xca: {  	v7 =	vld [tilespmem:s5+$0xFFFFFFD0];
	v61 =	vsel vm0, $0x0, v0;
	v0 =	vmul.f32 v8, v8;
	v62 =	vsub.f32 v1, v3  }
0xcb: {  	s6 =	simm.s32 $0x180F0;
	v8 =	vld [tilespmem:s5+$0xFFFFFFE0];
	v3 =	vmul.f32 v11, v11;
	v1 =	vmul.f32 v12, v12;
	vm0 =	veq.s32 v5, $0x0  }
0xcc: {  	s7 =	simm.s32 $0x0;
	s8 =	simm.s32 $0x1F0;
	[tilespmem:s6+$0x0] =	vst v61;
	v5 =	vmul.f32 v14, v14;
	vm1 =	veq.s32 v9, $0x0;
	v9 =	vld [tilespmem:s5+$0xFFFFFFF0];
	v11 =	vmul.f32 v62, v62  }
.LBB2_24:
0xcd: {  	v12 =	vld [tilespmem:s8+$0x0];
	v4 =	vsel vm1, $0x0, v4;
	vm1 =	veq.s32 v10, $0x0;
	s4 =	sadd.s32 $0x100, s4  }
0xce: {  	s7 =	sadd.s32 $0x80, s7;
	v10 =	vld [tilespmem:s4+$0x0];
	v11 =	vsel vm0, $0x0, v11;
	[tilespmem:s6+$0xFFFFFFA0] =	vst v4;
	v2 =	vsel vm1, $0x0, v2;
	vm0 =	veq.s32 v6, $0x0  }
0xcf: {  	p0 =	slt.u32 s7, $0x3F80;
	v13 =	vld [tilespmem:s4+$0xFFFFFF90];
	[tilespmem:s6+$0xFFFFFF90] =	vst v11;
	v0 =	vsel vm0, $0x0, v0;
	vm0 =	veq.s32 v7, $0x0  }
0xd0: {  	s5 =	sadd.s32 $0x100, s5;
	v4 =	vld [tilespmem:s8+$0xFFFFFFA0];
	[tilespmem:s6+$0xFFFFFFB0] =	vst v2;
	v2 =	vsel vm0, $0x0, v3;
	vm0 =	veq.s32 v8, $0x0  }
0xd1: {  	v3 =	vld [tilespmem:s5+$0x0];
	[tilespmem:s6+$0xFFFFFFC0] =	vst v0;
	v0 =	vsel vm0, $0x0, v1;
	vm0 =	veq.s32 v9, $0x0  }
0xd2: {  	v1 =	vld [tilespmem:s4+$0xFFFFFFA0];
	[tilespmem:s6+$0xFFFFFFD0] =	vst v2;
	v2 =	vsel vm0, $0x0, v5  }
0xd3: {  	v5 =	vld [tilespmem:s8+$0xFFFFFFB0];
	v6 =	vsub.f32 v12, v10;
	[tilespmem:s6+$0xFFFFFFE0] =	vst v0  }
0xd4: {  	v0 =	vld [tilespmem:s4+$0xFFFFFFB0];
	[tilespmem:s6+$0xFFFFFFF0] =	vst v2  }
0xd5: {  	v7 =	vld [tilespmem:s8+$0xFFFFFFC0];
	v2 =	vmul.f32 v6, v6  }
0xd6: {  	v6 =	vld [tilespmem:s4+$0xFFFFFFC0];
	vm0 =	veq.s32 v3, $0x0  }
0xd7: {  	s6 =	sadd.s32 $0x100, s6;
	v1 =	vsub.f32 v4, v1;
	v3 =	vld [tilespmem:s8+$0xFFFFFFD0];
	v2 =	vsel vm0, $0x0, v2  }
0xd8: {  	v8 =	vld [tilespmem:s4+$0xFFFFFFD0];
	[tilespmem:s6+$0x0] =	vst v2  }
0xd9: {  	v4 =	vmul.f32 v1, v1;
	v0 =	vsub.f32 v5, v0;
	v1 =	vld [tilespmem:s8+$0xFFFFFFE0]  }
0xda: {  	v5 =	vld [tilespmem:s4+$0xFFFFFFE0]  }
0xdb: {  	v2 =	vmul.f32 v0, v0;
	v0 =	vsub.f32 v7, v6;
	v7 =	vld [tilespmem:s8+$0xFFFFFFF0]  }
0xdc: {  	v9 =	vld [tilespmem:s4+$0xFFFFFFF0]  }
0xdd: {  	v11 =	vld [tilespmem:s8+$0xFFFFFF90];
	v0 =	vmul.f32 v0, v0;
	v3 =	vsub.f32 v3, v8  }
0xde: {  	v8 =	vld [tilespmem:s5+$0xFFFFFF90]  }
0xdf: {  	v12 =	vld [tilespmem:s5+$0xFFFFFFA0];
	v3 =	vmul.f32 v3, v3;
	v1 =	vsub.f32 v1, v5  }
.Ltmp11:
0xe0: {  	v10 =	vld [tilespmem:s5+$0xFFFFFFB0];
	(pc) =	sbr.rel @p0 .LBB2_24-.Ltmp11, $4  }
0xe1: {  	v6 =	vld [tilespmem:s5+$0xFFFFFFC0];
	v1 =	vmul.f32 v1, v1;
	v5 =	vsub.f32 v7, v9  }
0xe2: {  	v9 =	vsub.f32 v11, v13;
	v7 =	vld [tilespmem:s5+$0xFFFFFFD0]  }
0xe3: {  	vm0 =	veq.s32 v8, $0x0;
	v8 =	vld [tilespmem:s5+$0xFFFFFFE0];
	v5 =	vmul.f32 v5, v5  }
0xe4: {  	s8 =	sadd.s32 $0x100, s8;
	v11 =	vmul.f32 v9, v9;
	vm1 =	veq.s32 v12, $0x0;
	v9 =	vld [tilespmem:s5+$0xFFFFFFF0]  }
0xe5: {  	v4 =	vsel vm1, $0x0, v4  }
0xe6: {  	vm11 =	veq.s32 v10, $0x0;
	v59 =	vsel vm0, $0x0, v11;
	[tilespmem:s6+$0xFFFFFFA0] =	vst v4  }
0xe7: {  	v2 =	vsel vm11, $0x0, v2;
	vm12 =	veq.s32 v6, $0x0;
	[tilespmem:s6+$0xFFFFFF90] =	vst v59  }
0xe8: {  	v0 =	vsel vm12, $0x0, v0;
	vm13 =	veq.s32 v7, $0x0;
	[tilespmem:s6+$0xFFFFFFB0] =	vst v2  }
0xe9: {  	v60 =	vsel vm13, $0x0, v3;
	vm14 =	veq.s32 v8, $0x0;
	[tilespmem:s6+$0xFFFFFFC0] =	vst v0  }
0xea: {  	v61 =	vsel vm14, $0x0, v1;
	vm15 =	veq.s32 v9, $0x0;
	[tilespmem:s6+$0xFFFFFFD0] =	vst v60  }
0xeb: {  	v62 =	vsel vm15, $0x0, v5;
	[tilespmem:s6+$0xFFFFFFE0] =	vst v61  }
0xec: {  	[tilespmem:s6+$0xFFFFFFF0] =	vst v62  }
0xed: {  	s4 =	simm.s32 $0x18080;
	s8 =	rddreg [dreg:$0xd]  }
0xee: {  	s5 =	simm.s32 $0x10;
	s6 =	simm.s32 $0x18180;
	s7 =	sadd.s32 $0x0, s8  }
.LBB2_26:
0xef: {  	[hbm4b:s7+s1] =	stream.linear.scatter [tilespmem:s4], [sflag:$0x8], $0x80, $0x38;
	v63 =	vld [tilespmem:$0x0]  }
0xf0: {  	s7 =	smov.u32 s5;
	s4 =	smov.u32 s6;
	p0 =	sne.s32 s5, $0x7F0  }
.Ltmp12:
0xf1: {  	s5 =	sadd.s32 $0x10, s5;
	(pc) =	sbr.rel @p0 .LBB2_26-.Ltmp12, $2  }
0xf2: {  	_ =	sdelay $0x2  }
0xf3: {  	s6 =	sadd.s32 $0x100, s6;
	s7 =	sadd.s32 s7, s8  }
0xf4: {  	[hbm4b:s7+s1] =	stream.linear.scatter [tilespmem:s4], [sflag:$0x8], $0x80, $0x38;
	v63 =	vld [tilespmem:$0x0]  }
0xf5: {  	s4 =	simm.s32 $0x80  }
0xf6: {  	s5 =	simm.s32 $0x10;
	s7 =	sadd.s32 $0x0, s11;
	s6 =	simm.s32 $0x180  }
.LBB2_28:
0xf7: {  	[tilespmem:s4], [sflag:$0x2] =	stream.linear.gather [hbm4b:s7+s1], $0x80, $0x38;
	v63 =	vld [tilespmem:$0x0]  }
0xf8: {  	s7 =	smov.u32 s5;
	s4 =	smov.u32 s6;
	p0 =	sne.s32 s5, $0x7F0  }
.Ltmp13:
0xf9: {  	s5 =	sadd.s32 $0x10, s5;
	(pc) =	sbr.rel @p0 .LBB2_28-.Ltmp13, $2  }
0xfa: {  	_ =	sdelay $0x2  }
0xfb: {  	s6 =	sadd.s32 $0x100, s6;
	s7 =	sadd.s32 s7, s11  }
0xfc: {  	[tilespmem:s4], [sflag:$0x2] =	stream.linear.gather [hbm4b:s7+s1], $0x80, $0x38;
	v63 =	vld [tilespmem:$0x0]  }
0xfd: {  	s4 =	simm.s32 $0x8080  }
0xfe: {  	s5 =	simm.s32 $0x10;
	s7 =	sadd.s32 $0x0, s12;
	s6 =	simm.s32 $0x8180  }
.LBB2_30:
0xff: {  	[tilespmem:s4], [sflag:$0x4] =	stream.linear.gather [hbm4b:s7+s1], $0x80, $0x38;
	v63 =	vld [tilespmem:$0x0]  }
0x100: {  	s7 =	smov.u32 s5;
	s4 =	smov.u32 s6;
	p0 =	sne.s32 s5, $0x7F0  }
.Ltmp14:
0x101: {  	s5 =	sadd.s32 $0x10, s5;
	(pc) =	sbr.rel @p0 .LBB2_30-.Ltmp14, $2  }
0x102: {  	_ =	sdelay $0x2  }
0x103: {  	s6 =	sadd.s32 $0x100, s6;
	s7 =	sadd.s32 s7, s12  }
0x104: {  	[tilespmem:s4], [sflag:$0x4] =	stream.linear.gather [hbm4b:s7+s1], $0x80, $0x38;
	v63 =	vld [tilespmem:$0x0]  }
0x105: {  	s4 =	simm.s32 $0x10080  }
0x106: {  	s5 =	simm.s32 $0x10;
	s7 =	sadd.s32 $0x0, s13;
	s6 =	simm.s32 $0x10180  }
.LBB2_32:
0x107: {  	[tilespmem:s4], [sflag:$0x6] =	stream.linear.gather [hbm4b:s7+s1], $0x80, $0x38;
	v63 =	vld [tilespmem:$0x0]  }
0x108: {  	s7 =	smov.u32 s5;
	s4 =	smov.u32 s6;
	p0 =	sne.s32 s5, $0x7F0  }
.Ltmp15:
0x109: {  	s5 =	sadd.s32 $0x10, s5;
	(pc) =	sbr.rel @p0 .LBB2_32-.Ltmp15, $2  }
0x10a: {  	_ =	sdelay $0x2  }
0x10b: {  	s6 =	sadd.s32 $0x100, s6;
	s7 =	sadd.s32 s7, s13  }
0x10c: {  	[tilespmem:s4], [sflag:$0x6] =	stream.linear.gather [hbm4b:s7+s1], $0x80, $0x38;
	v63 =	vld [tilespmem:$0x0]  }
0x10d: {  	s7 =	simm.s32 $0x1  }
0x10e: {  	_ =	swait.ge [sflag:s7], $0x4000  }
0x10f: {  	[sflag:s7] =	ssyncset.done $0x0  }
0x110: {  	s8 =	simm.s32 $0x3;
	[sflag:s7] =	ssyncadd.s32 $0xFFFFC000  }
0x111: {  	_ =	swait.ge [sflag:s8], $0x4000  }
0x112: {  	[sflag:s8] =	ssyncset.done $0x0  }
0x113: {  	s9 =	simm.s32 $0x5;
	[sflag:s8] =	ssyncadd.s32 $0xFFFFC000  }
0x114: {  	_ =	swait.ge [sflag:s9], $0x4000  }
0x115: {  	[sflag:s9] =	ssyncset.done $0x0  }
0x116: {  	s10 =	simm.s32 $0x7;
	[sflag:s9] =	ssyncadd.s32 $0xFFFFC000  }
0x117: {  	_ =	swait.ge [sflag:s10], $0x4000  }
0x118: {  	[sflag:s10] =	ssyncset.done $0x0  }
0x119: {  	s6 =	simm.s32 $0x40;
	[sflag:s10] =	ssyncadd.s32 $0xFFFFC000  }
0x11a: {  	s4 =	simm.s32 $0x8040;
	v0 =	vld [tilespmem:s6+$0x30]  }
0x11b: {  	v1 =	vld [tilespmem:s4+$0x30]  }
0x11c: {  	v3 =	vld [tilespmem:s4+$0xFFFFFFC0]  }
0x11d: {  	s5 =	simm.s32 $0x10040;
	v2 =	vld [tilespmem:s6+$0xFFFFFFD0]  }
0x11e: {  	v4 =	vld [tilespmem:s5+$0x30]  }
0x11f: {  	v5 =	vld [tilespmem:s4+$0xFFFFFFD0]  }
0x120: {  	v6 =	vld [tilespmem:s6+$0xFFFFFFE0]  }
0x121: {  	v7 =	vld [tilespmem:s4+$0xFFFFFFE0]  }
0x122: {  	v8 =	vld [tilespmem:s6+$0xFFFFFFF0]  }
0x123: {  	v9 =	vld [tilespmem:s4+$0xFFFFFFF0]  }
0x124: {  	v10 =	vld [tilespmem:s6+$0x0]  }
0x125: {  	v11 =	vld [tilespmem:s4+$0x0]  }
0x126: {  	v12 =	vld [tilespmem:s6+$0x10]  }
0x127: {  	v13 =	vld [tilespmem:s4+$0x10]  }
0x128: {  	v14 =	vld [tilespmem:s6+$0x20]  }
0x129: {  	v15 =	vld [tilespmem:s4+$0x20]  }
0x12a: {  	v0 =	vsub.f32 v0, v1;
	v1 =	vld [tilespmem:s6+$0xFFFFFFC0]  }
0x12b: {  	v2 =	vsub.f32 v2, v5;
	v5 =	vld [tilespmem:s5+$0xFFFFFFC0]  }
0x12c: {  	v7 =	vsub.f32 v6, v7;
	v8 =	vsub.f32 v8, v9;
	v9 =	vld [tilespmem:s5+$0xFFFFFFD0];
	vm0 =	veq.s32 v4, $0x0  }
0x12d: {  	v11 =	vsub.f32 v10, v11;
	v12 =	vsub.f32 v12, v13;
	v10 =	vld [tilespmem:s5+$0xFFFFFFE0];
	v0 =	vmul.f32 v0, v0  }
0x12e: {  	v14 =	vsub.f32 v14, v15;
	v6 =	vld [tilespmem:s5+$0xFFFFFFF0];
	v4 =	vmul.f32 v2, v2;
	v2 =	vmul.f32 v7, v7  }
0x12f: {  	v7 =	vld [tilespmem:s5+$0x0];
	v61 =	vsel vm0, $0x0, v0;
	v0 =	vmul.f32 v8, v8;
	v62 =	vsub.f32 v1, v3  }
0x130: {  	s6 =	simm.s32 $0x18040;
	v8 =	vld [tilespmem:s5+$0x10];
	v3 =	vmul.f32 v11, v11;
	v1 =	vmul.f32 v12, v12;
	vm0 =	veq.s32 v5, $0x0  }
0x131: {  	s7 =	simm.s32 $0x0;
	s8 =	simm.s32 $0x140;
	[tilespmem:s6+$0x30] =	vst v61;
	v5 =	vmul.f32 v14, v14;
	vm1 =	veq.s32 v9, $0x0;
	v9 =	vld [tilespmem:s5+$0x20];
	v11 =	vmul.f32 v62, v62  }
.LBB2_34:
0x132: {  	v12 =	vld [tilespmem:s8+$0x30];
	v4 =	vsel vm1, $0x0, v4;
	vm1 =	veq.s32 v10, $0x0;
	s4 =	sadd.s32 $0x100, s4  }
0x133: {  	s7 =	sadd.s32 $0x80, s7;
	v10 =	vld [tilespmem:s4+$0x30];
	v11 =	vsel vm0, $0x0, v11;
	[tilespmem:s6+$0xFFFFFFD0] =	vst v4;
	v2 =	vsel vm1, $0x0, v2;
	vm0 =	veq.s32 v6, $0x0  }
0x134: {  	p0 =	slt.u32 s7, $0x3F80;
	v13 =	vld [tilespmem:s4+$0xFFFFFFC0];
	[tilespmem:s6+$0xFFFFFFC0] =	vst v11;
	v0 =	vsel vm0, $0x0, v0;
	vm0 =	veq.s32 v7, $0x0  }
0x135: {  	s5 =	sadd.s32 $0x100, s5;
	v4 =	vld [tilespmem:s8+$0xFFFFFFD0];
	[tilespmem:s6+$0xFFFFFFE0] =	vst v2;
	v2 =	vsel vm0, $0x0, v3;
	vm0 =	veq.s32 v8, $0x0  }
0x136: {  	v3 =	vld [tilespmem:s5+$0x30];
	[tilespmem:s6+$0xFFFFFFF0] =	vst v0;
	v0 =	vsel vm0, $0x0, v1;
	vm0 =	veq.s32 v9, $0x0  }
0x137: {  	v1 =	vld [tilespmem:s4+$0xFFFFFFD0];
	[tilespmem:s6+$0x0] =	vst v2;
	v2 =	vsel vm0, $0x0, v5  }
0x138: {  	v5 =	vld [tilespmem:s8+$0xFFFFFFE0];
	v6 =	vsub.f32 v12, v10;
	[tilespmem:s6+$0x10] =	vst v0  }
0x139: {  	v0 =	vld [tilespmem:s4+$0xFFFFFFE0];
	[tilespmem:s6+$0x20] =	vst v2  }
0x13a: {  	v7 =	vld [tilespmem:s8+$0xFFFFFFF0];
	v2 =	vmul.f32 v6, v6  }
0x13b: {  	v6 =	vld [tilespmem:s4+$0xFFFFFFF0];
	vm0 =	veq.s32 v3, $0x0  }
0x13c: {  	s6 =	sadd.s32 $0x100, s6;
	v1 =	vsub.f32 v4, v1;
	v3 =	vld [tilespmem:s8+$0x0];
	v2 =	vsel vm0, $0x0, v2  }
0x13d: {  	v8 =	vld [tilespmem:s4+$0x0];
	[tilespmem:s6+$0x30] =	vst v2  }
0x13e: {  	v4 =	vmul.f32 v1, v1;
	v0 =	vsub.f32 v5, v0;
	v1 =	vld [tilespmem:s8+$0x10]  }
0x13f: {  	v5 =	vld [tilespmem:s4+$0x10]  }
0x140: {  	v2 =	vmul.f32 v0, v0;
	v0 =	vsub.f32 v7, v6;
	v7 =	vld [tilespmem:s8+$0x20]  }
0x141: {  	v9 =	vld [tilespmem:s4+$0x20]  }
0x142: {  	v11 =	vld [tilespmem:s8+$0xFFFFFFC0];
	v0 =	vmul.f32 v0, v0;
	v3 =	vsub.f32 v3, v8  }
0x143: {  	v8 =	vld [tilespmem:s5+$0xFFFFFFC0]  }
0x144: {  	v12 =	vld [tilespmem:s5+$0xFFFFFFD0];
	v3 =	vmul.f32 v3, v3;
	v1 =	vsub.f32 v1, v5  }
.Ltmp16:
0x145: {  	v10 =	vld [tilespmem:s5+$0xFFFFFFE0];
	(pc) =	sbr.rel @p0 .LBB2_34-.Ltmp16, $4  }
0x146: {  	v6 =	vld [tilespmem:s5+$0xFFFFFFF0];
	v1 =	vmul.f32 v1, v1;
	v5 =	vsub.f32 v7, v9  }
0x147: {  	v9 =	vsub.f32 v11, v13;
	v7 =	vld [tilespmem:s5+$0x0]  }
0x148: {  	vm0 =	veq.s32 v8, $0x0;
	v8 =	vld [tilespmem:s5+$0x10];
	v5 =	vmul.f32 v5, v5  }
0x149: {  	s8 =	sadd.s32 $0x100, s8;
	v11 =	vmul.f32 v9, v9;
	vm1 =	veq.s32 v12, $0x0;
	v9 =	vld [tilespmem:s5+$0x20]  }
0x14a: {  	v4 =	vsel vm1, $0x0, v4  }
0x14b: {  	vm11 =	veq.s32 v10, $0x0;
	v59 =	vsel vm0, $0x0, v11;
	[tilespmem:s6+$0xFFFFFFD0] =	vst v4  }
0x14c: {  	v2 =	vsel vm11, $0x0, v2;
	vm12 =	veq.s32 v6, $0x0;
	[tilespmem:s6+$0xFFFFFFC0] =	vst v59  }
0x14d: {  	v0 =	vsel vm12, $0x0, v0;
	vm13 =	veq.s32 v7, $0x0;
	[tilespmem:s6+$0xFFFFFFE0] =	vst v2  }
0x14e: {  	v60 =	vsel vm13, $0x0, v3;
	vm14 =	veq.s32 v8, $0x0;
	[tilespmem:s6+$0xFFFFFFF0] =	vst v0  }
0x14f: {  	v61 =	vsel vm14, $0x0, v1;
	vm15 =	veq.s32 v9, $0x0;
	[tilespmem:s6+$0x0] =	vst v60  }
0x150: {  	s4 =	simm.s32 $0x18000;
	v62 =	vsel vm15, $0x0, v5;
	[tilespmem:s6+$0x10] =	vst v61  }
0x151: {  	s5 =	simm.s32 $0x10;
	s7 =	sadd.s32 $0x0, s14;
	[tilespmem:s6+$0x20] =	vst v62;
	s6 =	simm.s32 $0x18100  }
.LBB2_36:
0x152: {  	[hbm4b:s7+s1] =	stream.linear.scatter [tilespmem:s4], [sflag:$0x7], $0x80, $0x38;
	v63 =	vld [tilespmem:$0x0]  }
0x153: {  	s7 =	smov.u32 s5;
	s4 =	smov.u32 s6;
	p0 =	sne.s32 s5, $0x7F0  }
.Ltmp17:
0x154: {  	s5 =	sadd.s32 $0x10, s5;
	(pc) =	sbr.rel @p0 .LBB2_36-.Ltmp17, $2  }
0x155: {  	_ =	sdelay $0x2  }
0x156: {  	s6 =	sadd.s32 $0x100, s6;
	s7 =	sadd.s32 s7, s14  }
0x157: {  	[hbm4b:s7+s1] =	stream.linear.scatter [tilespmem:s4], [sflag:$0x7], $0x80, $0x38;
	v63 =	vld [tilespmem:$0x0]  }
0x158: {  	s4 =	simm.s32 $0x0  }
0x159: {  	s5 =	simm.s32 $0x10;
	s7 =	sadd.s32 $0x0, s15;
	s6 =	simm.s32 $0x100  }
.LBB2_38:
0x15a: {  	[tilespmem:s4], [sflag:$0x1] =	stream.linear.gather [hbm4b:s7+s1], $0x80, $0x38;
	v63 =	vld [tilespmem:$0x0]  }
0x15b: {  	s7 =	smov.u32 s5;
	s4 =	smov.u32 s6;
	p0 =	sne.s32 s5, $0x7F0  }
.Ltmp18:
0x15c: {  	s5 =	sadd.s32 $0x10, s5;
	(pc) =	sbr.rel @p0 .LBB2_38-.Ltmp18, $2  }
0x15d: {  	_ =	sdelay $0x2  }
0x15e: {  	s6 =	sadd.s32 $0x100, s6;
	s7 =	sadd.s32 s7, s15  }
0x15f: {  	[tilespmem:s4], [sflag:$0x1] =	stream.linear.gather [hbm4b:s7+s1], $0x80, $0x38;
	v63 =	vld [tilespmem:$0x0]  }
0x160: {  	s4 =	simm.s32 $0x8000  }
0x161: {  	s5 =	simm.s32 $0x10;
	s7 =	sadd.s32 $0x0, s16;
	s6 =	simm.s32 $0x8100  }
.LBB2_40:
0x162: {  	[tilespmem:s4], [sflag:$0x3] =	stream.linear.gather [hbm4b:s7+s1], $0x80, $0x38;
	v63 =	vld [tilespmem:$0x0]  }
0x163: {  	s7 =	smov.u32 s5;
	s4 =	smov.u32 s6;
	p0 =	sne.s32 s5, $0x7F0  }
.Ltmp19:
0x164: {  	s5 =	sadd.s32 $0x10, s5;
	(pc) =	sbr.rel @p0 .LBB2_40-.Ltmp19, $2  }
0x165: {  	_ =	sdelay $0x2  }
0x166: {  	s6 =	sadd.s32 $0x100, s6;
	s7 =	sadd.s32 s7, s16  }
0x167: {  	[tilespmem:s4], [sflag:$0x3] =	stream.linear.gather [hbm4b:s7+s1], $0x80, $0x38;
	v63 =	vld [tilespmem:$0x0]  }
0x168: {  	s4 =	simm.s32 $0x10000  }
0x169: {  	s5 =	simm.s32 $0x10;
	s7 =	sadd.s32 $0x0, s17;
	s6 =	simm.s32 $0x10100  }
.LBB2_42:
0x16a: {  	[tilespmem:s4], [sflag:$0x5] =	stream.linear.gather [hbm4b:s7+s1], $0x80, $0x38;
	v63 =	vld [tilespmem:$0x0]  }
0x16b: {  	s7 =	smov.u32 s5;
	s4 =	smov.u32 s6;
	p0 =	sne.s32 s5, $0x7F0  }
.Ltmp20:
0x16c: {  	s5 =	sadd.s32 $0x10, s5;
	(pc) =	sbr.rel @p0 .LBB2_42-.Ltmp20, $2  }
0x16d: {  	_ =	sdelay $0x2  }
0x16e: {  	s6 =	sadd.s32 $0x100, s6;
	s7 =	sadd.s32 s7, s17  }
0x16f: {  	[tilespmem:s4], [sflag:$0x5] =	stream.linear.gather [hbm4b:s7+s1], $0x80, $0x38;
	v63 =	vld [tilespmem:$0x0]  }
0x170: {  	s7 =	simm.s32 $0x2  }
0x171: {  	_ =	swait.ge [sflag:s7], $0x4000  }
0x172: {  	[sflag:s7] =	ssyncset.done $0x0  }
0x173: {  	s8 =	simm.s32 $0x4;
	[sflag:s7] =	ssyncadd.s32 $0xFFFFC000  }
0x174: {  	_ =	swait.ge [sflag:s8], $0x4000  }
0x175: {  	[sflag:s8] =	ssyncset.done $0x0  }
0x176: {  	s9 =	simm.s32 $0x6;
	[sflag:s8] =	ssyncadd.s32 $0xFFFFC000  }
0x177: {  	_ =	swait.ge [sflag:s9], $0x4000  }
0x178: {  	[sflag:s9] =	ssyncset.done $0x0  }
0x179: {  	s10 =	simm.s32 $0x8;
	[sflag:s9] =	ssyncadd.s32 $0xFFFFC000  }
0x17a: {  	_ =	swait.ge [sflag:s10], $0x4000  }
0x17b: {  	[sflag:s10] =	ssyncset.done $0x0  }
0x17c: {  	s6 =	simm.s32 $0xF0;
	[sflag:s10] =	ssyncadd.s32 $0xFFFFC000  }
0x17d: {  	s4 =	simm.s32 $0x80F0;
	v0 =	vld [tilespmem:s6+$0x0]  }
0x17e: {  	v1 =	vld [tilespmem:s4+$0x0]  }
0x17f: {  	v3 =	vld [tilespmem:s4+$0xFFFFFF90]  }
0x180: {  	s5 =	simm.s32 $0x100F0;
	v2 =	vld [tilespmem:s6+$0xFFFFFFA0]  }
0x181: {  	v4 =	vld [tilespmem:s5+$0x0]  }
0x182: {  	v5 =	vld [tilespmem:s4+$0xFFFFFFA0]  }
0x183: {  	v6 =	vld [tilespmem:s6+$0xFFFFFFB0]  }
0x184: {  	v7 =	vld [tilespmem:s4+$0xFFFFFFB0]  }
0x185: {  	v8 =	vld [tilespmem:s6+$0xFFFFFFC0]  }
0x186: {  	v9 =	vld [tilespmem:s4+$0xFFFFFFC0]  }
0x187: {  	v10 =	vld [tilespmem:s6+$0xFFFFFFD0]  }
0x188: {  	v11 =	vld [tilespmem:s4+$0xFFFFFFD0]  }
0x189: {  	v12 =	vld [tilespmem:s6+$0xFFFFFFE0]  }
0x18a: {  	v13 =	vld [tilespmem:s4+$0xFFFFFFE0]  }
0x18b: {  	v14 =	vld [tilespmem:s6+$0xFFFFFFF0]  }
0x18c: {  	v15 =	vld [tilespmem:s4+$0xFFFFFFF0]  }
0x18d: {  	v0 =	vsub.f32 v0, v1;
	v1 =	vld [tilespmem:s6+$0xFFFFFF90]  }
0x18e: {  	v2 =	vsub.f32 v2, v5;
	v5 =	vld [tilespmem:s5+$0xFFFFFF90]  }
0x18f: {  	v7 =	vsub.f32 v6, v7;
	v8 =	vsub.f32 v8, v9;
	v9 =	vld [tilespmem:s5+$0xFFFFFFA0];
	vm0 =	veq.s32 v4, $0x0  }
0x190: {  	v11 =	vsub.f32 v10, v11;
	v12 =	vsub.f32 v12, v13;
	v10 =	vld [tilespmem:s5+$0xFFFFFFB0];
	v0 =	vmul.f32 v0, v0  }
0x191: {  	v14 =	vsub.f32 v14, v15;
	v6 =	vld [tilespmem:s5+$0xFFFFFFC0];
	v4 =	vmul.f32 v2, v2;
	v2 =	vmul.f32 v7, v7  }
0x192: {  	v7 =	vld [tilespmem:s5+$0xFFFFFFD0];
	v61 =	vsel vm0, $0x0, v0;
	v0 =	vmul.f32 v8, v8;
	v62 =	vsub.f32 v1, v3  }
0x193: {  	s6 =	simm.s32 $0x180F0;
	v8 =	vld [tilespmem:s5+$0xFFFFFFE0];
	v3 =	vmul.f32 v11, v11;
	v1 =	vmul.f32 v12, v12;
	vm0 =	veq.s32 v5, $0x0  }
0x194: {  	s7 =	simm.s32 $0x0;
	s8 =	simm.s32 $0x1F0;
	[tilespmem:s6+$0x0] =	vst v61;
	v5 =	vmul.f32 v14, v14;
	vm1 =	veq.s32 v9, $0x0;
	v9 =	vld [tilespmem:s5+$0xFFFFFFF0];
	v11 =	vmul.f32 v62, v62  }
.LBB2_44:
0x195: {  	v12 =	vld [tilespmem:s8+$0x0];
	v4 =	vsel vm1, $0x0, v4;
	vm1 =	veq.s32 v10, $0x0;
	s4 =	sadd.s32 $0x100, s4  }
0x196: {  	s7 =	sadd.s32 $0x80, s7;
	v10 =	vld [tilespmem:s4+$0x0];
	v11 =	vsel vm0, $0x0, v11;
	[tilespmem:s6+$0xFFFFFFA0] =	vst v4;
	v2 =	vsel vm1, $0x0, v2;
	vm0 =	veq.s32 v6, $0x0  }
0x197: {  	p0 =	slt.u32 s7, $0x3F80;
	v13 =	vld [tilespmem:s4+$0xFFFFFF90];
	[tilespmem:s6+$0xFFFFFF90] =	vst v11;
	v0 =	vsel vm0, $0x0, v0;
	vm0 =	veq.s32 v7, $0x0  }
0x198: {  	s5 =	sadd.s32 $0x100, s5;
	v4 =	vld [tilespmem:s8+$0xFFFFFFA0];
	[tilespmem:s6+$0xFFFFFFB0] =	vst v2;
	v2 =	vsel vm0, $0x0, v3;
	vm0 =	veq.s32 v8, $0x0  }
0x199: {  	v3 =	vld [tilespmem:s5+$0x0];
	[tilespmem:s6+$0xFFFFFFC0] =	vst v0;
	v0 =	vsel vm0, $0x0, v1;
	vm0 =	veq.s32 v9, $0x0  }
0x19a: {  	v1 =	vld [tilespmem:s4+$0xFFFFFFA0];
	[tilespmem:s6+$0xFFFFFFD0] =	vst v2;
	v2 =	vsel vm0, $0x0, v5  }
0x19b: {  	v5 =	vld [tilespmem:s8+$0xFFFFFFB0];
	v6 =	vsub.f32 v12, v10;
	[tilespmem:s6+$0xFFFFFFE0] =	vst v0  }
0x19c: {  	v0 =	vld [tilespmem:s4+$0xFFFFFFB0];
	[tilespmem:s6+$0xFFFFFFF0] =	vst v2  }
0x19d: {  	v7 =	vld [tilespmem:s8+$0xFFFFFFC0];
	v2 =	vmul.f32 v6, v6  }
0x19e: {  	v6 =	vld [tilespmem:s4+$0xFFFFFFC0];
	vm0 =	veq.s32 v3, $0x0  }
0x19f: {  	s6 =	sadd.s32 $0x100, s6;
	v1 =	vsub.f32 v4, v1;
	v3 =	vld [tilespmem:s8+$0xFFFFFFD0];
	v2 =	vsel vm0, $0x0, v2  }
0x1a0: {  	v8 =	vld [tilespmem:s4+$0xFFFFFFD0];
	[tilespmem:s6+$0x0] =	vst v2  }
0x1a1: {  	v4 =	vmul.f32 v1, v1;
	v0 =	vsub.f32 v5, v0;
	v1 =	vld [tilespmem:s8+$0xFFFFFFE0]  }
0x1a2: {  	v5 =	vld [tilespmem:s4+$0xFFFFFFE0]  }
0x1a3: {  	v2 =	vmul.f32 v0, v0;
	v0 =	vsub.f32 v7, v6;
	v7 =	vld [tilespmem:s8+$0xFFFFFFF0]  }
0x1a4: {  	v9 =	vld [tilespmem:s4+$0xFFFFFFF0]  }
0x1a5: {  	v11 =	vld [tilespmem:s8+$0xFFFFFF90];
	v0 =	vmul.f32 v0, v0;
	v3 =	vsub.f32 v3, v8  }
0x1a6: {  	v8 =	vld [tilespmem:s5+$0xFFFFFF90]  }
0x1a7: {  	v12 =	vld [tilespmem:s5+$0xFFFFFFA0];
	v3 =	vmul.f32 v3, v3;
	v1 =	vsub.f32 v1, v5  }
.Ltmp21:
0x1a8: {  	v10 =	vld [tilespmem:s5+$0xFFFFFFB0];
	(pc) =	sbr.rel @p0 .LBB2_44-.Ltmp21, $4  }
0x1a9: {  	v6 =	vld [tilespmem:s5+$0xFFFFFFC0];
	v1 =	vmul.f32 v1, v1;
	v5 =	vsub.f32 v7, v9  }
0x1aa: {  	v9 =	vsub.f32 v11, v13;
	v7 =	vld [tilespmem:s5+$0xFFFFFFD0]  }
0x1ab: {  	vm0 =	veq.s32 v8, $0x0;
	v8 =	vld [tilespmem:s5+$0xFFFFFFE0];
	v5 =	vmul.f32 v5, v5  }
0x1ac: {  	s8 =	sadd.s32 $0x100, s8;
	v11 =	vmul.f32 v9, v9;
	vm1 =	veq.s32 v12, $0x0;
	v9 =	vld [tilespmem:s5+$0xFFFFFFF0]  }
0x1ad: {  	v4 =	vsel vm1, $0x0, v4  }
0x1ae: {  	vm11 =	veq.s32 v10, $0x0;
	v59 =	vsel vm0, $0x0, v11;
	[tilespmem:s6+$0xFFFFFFA0] =	vst v4  }
0x1af: {  	v2 =	vsel vm11, $0x0, v2;
	vm12 =	veq.s32 v6, $0x0;
	[tilespmem:s6+$0xFFFFFF90] =	vst v59  }
0x1b0: {  	v0 =	vsel vm12, $0x0, v0;
	vm13 =	veq.s32 v7, $0x0;
	[tilespmem:s6+$0xFFFFFFB0] =	vst v2  }
0x1b1: {  	v60 =	vsel vm13, $0x0, v3;
	vm14 =	veq.s32 v8, $0x0;
	[tilespmem:s6+$0xFFFFFFC0] =	vst v0  }
0x1b2: {  	v61 =	vsel vm14, $0x0, v1;
	vm15 =	veq.s32 v9, $0x0;
	[tilespmem:s6+$0xFFFFFFD0] =	vst v60  }
0x1b3: {  	s4 =	simm.s32 $0x18080;
	v62 =	vsel vm15, $0x0, v5;
	[tilespmem:s6+$0xFFFFFFE0] =	vst v61  }
0x1b4: {  	s5 =	simm.s32 $0x10;
	s7 =	sadd.s32 $0x0, s18;
	[tilespmem:s6+$0xFFFFFFF0] =	vst v62;
	s6 =	simm.s32 $0x18180  }
.LBB2_46:
0x1b5: {  	[hbm4b:s7+s1] =	stream.linear.scatter [tilespmem:s4], [sflag:$0x8], $0x80, $0x38;
	v63 =	vld [tilespmem:$0x0]  }
0x1b6: {  	s7 =	smov.u32 s5;
	s4 =	smov.u32 s6;
	p0 =	sne.s32 s5, $0x7F0  }
.Ltmp22:
0x1b7: {  	s5 =	sadd.s32 $0x10, s5;
	(pc) =	sbr.rel @p0 .LBB2_46-.Ltmp22, $2  }
0x1b8: {  	_ =	sdelay $0x2  }
0x1b9: {  	s6 =	sadd.s32 $0x100, s6;
	s7 =	sadd.s32 s7, s18  }
0x1ba: {  	[hbm4b:s7+s1] =	stream.linear.scatter [tilespmem:s4], [sflag:$0x8], $0x80, $0x38;
	v63 =	vld [tilespmem:$0x0]  }
0x1bb: {  	s4 =	simm.s32 $0x80  }
0x1bc: {  	s5 =	simm.s32 $0x10;
	s7 =	sadd.s32 $0x0, s22;
	s6 =	simm.s32 $0x180  }
.LBB2_48:
0x1bd: {  	[tilespmem:s4], [sflag:$0x2] =	stream.linear.gather [hbm4b:s7+s1], $0x80, $0x38;
	v63 =	vld [tilespmem:$0x0]  }
0x1be: {  	s7 =	smov.u32 s5;
	s4 =	smov.u32 s6;
	p0 =	sne.s32 s5, $0x7F0  }
.Ltmp23:
0x1bf: {  	s5 =	sadd.s32 $0x10, s5;
	(pc) =	sbr.rel @p0 .LBB2_48-.Ltmp23, $2  }
0x1c0: {  	_ =	sdelay $0x2  }
0x1c1: {  	s6 =	sadd.s32 $0x100, s6;
	s7 =	sadd.s32 s7, s22  }
0x1c2: {  	[tilespmem:s4], [sflag:$0x2] =	stream.linear.gather [hbm4b:s7+s1], $0x80, $0x38;
	v63 =	vld [tilespmem:$0x0]  }
0x1c3: {  	s4 =	simm.s32 $0x8080  }
0x1c4: {  	s5 =	simm.s32 $0x10;
	s7 =	sadd.s32 $0x0, s23;
	s6 =	simm.s32 $0x8180  }
.LBB2_50:
0x1c5: {  	[tilespmem:s4], [sflag:$0x4] =	stream.linear.gather [hbm4b:s7+s1], $0x80, $0x38;
	v63 =	vld [tilespmem:$0x0]  }
0x1c6: {  	s7 =	smov.u32 s5;
	s4 =	smov.u32 s6;
	p0 =	sne.s32 s5, $0x7F0  }
.Ltmp24:
0x1c7: {  	s5 =	sadd.s32 $0x10, s5;
	(pc) =	sbr.rel @p0 .LBB2_50-.Ltmp24, $2  }
0x1c8: {  	_ =	sdelay $0x2  }
0x1c9: {  	s6 =	sadd.s32 $0x100, s6;
	s7 =	sadd.s32 s7, s23  }
0x1ca: {  	[tilespmem:s4], [sflag:$0x4] =	stream.linear.gather [hbm4b:s7+s1], $0x80, $0x38;
	v63 =	vld [tilespmem:$0x0]  }
0x1cb: {  	s4 =	simm.s32 $0x10080  }
0x1cc: {  	s5 =	simm.s32 $0x10;
	s7 =	sadd.s32 $0x0, s24;
	s6 =	simm.s32 $0x10180  }
.LBB2_52:
0x1cd: {  	[tilespmem:s4], [sflag:$0x6] =	stream.linear.gather [hbm4b:s7+s1], $0x80, $0x38;
	v63 =	vld [tilespmem:$0x0]  }
0x1ce: {  	s7 =	smov.u32 s5;
	s4 =	smov.u32 s6;
	p0 =	sne.s32 s5, $0x7F0  }
.Ltmp25:
0x1cf: {  	s5 =	sadd.s32 $0x10, s5;
	(pc) =	sbr.rel @p0 .LBB2_52-.Ltmp25, $2  }
0x1d0: {  	_ =	sdelay $0x2  }
0x1d1: {  	s6 =	sadd.s32 $0x100, s6;
	s7 =	sadd.s32 s7, s24  }
0x1d2: {  	[tilespmem:s4], [sflag:$0x6] =	stream.linear.gather [hbm4b:s7+s1], $0x80, $0x38;
	v63 =	vld [tilespmem:$0x0]  }
0x1d3: {  	s7 =	simm.s32 $0x1  }
0x1d4: {  	_ =	swait.ge [sflag:s7], $0x4000  }
0x1d5: {  	[sflag:s7] =	ssyncset.done $0x0  }
0x1d6: {  	s8 =	simm.s32 $0x3;
	[sflag:s7] =	ssyncadd.s32 $0xFFFFC000  }
0x1d7: {  	_ =	swait.ge [sflag:s8], $0x4000  }
0x1d8: {  	[sflag:s8] =	ssyncset.done $0x0  }
0x1d9: {  	s9 =	simm.s32 $0x5;
	[sflag:s8] =	ssyncadd.s32 $0xFFFFC000  }
0x1da: {  	_ =	swait.ge [sflag:s9], $0x4000  }
0x1db: {  	[sflag:s9] =	ssyncset.done $0x0  }
0x1dc: {  	s10 =	simm.s32 $0x7;
	[sflag:s9] =	ssyncadd.s32 $0xFFFFC000  }
0x1dd: {  	_ =	swait.ge [sflag:s10], $0x4000  }
0x1de: {  	[sflag:s10] =	ssyncset.done $0x0  }
0x1df: {  	s6 =	simm.s32 $0x40;
	[sflag:s10] =	ssyncadd.s32 $0xFFFFC000  }
0x1e0: {  	s4 =	simm.s32 $0x8040;
	v0 =	vld [tilespmem:s6+$0x30]  }
0x1e1: {  	v1 =	vld [tilespmem:s4+$0x30]  }
0x1e2: {  	v3 =	vld [tilespmem:s4+$0xFFFFFFC0]  }
0x1e3: {  	s5 =	simm.s32 $0x10040;
	v2 =	vld [tilespmem:s6+$0xFFFFFFD0]  }
0x1e4: {  	v4 =	vld [tilespmem:s5+$0x30]  }
0x1e5: {  	v5 =	vld [tilespmem:s4+$0xFFFFFFD0]  }
0x1e6: {  	v6 =	vld [tilespmem:s6+$0xFFFFFFE0]  }
0x1e7: {  	v7 =	vld [tilespmem:s4+$0xFFFFFFE0]  }
0x1e8: {  	v8 =	vld [tilespmem:s6+$0xFFFFFFF0]  }
0x1e9: {  	v9 =	vld [tilespmem:s4+$0xFFFFFFF0]  }
0x1ea: {  	v10 =	vld [tilespmem:s6+$0x0]  }
0x1eb: {  	v11 =	vld [tilespmem:s4+$0x0]  }
0x1ec: {  	v12 =	vld [tilespmem:s6+$0x10]  }
0x1ed: {  	v13 =	vld [tilespmem:s4+$0x10]  }
0x1ee: {  	v14 =	vld [tilespmem:s6+$0x20]  }
0x1ef: {  	v15 =	vld [tilespmem:s4+$0x20]  }
0x1f0: {  	v0 =	vsub.f32 v0, v1;
	v1 =	vld [tilespmem:s6+$0xFFFFFFC0]  }
0x1f1: {  	v2 =	vsub.f32 v2, v5;
	v5 =	vld [tilespmem:s5+$0xFFFFFFC0]  }
0x1f2: {  	v7 =	vsub.f32 v6, v7;
	v8 =	vsub.f32 v8, v9;
	v9 =	vld [tilespmem:s5+$0xFFFFFFD0];
	vm0 =	veq.s32 v4, $0x0  }
0x1f3: {  	v11 =	vsub.f32 v10, v11;
	v12 =	vsub.f32 v12, v13;
	v10 =	vld [tilespmem:s5+$0xFFFFFFE0];
	v0 =	vmul.f32 v0, v0  }
0x1f4: {  	v14 =	vsub.f32 v14, v15;
	v6 =	vld [tilespmem:s5+$0xFFFFFFF0];
	v4 =	vmul.f32 v2, v2;
	v2 =	vmul.f32 v7, v7  }
0x1f5: {  	v7 =	vld [tilespmem:s5+$0x0];
	v61 =	vsel vm0, $0x0, v0;
	v0 =	vmul.f32 v8, v8;
	v62 =	vsub.f32 v1, v3  }
0x1f6: {  	s6 =	simm.s32 $0x18040;
	v8 =	vld [tilespmem:s5+$0x10];
	v3 =	vmul.f32 v11, v11;
	v1 =	vmul.f32 v12, v12;
	vm0 =	veq.s32 v5, $0x0  }
0x1f7: {  	s7 =	simm.s32 $0x0;
	s8 =	simm.s32 $0x140;
	[tilespmem:s6+$0x30] =	vst v61;
	v5 =	vmul.f32 v14, v14;
	vm1 =	veq.s32 v9, $0x0;
	v9 =	vld [tilespmem:s5+$0x20];
	v11 =	vmul.f32 v62, v62  }
.LBB2_54:
0x1f8: {  	v12 =	vld [tilespmem:s8+$0x30];
	v4 =	vsel vm1, $0x0, v4;
	vm1 =	veq.s32 v10, $0x0;
	s4 =	sadd.s32 $0x100, s4  }
0x1f9: {  	s7 =	sadd.s32 $0x80, s7;
	v10 =	vld [tilespmem:s4+$0x30];
	v11 =	vsel vm0, $0x0, v11;
	[tilespmem:s6+$0xFFFFFFD0] =	vst v4;
	v2 =	vsel vm1, $0x0, v2;
	vm0 =	veq.s32 v6, $0x0  }
0x1fa: {  	p0 =	slt.u32 s7, $0x3F80;
	v13 =	vld [tilespmem:s4+$0xFFFFFFC0];
	[tilespmem:s6+$0xFFFFFFC0] =	vst v11;
	v0 =	vsel vm0, $0x0, v0;
	vm0 =	veq.s32 v7, $0x0  }
0x1fb: {  	s5 =	sadd.s32 $0x100, s5;
	v4 =	vld [tilespmem:s8+$0xFFFFFFD0];
	[tilespmem:s6+$0xFFFFFFE0] =	vst v2;
	v2 =	vsel vm0, $0x0, v3;
	vm0 =	veq.s32 v8, $0x0  }
0x1fc: {  	v3 =	vld [tilespmem:s5+$0x30];
	[tilespmem:s6+$0xFFFFFFF0] =	vst v0;
	v0 =	vsel vm0, $0x0, v1;
	vm0 =	veq.s32 v9, $0x0  }
0x1fd: {  	v1 =	vld [tilespmem:s4+$0xFFFFFFD0];
	[tilespmem:s6+$0x0] =	vst v2;
	v2 =	vsel vm0, $0x0, v5  }
0x1fe: {  	v5 =	vld [tilespmem:s8+$0xFFFFFFE0];
	v6 =	vsub.f32 v12, v10;
	[tilespmem:s6+$0x10] =	vst v0  }
0x1ff: {  	v0 =	vld [tilespmem:s4+$0xFFFFFFE0];
	[tilespmem:s6+$0x20] =	vst v2  }
0x200: {  	v7 =	vld [tilespmem:s8+$0xFFFFFFF0];
	v2 =	vmul.f32 v6, v6  }
0x201: {  	v6 =	vld [tilespmem:s4+$0xFFFFFFF0];
	vm0 =	veq.s32 v3, $0x0  }
0x202: {  	s6 =	sadd.s32 $0x100, s6;
	v1 =	vsub.f32 v4, v1;
	v3 =	vld [tilespmem:s8+$0x0];
	v2 =	vsel vm0, $0x0, v2  }
0x203: {  	v8 =	vld [tilespmem:s4+$0x0];
	[tilespmem:s6+$0x30] =	vst v2  }
0x204: {  	v4 =	vmul.f32 v1, v1;
	v0 =	vsub.f32 v5, v0;
	v1 =	vld [tilespmem:s8+$0x10]  }
0x205: {  	v5 =	vld [tilespmem:s4+$0x10]  }
0x206: {  	v2 =	vmul.f32 v0, v0;
	v0 =	vsub.f32 v7, v6;
	v7 =	vld [tilespmem:s8+$0x20]  }
0x207: {  	v9 =	vld [tilespmem:s4+$0x20]  }
0x208: {  	v11 =	vld [tilespmem:s8+$0xFFFFFFC0];
	v0 =	vmul.f32 v0, v0;
	v3 =	vsub.f32 v3, v8  }
0x209: {  	v8 =	vld [tilespmem:s5+$0xFFFFFFC0]  }
0x20a: {  	v12 =	vld [tilespmem:s5+$0xFFFFFFD0];
	v3 =	vmul.f32 v3, v3;
	v1 =	vsub.f32 v1, v5  }
.Ltmp26:
0x20b: {  	v10 =	vld [tilespmem:s5+$0xFFFFFFE0];
	(pc) =	sbr.rel @p0 .LBB2_54-.Ltmp26, $4  }
0x20c: {  	v6 =	vld [tilespmem:s5+$0xFFFFFFF0];
	v1 =	vmul.f32 v1, v1;
	v5 =	vsub.f32 v7, v9  }
0x20d: {  	v9 =	vsub.f32 v11, v13;
	v7 =	vld [tilespmem:s5+$0x0]  }
0x20e: {  	vm0 =	veq.s32 v8, $0x0;
	v8 =	vld [tilespmem:s5+$0x10];
	v5 =	vmul.f32 v5, v5  }
0x20f: {  	s8 =	sadd.s32 $0x100, s8;
	v11 =	vmul.f32 v9, v9;
	vm1 =	veq.s32 v12, $0x0;
	v9 =	vld [tilespmem:s5+$0x20]  }
0x210: {  	v4 =	vsel vm1, $0x0, v4  }
0x211: {  	vm11 =	veq.s32 v10, $0x0;
	v59 =	vsel vm0, $0x0, v11;
	[tilespmem:s6+$0xFFFFFFD0] =	vst v4  }
0x212: {  	v2 =	vsel vm11, $0x0, v2;
	vm12 =	veq.s32 v6, $0x0;
	[tilespmem:s6+$0xFFFFFFC0] =	vst v59  }
0x213: {  	v0 =	vsel vm12, $0x0, v0;
	vm13 =	veq.s32 v7, $0x0;
	[tilespmem:s6+$0xFFFFFFE0] =	vst v2  }
0x214: {  	v60 =	vsel vm13, $0x0, v3;
	vm14 =	veq.s32 v8, $0x0;
	[tilespmem:s6+$0xFFFFFFF0] =	vst v0  }
0x215: {  	v61 =	vsel vm14, $0x0, v1;
	vm15 =	veq.s32 v9, $0x0;
	[tilespmem:s6+$0x0] =	vst v60  }
0x216: {  	s4 =	simm.s32 $0x18000;
	v62 =	vsel vm15, $0x0, v5;
	[tilespmem:s6+$0x10] =	vst v61  }
0x217: {  	s5 =	simm.s32 $0x10;
	s7 =	sadd.s32 $0x0, s19;
	[tilespmem:s6+$0x20] =	vst v62;
	s6 =	simm.s32 $0x18100  }
.LBB2_56:
0x218: {  	[hbm4b:s7+s1] =	stream.linear.scatter [tilespmem:s4], [sflag:$0x7], $0x80, $0x38;
	v63 =	vld [tilespmem:$0x0]  }
0x219: {  	s7 =	smov.u32 s5;
	s4 =	smov.u32 s6;
	p0 =	sne.s32 s5, $0x7F0  }
.Ltmp27:
0x21a: {  	s5 =	sadd.s32 $0x10, s5;
	(pc) =	sbr.rel @p0 .LBB2_56-.Ltmp27, $2  }
0x21b: {  	_ =	sdelay $0x2  }
0x21c: {  	s6 =	sadd.s32 $0x100, s6;
	s7 =	sadd.s32 s7, s19  }
0x21d: {  	[hbm4b:s7+s1] =	stream.linear.scatter [tilespmem:s4], [sflag:$0x7], $0x80, $0x38;
	v63 =	vld [tilespmem:$0x0]  }
0x21e: {  	s4 =	simm.s32 $0x0  }
0x21f: {  	s5 =	simm.s32 $0x10;
	s7 =	sadd.s32 $0x0, s26;
	s6 =	simm.s32 $0x100  }
.LBB2_58:
0x220: {  	[tilespmem:s4], [sflag:$0x1] =	stream.linear.gather [hbm4b:s7+s1], $0x80, $0x38;
	v63 =	vld [tilespmem:$0x0]  }
0x221: {  	s7 =	smov.u32 s5;
	s4 =	smov.u32 s6;
	p0 =	sne.s32 s5, $0x7F0  }
.Ltmp28:
0x222: {  	s5 =	sadd.s32 $0x10, s5;
	(pc) =	sbr.rel @p0 .LBB2_58-.Ltmp28, $2  }
0x223: {  	_ =	sdelay $0x2  }
0x224: {  	s6 =	sadd.s32 $0x100, s6;
	s7 =	sadd.s32 s7, s26  }
0x225: {  	[tilespmem:s4], [sflag:$0x1] =	stream.linear.gather [hbm4b:s7+s1], $0x80, $0x38;
	v63 =	vld [tilespmem:$0x0]  }
0x226: {  	s4 =	simm.s32 $0x8000  }
0x227: {  	s5 =	simm.s32 $0x10;
	s7 =	sadd.s32 $0x0, s30;
	s6 =	simm.s32 $0x8100  }
.LBB2_60:
0x228: {  	[tilespmem:s4], [sflag:$0x3] =	stream.linear.gather [hbm4b:s7+s1], $0x80, $0x38;
	v63 =	vld [tilespmem:$0x0]  }
0x229: {  	s7 =	smov.u32 s5;
	s4 =	smov.u32 s6;
	p0 =	sne.s32 s5, $0x7F0  }
.Ltmp29:
0x22a: {  	s5 =	sadd.s32 $0x10, s5;
	(pc) =	sbr.rel @p0 .LBB2_60-.Ltmp29, $2  }
0x22b: {  	_ =	sdelay $0x2  }
0x22c: {  	s6 =	sadd.s32 $0x100, s6;
	s7 =	sadd.s32 s7, s30  }
0x22d: {  	[tilespmem:s4], [sflag:$0x3] =	stream.linear.gather [hbm4b:s7+s1], $0x80, $0x38;
	v63 =	vld [tilespmem:$0x0]  }
0x22e: {  	s4 =	simm.s32 $0x10000  }
0x22f: {  	s5 =	simm.s32 $0x10;
	s7 =	sadd.s32 $0x0, s28;
	s6 =	simm.s32 $0x10100  }
.LBB2_62:
0x230: {  	[tilespmem:s4], [sflag:$0x5] =	stream.linear.gather [hbm4b:s7+s1], $0x80, $0x38;
	v63 =	vld [tilespmem:$0x0]  }
0x231: {  	s7 =	smov.u32 s5;
	s4 =	smov.u32 s6;
	p0 =	sne.s32 s5, $0x7F0  }
.Ltmp30:
0x232: {  	s5 =	sadd.s32 $0x10, s5;
	(pc) =	sbr.rel @p0 .LBB2_62-.Ltmp30, $2  }
0x233: {  	_ =	sdelay $0x2  }
0x234: {  	s6 =	sadd.s32 $0x100, s6;
	s7 =	sadd.s32 s7, s28  }
0x235: {  	[tilespmem:s4], [sflag:$0x5] =	stream.linear.gather [hbm4b:s7+s1], $0x80, $0x38;
	v63 =	vld [tilespmem:$0x0]  }
0x236: {  	s7 =	simm.s32 $0x2  }
0x237: {  	_ =	swait.ge [sflag:s7], $0x4000  }
0x238: {  	[sflag:s7] =	ssyncset.done $0x0  }
0x239: {  	s8 =	simm.s32 $0x4;
	[sflag:s7] =	ssyncadd.s32 $0xFFFFC000  }
0x23a: {  	_ =	swait.ge [sflag:s8], $0x4000  }
0x23b: {  	[sflag:s8] =	ssyncset.done $0x0  }
0x23c: {  	s9 =	simm.s32 $0x6;
	[sflag:s8] =	ssyncadd.s32 $0xFFFFC000  }
0x23d: {  	_ =	swait.ge [sflag:s9], $0x4000  }
0x23e: {  	[sflag:s9] =	ssyncset.done $0x0  }
0x23f: {  	s10 =	simm.s32 $0x8;
	[sflag:s9] =	ssyncadd.s32 $0xFFFFC000  }
0x240: {  	_ =	swait.ge [sflag:s10], $0x4000  }
0x241: {  	[sflag:s10] =	ssyncset.done $0x0  }
0x242: {  	s6 =	simm.s32 $0xF0;
	[sflag:s10] =	ssyncadd.s32 $0xFFFFC000  }
0x243: {  	s4 =	simm.s32 $0x80F0;
	v0 =	vld [tilespmem:s6+$0x0]  }
0x244: {  	v1 =	vld [tilespmem:s4+$0x0]  }
0x245: {  	v3 =	vld [tilespmem:s4+$0xFFFFFF90]  }
0x246: {  	s5 =	simm.s32 $0x100F0;
	v2 =	vld [tilespmem:s6+$0xFFFFFFA0]  }
0x247: {  	v4 =	vld [tilespmem:s5+$0x0]  }
0x248: {  	v5 =	vld [tilespmem:s4+$0xFFFFFFA0]  }
0x249: {  	v6 =	vld [tilespmem:s6+$0xFFFFFFB0]  }
0x24a: {  	v7 =	vld [tilespmem:s4+$0xFFFFFFB0]  }
0x24b: {  	v8 =	vld [tilespmem:s6+$0xFFFFFFC0]  }
0x24c: {  	v9 =	vld [tilespmem:s4+$0xFFFFFFC0]  }
0x24d: {  	v10 =	vld [tilespmem:s6+$0xFFFFFFD0]  }
0x24e: {  	v11 =	vld [tilespmem:s4+$0xFFFFFFD0]  }
0x24f: {  	v12 =	vld [tilespmem:s6+$0xFFFFFFE0]  }
0x250: {  	v13 =	vld [tilespmem:s4+$0xFFFFFFE0]  }
0x251: {  	v14 =	vld [tilespmem:s6+$0xFFFFFFF0]  }
0x252: {  	v15 =	vld [tilespmem:s4+$0xFFFFFFF0]  }
0x253: {  	v0 =	vsub.f32 v0, v1;
	v1 =	vld [tilespmem:s6+$0xFFFFFF90]  }
0x254: {  	v2 =	vsub.f32 v2, v5;
	v5 =	vld [tilespmem:s5+$0xFFFFFF90]  }
0x255: {  	v7 =	vsub.f32 v6, v7;
	v8 =	vsub.f32 v8, v9;
	v9 =	vld [tilespmem:s5+$0xFFFFFFA0];
	vm0 =	veq.s32 v4, $0x0  }
0x256: {  	v11 =	vsub.f32 v10, v11;
	v12 =	vsub.f32 v12, v13;
	v10 =	vld [tilespmem:s5+$0xFFFFFFB0];
	v0 =	vmul.f32 v0, v0  }
0x257: {  	v14 =	vsub.f32 v14, v15;
	v6 =	vld [tilespmem:s5+$0xFFFFFFC0];
	v4 =	vmul.f32 v2, v2;
	v2 =	vmul.f32 v7, v7  }
0x258: {  	v7 =	vld [tilespmem:s5+$0xFFFFFFD0];
	v61 =	vsel vm0, $0x0, v0;
	v0 =	vmul.f32 v8, v8;
	v62 =	vsub.f32 v1, v3  }
0x259: {  	s6 =	simm.s32 $0x180F0;
	v8 =	vld [tilespmem:s5+$0xFFFFFFE0];
	v3 =	vmul.f32 v11, v11;
	v1 =	vmul.f32 v12, v12;
	vm0 =	veq.s32 v5, $0x0  }
0x25a: {  	s7 =	simm.s32 $0x0;
	s8 =	simm.s32 $0x1F0;
	[tilespmem:s6+$0x0] =	vst v61;
	v5 =	vmul.f32 v14, v14;
	vm1 =	veq.s32 v9, $0x0;
	v9 =	vld [tilespmem:s5+$0xFFFFFFF0];
	v11 =	vmul.f32 v62, v62  }
.LBB2_64:
0x25b: {  	v12 =	vld [tilespmem:s8+$0x0];
	v4 =	vsel vm1, $0x0, v4;
	vm1 =	veq.s32 v10, $0x0;
	s4 =	sadd.s32 $0x100, s4  }
0x25c: {  	s7 =	sadd.s32 $0x80, s7;
	v10 =	vld [tilespmem:s4+$0x0];
	v11 =	vsel vm0, $0x0, v11;
	[tilespmem:s6+$0xFFFFFFA0] =	vst v4;
	v2 =	vsel vm1, $0x0, v2;
	vm0 =	veq.s32 v6, $0x0  }
0x25d: {  	p0 =	slt.u32 s7, $0x3F80;
	v13 =	vld [tilespmem:s4+$0xFFFFFF90];
	[tilespmem:s6+$0xFFFFFF90] =	vst v11;
	v0 =	vsel vm0, $0x0, v0;
	vm0 =	veq.s32 v7, $0x0  }
0x25e: {  	s5 =	sadd.s32 $0x100, s5;
	v4 =	vld [tilespmem:s8+$0xFFFFFFA0];
	[tilespmem:s6+$0xFFFFFFB0] =	vst v2;
	v2 =	vsel vm0, $0x0, v3;
	vm0 =	veq.s32 v8, $0x0  }
0x25f: {  	v3 =	vld [tilespmem:s5+$0x0];
	[tilespmem:s6+$0xFFFFFFC0] =	vst v0;
	v0 =	vsel vm0, $0x0, v1;
	vm0 =	veq.s32 v9, $0x0  }
0x260: {  	v1 =	vld [tilespmem:s4+$0xFFFFFFA0];
	[tilespmem:s6+$0xFFFFFFD0] =	vst v2;
	v2 =	vsel vm0, $0x0, v5  }
0x261: {  	v5 =	vld [tilespmem:s8+$0xFFFFFFB0];
	v6 =	vsub.f32 v12, v10;
	[tilespmem:s6+$0xFFFFFFE0] =	vst v0  }
0x262: {  	v0 =	vld [tilespmem:s4+$0xFFFFFFB0];
	[tilespmem:s6+$0xFFFFFFF0] =	vst v2  }
0x263: {  	v7 =	vld [tilespmem:s8+$0xFFFFFFC0];
	v2 =	vmul.f32 v6, v6  }
0x264: {  	v6 =	vld [tilespmem:s4+$0xFFFFFFC0];
	vm0 =	veq.s32 v3, $0x0  }
0x265: {  	s6 =	sadd.s32 $0x100, s6;
	v1 =	vsub.f32 v4, v1;
	v3 =	vld [tilespmem:s8+$0xFFFFFFD0];
	v2 =	vsel vm0, $0x0, v2  }
0x266: {  	v8 =	vld [tilespmem:s4+$0xFFFFFFD0];
	[tilespmem:s6+$0x0] =	vst v2  }
0x267: {  	v4 =	vmul.f32 v1, v1;
	v0 =	vsub.f32 v5, v0;
	v1 =	vld [tilespmem:s8+$0xFFFFFFE0]  }
0x268: {  	v5 =	vld [tilespmem:s4+$0xFFFFFFE0]  }
0x269: {  	v2 =	vmul.f32 v0, v0;
	v0 =	vsub.f32 v7, v6;
	v7 =	vld [tilespmem:s8+$0xFFFFFFF0]  }
0x26a: {  	v9 =	vld [tilespmem:s4+$0xFFFFFFF0]  }
0x26b: {  	v11 =	vld [tilespmem:s8+$0xFFFFFF90];
	v0 =	vmul.f32 v0, v0;
	v3 =	vsub.f32 v3, v8  }
0x26c: {  	v8 =	vld [tilespmem:s5+$0xFFFFFF90]  }
0x26d: {  	v12 =	vld [tilespmem:s5+$0xFFFFFFA0];
	v3 =	vmul.f32 v3, v3;
	v1 =	vsub.f32 v1, v5  }
.Ltmp31:
0x26e: {  	v10 =	vld [tilespmem:s5+$0xFFFFFFB0];
	(pc) =	sbr.rel @p0 .LBB2_64-.Ltmp31, $4  }
0x26f: {  	v6 =	vld [tilespmem:s5+$0xFFFFFFC0];
	v1 =	vmul.f32 v1, v1;
	v5 =	vsub.f32 v7, v9  }
0x270: {  	v9 =	vsub.f32 v11, v13;
	v7 =	vld [tilespmem:s5+$0xFFFFFFD0]  }
0x271: {  	vm0 =	veq.s32 v8, $0x0;
	v8 =	vld [tilespmem:s5+$0xFFFFFFE0];
	v5 =	vmul.f32 v5, v5  }
0x272: {  	s8 =	sadd.s32 $0x100, s8;
	v11 =	vmul.f32 v9, v9;
	vm1 =	veq.s32 v12, $0x0;
	v9 =	vld [tilespmem:s5+$0xFFFFFFF0]  }
0x273: {  	v4 =	vsel vm1, $0x0, v4  }
0x274: {  	vm11 =	veq.s32 v10, $0x0;
	v59 =	vsel vm0, $0x0, v11;
	[tilespmem:s6+$0xFFFFFFA0] =	vst v4  }
0x275: {  	v2 =	vsel vm11, $0x0, v2;
	vm12 =	veq.s32 v6, $0x0;
	[tilespmem:s6+$0xFFFFFF90] =	vst v59  }
0x276: {  	v0 =	vsel vm12, $0x0, v0;
	vm13 =	veq.s32 v7, $0x0;
	[tilespmem:s6+$0xFFFFFFB0] =	vst v2  }
0x277: {  	v60 =	vsel vm13, $0x0, v3;
	vm14 =	veq.s32 v8, $0x0;
	[tilespmem:s6+$0xFFFFFFC0] =	vst v0  }
0x278: {  	v61 =	vsel vm14, $0x0, v1;
	vm15 =	veq.s32 v9, $0x0;
	[tilespmem:s6+$0xFFFFFFD0] =	vst v60  }
0x279: {  	s4 =	simm.s32 $0x18080;
	v62 =	vsel vm15, $0x0, v5;
	[tilespmem:s6+$0xFFFFFFE0] =	vst v61  }
0x27a: {  	s5 =	simm.s32 $0x10;
	s7 =	sadd.s32 $0x0, s25;
	[tilespmem:s6+$0xFFFFFFF0] =	vst v62;
	s6 =	simm.s32 $0x18180  }
.LBB2_66:
0x27b: {  	[hbm4b:s7+s1] =	stream.linear.scatter [tilespmem:s4], [sflag:$0x8], $0x80, $0x38;
	v63 =	vld [tilespmem:$0x0]  }
0x27c: {  	s7 =	smov.u32 s5;
	s4 =	smov.u32 s6;
	p0 =	sne.s32 s5, $0x7F0  }
.Ltmp32:
0x27d: {  	s5 =	sadd.s32 $0x10, s5;
	(pc) =	sbr.rel @p0 .LBB2_66-.Ltmp32, $2  }
0x27e: {  	_ =	sdelay $0x2  }
0x27f: {  	s6 =	sadd.s32 $0x100, s6;
	s7 =	sadd.s32 s7, s25  }
0x280: {  	[hbm4b:s7+s1] =	stream.linear.scatter [tilespmem:s4], [sflag:$0x8], $0x80, $0x38;
	v63 =	vld [tilespmem:$0x0]  }
0x281: {  	s4 =	simm.s32 $0x80  }
0x282: {  	s5 =	simm.s32 $0x10;
	s7 =	sadd.s32 $0x0, s29;
	s6 =	simm.s32 $0x180  }
.LBB2_68:
0x283: {  	[tilespmem:s4], [sflag:$0x2] =	stream.linear.gather [hbm4b:s7+s1], $0x80, $0x38;
	v63 =	vld [tilespmem:$0x0]  }
0x284: {  	s7 =	smov.u32 s5;
	s4 =	smov.u32 s6;
	p0 =	sne.s32 s5, $0x7F0  }
.Ltmp33:
0x285: {  	s5 =	sadd.s32 $0x10, s5;
	(pc) =	sbr.rel @p0 .LBB2_68-.Ltmp33, $2  }
0x286: {  	_ =	sdelay $0x2  }
0x287: {  	s6 =	sadd.s32 $0x100, s6;
	s7 =	sadd.s32 s7, s29  }
0x288: {  	[tilespmem:s4], [sflag:$0x2] =	stream.linear.gather [hbm4b:s7+s1], $0x80, $0x38;
	v63 =	vld [tilespmem:$0x0]  }
0x289: {  	s4 =	simm.s32 $0x8080  }
0x28a: {  	s5 =	simm.s32 $0x10;
	s7 =	sadd.s32 $0x0, s31;
	s6 =	simm.s32 $0x8180  }
.LBB2_70:
0x28b: {  	[tilespmem:s4], [sflag:$0x4] =	stream.linear.gather [hbm4b:s7+s1], $0x80, $0x38;
	v63 =	vld [tilespmem:$0x0]  }
0x28c: {  	s7 =	smov.u32 s5;
	s4 =	smov.u32 s6;
	p0 =	sne.s32 s5, $0x7F0  }
.Ltmp34:
0x28d: {  	s5 =	sadd.s32 $0x10, s5;
	(pc) =	sbr.rel @p0 .LBB2_70-.Ltmp34, $2  }
0x28e: {  	_ =	sdelay $0x2  }
0x28f: {  	s6 =	sadd.s32 $0x100, s6;
	s7 =	sadd.s32 s7, s31  }
0x290: {  	[tilespmem:s4], [sflag:$0x4] =	stream.linear.gather [hbm4b:s7+s1], $0x80, $0x38;
	v63 =	vld [tilespmem:$0x0]  }
0x291: {  	s4 =	simm.s32 $0x10080  }
0x292: {  	s5 =	simm.s32 $0x10;
	s7 =	sadd.s32 $0x0, s0;
	s6 =	simm.s32 $0x10180  }
.LBB2_72:
0x293: {  	[tilespmem:s4], [sflag:$0x6] =	stream.linear.gather [hbm4b:s7+s1], $0x80, $0x38;
	v63 =	vld [tilespmem:$0x0]  }
0x294: {  	s7 =	smov.u32 s5;
	s4 =	smov.u32 s6;
	p0 =	sne.s32 s5, $0x7F0  }
.Ltmp35:
0x295: {  	s5 =	sadd.s32 $0x10, s5;
	(pc) =	sbr.rel @p0 .LBB2_72-.Ltmp35, $2  }
0x296: {  	_ =	sdelay $0x2  }
0x297: {  	s6 =	sadd.s32 $0x100, s6;
	s7 =	sadd.s32 s7, s0  }
0x298: {  	[tilespmem:s4], [sflag:$0x6] =	stream.linear.gather [hbm4b:s7+s1], $0x80, $0x38;
	v63 =	vld [tilespmem:$0x0]  }
0x299: {  	s7 =	simm.s32 $0x1  }
0x29a: {  	_ =	swait.ge [sflag:s7], $0x4000  }
0x29b: {  	[sflag:s7] =	ssyncset.done $0x0  }
0x29c: {  	s8 =	simm.s32 $0x3;
	[sflag:s7] =	ssyncadd.s32 $0xFFFFC000  }
0x29d: {  	_ =	swait.ge [sflag:s8], $0x4000  }
0x29e: {  	[sflag:s8] =	ssyncset.done $0x0  }
0x29f: {  	s9 =	simm.s32 $0x5;
	[sflag:s8] =	ssyncadd.s32 $0xFFFFC000  }
0x2a0: {  	_ =	swait.ge [sflag:s9], $0x4000  }
0x2a1: {  	[sflag:s9] =	ssyncset.done $0x0  }
0x2a2: {  	s10 =	simm.s32 $0x7;
	[sflag:s9] =	ssyncadd.s32 $0xFFFFC000  }
0x2a3: {  	_ =	swait.ge [sflag:s10], $0x4000  }
0x2a4: {  	[sflag:s10] =	ssyncset.done $0x0  }
0x2a5: {  	s6 =	simm.s32 $0x40;
	[sflag:s10] =	ssyncadd.s32 $0xFFFFC000  }
0x2a6: {  	s4 =	simm.s32 $0x8040;
	v0 =	vld [tilespmem:s6+$0x30]  }
0x2a7: {  	v1 =	vld [tilespmem:s4+$0x30]  }
0x2a8: {  	v3 =	vld [tilespmem:s4+$0xFFFFFFC0]  }
0x2a9: {  	s5 =	simm.s32 $0x10040;
	v2 =	vld [tilespmem:s6+$0xFFFFFFD0]  }
0x2aa: {  	v4 =	vld [tilespmem:s5+$0x30]  }
0x2ab: {  	v5 =	vld [tilespmem:s4+$0xFFFFFFD0]  }
0x2ac: {  	v6 =	vld [tilespmem:s6+$0xFFFFFFE0]  }
0x2ad: {  	v7 =	vld [tilespmem:s4+$0xFFFFFFE0]  }
0x2ae: {  	v8 =	vld [tilespmem:s6+$0xFFFFFFF0]  }
0x2af: {  	v9 =	vld [tilespmem:s4+$0xFFFFFFF0]  }
0x2b0: {  	v10 =	vld [tilespmem:s6+$0x0]  }
0x2b1: {  	v11 =	vld [tilespmem:s4+$0x0]  }
0x2b2: {  	v12 =	vld [tilespmem:s6+$0x10]  }
0x2b3: {  	v13 =	vld [tilespmem:s4+$0x10]  }
0x2b4: {  	v14 =	vld [tilespmem:s6+$0x20]  }
0x2b5: {  	v15 =	vld [tilespmem:s4+$0x20]  }
0x2b6: {  	v0 =	vsub.f32 v0, v1;
	v1 =	vld [tilespmem:s6+$0xFFFFFFC0]  }
0x2b7: {  	v2 =	vsub.f32 v2, v5;
	v5 =	vld [tilespmem:s5+$0xFFFFFFC0]  }
0x2b8: {  	v7 =	vsub.f32 v6, v7;
	v8 =	vsub.f32 v8, v9;
	v9 =	vld [tilespmem:s5+$0xFFFFFFD0];
	vm0 =	veq.s32 v4, $0x0  }
0x2b9: {  	v11 =	vsub.f32 v10, v11;
	v12 =	vsub.f32 v12, v13;
	v10 =	vld [tilespmem:s5+$0xFFFFFFE0];
	v0 =	vmul.f32 v0, v0  }
0x2ba: {  	v14 =	vsub.f32 v14, v15;
	v6 =	vld [tilespmem:s5+$0xFFFFFFF0];
	v4 =	vmul.f32 v2, v2;
	v2 =	vmul.f32 v7, v7  }
0x2bb: {  	v7 =	vld [tilespmem:s5+$0x0];
	v61 =	vsel vm0, $0x0, v0;
	v0 =	vmul.f32 v8, v8;
	v62 =	vsub.f32 v1, v3  }
0x2bc: {  	s6 =	simm.s32 $0x18040;
	v8 =	vld [tilespmem:s5+$0x10];
	v3 =	vmul.f32 v11, v11;
	v1 =	vmul.f32 v12, v12;
	vm0 =	veq.s32 v5, $0x0  }
0x2bd: {  	s7 =	simm.s32 $0x0;
	s8 =	simm.s32 $0x140;
	[tilespmem:s6+$0x30] =	vst v61;
	v5 =	vmul.f32 v14, v14;
	vm1 =	veq.s32 v9, $0x0;
	v9 =	vld [tilespmem:s5+$0x20];
	v11 =	vmul.f32 v62, v62  }
.LBB2_74:
0x2be: {  	v12 =	vld [tilespmem:s8+$0x30];
	v4 =	vsel vm1, $0x0, v4;
	vm1 =	veq.s32 v10, $0x0;
	s4 =	sadd.s32 $0x100, s4  }
0x2bf: {  	s7 =	sadd.s32 $0x80, s7;
	v10 =	vld [tilespmem:s4+$0x30];
	v11 =	vsel vm0, $0x0, v11;
	[tilespmem:s6+$0xFFFFFFD0] =	vst v4;
	v2 =	vsel vm1, $0x0, v2;
	vm0 =	veq.s32 v6, $0x0  }
0x2c0: {  	p0 =	slt.u32 s7, $0x3F80;
	v13 =	vld [tilespmem:s4+$0xFFFFFFC0];
	[tilespmem:s6+$0xFFFFFFC0] =	vst v11;
	v0 =	vsel vm0, $0x0, v0;
	vm0 =	veq.s32 v7, $0x0  }
0x2c1: {  	s5 =	sadd.s32 $0x100, s5;
	v4 =	vld [tilespmem:s8+$0xFFFFFFD0];
	[tilespmem:s6+$0xFFFFFFE0] =	vst v2;
	v2 =	vsel vm0, $0x0, v3;
	vm0 =	veq.s32 v8, $0x0  }
0x2c2: {  	v3 =	vld [tilespmem:s5+$0x30];
	[tilespmem:s6+$0xFFFFFFF0] =	vst v0;
	v0 =	vsel vm0, $0x0, v1;
	vm0 =	veq.s32 v9, $0x0  }
0x2c3: {  	v1 =	vld [tilespmem:s4+$0xFFFFFFD0];
	[tilespmem:s6+$0x0] =	vst v2;
	v2 =	vsel vm0, $0x0, v5  }
0x2c4: {  	v5 =	vld [tilespmem:s8+$0xFFFFFFE0];
	v6 =	vsub.f32 v12, v10;
	[tilespmem:s6+$0x10] =	vst v0  }
0x2c5: {  	v0 =	vld [tilespmem:s4+$0xFFFFFFE0];
	[tilespmem:s6+$0x20] =	vst v2  }
0x2c6: {  	v7 =	vld [tilespmem:s8+$0xFFFFFFF0];
	v2 =	vmul.f32 v6, v6  }
0x2c7: {  	v6 =	vld [tilespmem:s4+$0xFFFFFFF0];
	vm0 =	veq.s32 v3, $0x0  }
0x2c8: {  	s6 =	sadd.s32 $0x100, s6;
	v1 =	vsub.f32 v4, v1;
	v3 =	vld [tilespmem:s8+$0x0];
	v2 =	vsel vm0, $0x0, v2  }
0x2c9: {  	v8 =	vld [tilespmem:s4+$0x0];
	[tilespmem:s6+$0x30] =	vst v2  }
0x2ca: {  	v4 =	vmul.f32 v1, v1;
	v0 =	vsub.f32 v5, v0;
	v1 =	vld [tilespmem:s8+$0x10]  }
0x2cb: {  	v5 =	vld [tilespmem:s4+$0x10]  }
0x2cc: {  	v2 =	vmul.f32 v0, v0;
	v0 =	vsub.f32 v7, v6;
	v7 =	vld [tilespmem:s8+$0x20]  }
0x2cd: {  	v9 =	vld [tilespmem:s4+$0x20]  }
0x2ce: {  	v11 =	vld [tilespmem:s8+$0xFFFFFFC0];
	v0 =	vmul.f32 v0, v0;
	v3 =	vsub.f32 v3, v8  }
0x2cf: {  	v8 =	vld [tilespmem:s5+$0xFFFFFFC0]  }
0x2d0: {  	v12 =	vld [tilespmem:s5+$0xFFFFFFD0];
	v3 =	vmul.f32 v3, v3;
	v1 =	vsub.f32 v1, v5  }
.Ltmp36:
0x2d1: {  	v10 =	vld [tilespmem:s5+$0xFFFFFFE0];
	(pc) =	sbr.rel @p0 .LBB2_74-.Ltmp36, $4  }
0x2d2: {  	v6 =	vld [tilespmem:s5+$0xFFFFFFF0];
	v1 =	vmul.f32 v1, v1;
	v5 =	vsub.f32 v7, v9  }
0x2d3: {  	v9 =	vsub.f32 v11, v13;
	v7 =	vld [tilespmem:s5+$0x0]  }
0x2d4: {  	vm0 =	veq.s32 v8, $0x0;
	v8 =	vld [tilespmem:s5+$0x10];
	v5 =	vmul.f32 v5, v5  }
0x2d5: {  	s8 =	sadd.s32 $0x100, s8;
	v11 =	vmul.f32 v9, v9;
	vm1 =	veq.s32 v12, $0x0;
	v9 =	vld [tilespmem:s5+$0x20]  }
0x2d6: {  	v4 =	vsel vm1, $0x0, v4  }
0x2d7: {  	vm11 =	veq.s32 v10, $0x0;
	v59 =	vsel vm0, $0x0, v11;
	[tilespmem:s6+$0xFFFFFFD0] =	vst v4  }
0x2d8: {  	v2 =	vsel vm11, $0x0, v2;
	vm12 =	veq.s32 v6, $0x0;
	[tilespmem:s6+$0xFFFFFFC0] =	vst v59  }
0x2d9: {  	v0 =	vsel vm12, $0x0, v0;
	vm13 =	veq.s32 v7, $0x0;
	[tilespmem:s6+$0xFFFFFFE0] =	vst v2  }
0x2da: {  	v60 =	vsel vm13, $0x0, v3;
	vm14 =	veq.s32 v8, $0x0;
	[tilespmem:s6+$0xFFFFFFF0] =	vst v0  }
0x2db: {  	v61 =	vsel vm14, $0x0, v1;
	vm15 =	veq.s32 v9, $0x0;
	[tilespmem:s6+$0x0] =	vst v60  }
0x2dc: {  	s4 =	simm.s32 $0x18000;
	v62 =	vsel vm15, $0x0, v5;
	[tilespmem:s6+$0x10] =	vst v61  }
0x2dd: {  	s5 =	simm.s32 $0x10;
	s7 =	sadd.s32 $0x0, s2;
	[tilespmem:s6+$0x20] =	vst v62;
	s6 =	simm.s32 $0x18100  }
.LBB2_76:
0x2de: {  	[hbm4b:s7+s1] =	stream.linear.scatter [tilespmem:s4], [sflag:$0x7], $0x80, $0x38;
	v63 =	vld [tilespmem:$0x0]  }
0x2df: {  	s7 =	smov.u32 s5;
	s4 =	smov.u32 s6;
	p0 =	sne.s32 s5, $0x7F0  }
.Ltmp37:
0x2e0: {  	s5 =	sadd.s32 $0x10, s5;
	(pc) =	sbr.rel @p0 .LBB2_76-.Ltmp37, $2  }
0x2e1: {  	_ =	sdelay $0x2  }
0x2e2: {  	s6 =	sadd.s32 $0x100, s6;
	s7 =	sadd.s32 s7, s2  }
0x2e3: {  	[hbm4b:s7+s1] =	stream.linear.scatter [tilespmem:s4], [sflag:$0x7], $0x80, $0x38;
	v63 =	vld [tilespmem:$0x0]  }
0x2e4: {  	s7 =	simm.s32 $0x2  }
0x2e5: {  	_ =	swait.ge [sflag:s7], $0x4000  }
0x2e6: {  	[sflag:s7] =	ssyncset.done $0x0  }
0x2e7: {  	s8 =	simm.s32 $0x4;
	[sflag:s7] =	ssyncadd.s32 $0xFFFFC000  }
0x2e8: {  	_ =	swait.ge [sflag:s8], $0x4000  }
0x2e9: {  	[sflag:s8] =	ssyncset.done $0x0  }
0x2ea: {  	s9 =	simm.s32 $0x6;
	[sflag:s8] =	ssyncadd.s32 $0xFFFFC000  }
0x2eb: {  	_ =	swait.ge [sflag:s9], $0x4000  }
0x2ec: {  	[sflag:s9] =	ssyncset.done $0x0  }
0x2ed: {  	s10 =	simm.s32 $0x8;
	[sflag:s9] =	ssyncadd.s32 $0xFFFFC000  }
0x2ee: {  	_ =	swait.ge [sflag:s10], $0x4000  }
0x2ef: {  	[sflag:s10] =	ssyncset.done $0x0  }
0x2f0: {  	s6 =	simm.s32 $0xF0;
	[sflag:s10] =	ssyncadd.s32 $0xFFFFC000  }
0x2f1: {  	s4 =	simm.s32 $0x80F0;
	v0 =	vld [tilespmem:s6+$0x0]  }
0x2f2: {  	v1 =	vld [tilespmem:s4+$0x0]  }
0x2f3: {  	v3 =	vld [tilespmem:s4+$0xFFFFFF90]  }
0x2f4: {  	s5 =	simm.s32 $0x100F0;
	v2 =	vld [tilespmem:s6+$0xFFFFFFA0]  }
0x2f5: {  	v4 =	vld [tilespmem:s5+$0x0]  }
0x2f6: {  	v5 =	vld [tilespmem:s4+$0xFFFFFFA0]  }
0x2f7: {  	v6 =	vld [tilespmem:s6+$0xFFFFFFB0]  }
0x2f8: {  	v7 =	vld [tilespmem:s4+$0xFFFFFFB0]  }
0x2f9: {  	v8 =	vld [tilespmem:s6+$0xFFFFFFC0]  }
0x2fa: {  	v9 =	vld [tilespmem:s4+$0xFFFFFFC0]  }
0x2fb: {  	v10 =	vld [tilespmem:s6+$0xFFFFFFD0]  }
0x2fc: {  	v11 =	vld [tilespmem:s4+$0xFFFFFFD0]  }
0x2fd: {  	v12 =	vld [tilespmem:s6+$0xFFFFFFE0]  }
0x2fe: {  	v13 =	vld [tilespmem:s4+$0xFFFFFFE0]  }
0x2ff: {  	v14 =	vld [tilespmem:s6+$0xFFFFFFF0]  }
0x300: {  	v15 =	vld [tilespmem:s4+$0xFFFFFFF0]  }
0x301: {  	v0 =	vsub.f32 v0, v1;
	v1 =	vld [tilespmem:s6+$0xFFFFFF90]  }
0x302: {  	v2 =	vsub.f32 v2, v5;
	v5 =	vld [tilespmem:s5+$0xFFFFFF90]  }
0x303: {  	v7 =	vsub.f32 v6, v7;
	v8 =	vsub.f32 v8, v9;
	v9 =	vld [tilespmem:s5+$0xFFFFFFA0];
	vm0 =	veq.s32 v4, $0x0  }
0x304: {  	v11 =	vsub.f32 v10, v11;
	v12 =	vsub.f32 v12, v13;
	v10 =	vld [tilespmem:s5+$0xFFFFFFB0];
	v0 =	vmul.f32 v0, v0  }
0x305: {  	v14 =	vsub.f32 v14, v15;
	v6 =	vld [tilespmem:s5+$0xFFFFFFC0];
	v4 =	vmul.f32 v2, v2;
	v2 =	vmul.f32 v7, v7  }
0x306: {  	v7 =	vld [tilespmem:s5+$0xFFFFFFD0];
	v61 =	vsel vm0, $0x0, v0;
	v0 =	vmul.f32 v8, v8;
	v62 =	vsub.f32 v1, v3  }
0x307: {  	s6 =	simm.s32 $0x180F0;
	v8 =	vld [tilespmem:s5+$0xFFFFFFE0];
	v3 =	vmul.f32 v11, v11;
	v1 =	vmul.f32 v12, v12;
	vm0 =	veq.s32 v5, $0x0  }
0x308: {  	s7 =	simm.s32 $0x0;
	s8 =	simm.s32 $0x1F0;
	[tilespmem:s6+$0x0] =	vst v61;
	v5 =	vmul.f32 v14, v14;
	vm1 =	veq.s32 v9, $0x0;
	v9 =	vld [tilespmem:s5+$0xFFFFFFF0];
	v11 =	vmul.f32 v62, v62  }
.LBB2_78:
0x309: {  	v12 =	vld [tilespmem:s8+$0x0];
	v4 =	vsel vm1, $0x0, v4;
	vm1 =	veq.s32 v10, $0x0;
	s4 =	sadd.s32 $0x100, s4  }
0x30a: {  	s7 =	sadd.s32 $0x80, s7;
	v10 =	vld [tilespmem:s4+$0x0];
	v11 =	vsel vm0, $0x0, v11;
	[tilespmem:s6+$0xFFFFFFA0] =	vst v4;
	v2 =	vsel vm1, $0x0, v2;
	vm0 =	veq.s32 v6, $0x0  }
0x30b: {  	p0 =	slt.u32 s7, $0x3F80;
	v13 =	vld [tilespmem:s4+$0xFFFFFF90];
	[tilespmem:s6+$0xFFFFFF90] =	vst v11;
	v0 =	vsel vm0, $0x0, v0;
	vm0 =	veq.s32 v7, $0x0  }
0x30c: {  	s5 =	sadd.s32 $0x100, s5;
	v4 =	vld [tilespmem:s8+$0xFFFFFFA0];
	[tilespmem:s6+$0xFFFFFFB0] =	vst v2;
	v2 =	vsel vm0, $0x0, v3;
	vm0 =	veq.s32 v8, $0x0  }
0x30d: {  	v3 =	vld [tilespmem:s5+$0x0];
	[tilespmem:s6+$0xFFFFFFC0] =	vst v0;
	v0 =	vsel vm0, $0x0, v1;
	vm0 =	veq.s32 v9, $0x0  }
0x30e: {  	v1 =	vld [tilespmem:s4+$0xFFFFFFA0];
	[tilespmem:s6+$0xFFFFFFD0] =	vst v2;
	v2 =	vsel vm0, $0x0, v5  }
0x30f: {  	v5 =	vld [tilespmem:s8+$0xFFFFFFB0];
	v6 =	vsub.f32 v12, v10;
	[tilespmem:s6+$0xFFFFFFE0] =	vst v0  }
0x310: {  	v0 =	vld [tilespmem:s4+$0xFFFFFFB0];
	[tilespmem:s6+$0xFFFFFFF0] =	vst v2  }
0x311: {  	v7 =	vld [tilespmem:s8+$0xFFFFFFC0];
	v2 =	vmul.f32 v6, v6  }
0x312: {  	v6 =	vld [tilespmem:s4+$0xFFFFFFC0];
	vm0 =	veq.s32 v3, $0x0  }
0x313: {  	s6 =	sadd.s32 $0x100, s6;
	v1 =	vsub.f32 v4, v1;
	v3 =	vld [tilespmem:s8+$0xFFFFFFD0];
	v2 =	vsel vm0, $0x0, v2  }
0x314: {  	v8 =	vld [tilespmem:s4+$0xFFFFFFD0];
	[tilespmem:s6+$0x0] =	vst v2  }
0x315: {  	v4 =	vmul.f32 v1, v1;
	v0 =	vsub.f32 v5, v0;
	v1 =	vld [tilespmem:s8+$0xFFFFFFE0]  }
0x316: {  	v5 =	vld [tilespmem:s4+$0xFFFFFFE0]  }
0x317: {  	v2 =	vmul.f32 v0, v0;
	v0 =	vsub.f32 v7, v6;
	v7 =	vld [tilespmem:s8+$0xFFFFFFF0]  }
0x318: {  	v9 =	vld [tilespmem:s4+$0xFFFFFFF0]  }
0x319: {  	v11 =	vld [tilespmem:s8+$0xFFFFFF90];
	v0 =	vmul.f32 v0, v0;
	v3 =	vsub.f32 v3, v8  }
0x31a: {  	v8 =	vld [tilespmem:s5+$0xFFFFFF90]  }
0x31b: {  	v12 =	vld [tilespmem:s5+$0xFFFFFFA0];
	v3 =	vmul.f32 v3, v3;
	v1 =	vsub.f32 v1, v5  }
.Ltmp38:
0x31c: {  	v10 =	vld [tilespmem:s5+$0xFFFFFFB0];
	(pc) =	sbr.rel @p0 .LBB2_78-.Ltmp38, $4  }
0x31d: {  	v6 =	vld [tilespmem:s5+$0xFFFFFFC0];
	v1 =	vmul.f32 v1, v1;
	v5 =	vsub.f32 v7, v9  }
0x31e: {  	v9 =	vsub.f32 v11, v13;
	v7 =	vld [tilespmem:s5+$0xFFFFFFD0]  }
0x31f: {  	vm0 =	veq.s32 v8, $0x0;
	v8 =	vld [tilespmem:s5+$0xFFFFFFE0];
	v5 =	vmul.f32 v5, v5  }
0x320: {  	s8 =	sadd.s32 $0x100, s8;
	v11 =	vmul.f32 v9, v9;
	vm1 =	veq.s32 v12, $0x0;
	v9 =	vld [tilespmem:s5+$0xFFFFFFF0]  }
0x321: {  	v4 =	vsel vm1, $0x0, v4  }
0x322: {  	vm11 =	veq.s32 v10, $0x0;
	v59 =	vsel vm0, $0x0, v11;
	[tilespmem:s6+$0xFFFFFFA0] =	vst v4  }
0x323: {  	v2 =	vsel vm11, $0x0, v2;
	vm12 =	veq.s32 v6, $0x0;
	[tilespmem:s6+$0xFFFFFF90] =	vst v59  }
0x324: {  	v0 =	vsel vm12, $0x0, v0;
	vm13 =	veq.s32 v7, $0x0;
	[tilespmem:s6+$0xFFFFFFB0] =	vst v2  }
0x325: {  	v60 =	vsel vm13, $0x0, v3;
	vm14 =	veq.s32 v8, $0x0;
	[tilespmem:s6+$0xFFFFFFC0] =	vst v0  }
0x326: {  	v61 =	vsel vm14, $0x0, v1;
	vm15 =	veq.s32 v9, $0x0;
	[tilespmem:s6+$0xFFFFFFD0] =	vst v60  }
0x327: {  	s4 =	simm.s32 $0x18080;
	v62 =	vsel vm15, $0x0, v5;
	[tilespmem:s6+$0xFFFFFFE0] =	vst v61  }
0x328: {  	s5 =	simm.s32 $0x10;
	s7 =	sadd.s32 $0x0, s3;
	[tilespmem:s6+$0xFFFFFFF0] =	vst v62;
	s6 =	simm.s32 $0x18180  }
.LBB2_80:
0x329: {  	[hbm4b:s7+s1] =	stream.linear.scatter [tilespmem:s4], [sflag:$0x8], $0x80, $0x38;
	v63 =	vld [tilespmem:$0x0]  }
0x32a: {  	s7 =	smov.u32 s5;
	s4 =	smov.u32 s6;
	p0 =	sne.s32 s5, $0x7F0  }
.Ltmp39:
0x32b: {  	s5 =	sadd.s32 $0x10, s5;
	(pc) =	sbr.rel @p0 .LBB2_80-.Ltmp39, $2  }
0x32c: {  	_ =	sdelay $0x2  }
0x32d: {  	s6 =	sadd.s32 $0x100, s6;
	s7 =	sadd.s32 s7, s3  }
0x32e: {  	[hbm4b:s7+s1] =	stream.linear.scatter [tilespmem:s4], [sflag:$0x8], $0x80, $0x38;
	v63 =	vld [tilespmem:$0x0]  }
0x32f: {  	s9 =	simm.s32 $0x7  }
0x330: {  	_ =	swait.ge [sflag:s9], $0x4000  }
0x331: {  	[sflag:s9] =	ssyncset.done $0x0  }
0x332: {  	s5 =	simm.s32 $0x8;
	[sflag:s9] =	ssyncadd.s32 $0xFFFFC000  }
0x333: {  	_ =	swait.ge [sflag:s5], $0x4000  }
0x334: {  	s6 =	rddreg [dreg:$0xf]  }
0x335: {  	s10 =	rddreg [dreg:$0xe];
	s6 =	sadd.s32 $0x1, s6  }
0x336: {  	p0 =	sne.s32 s6, s10  }
.Ltmp40:
0x337: {  	_ = 	snop;
	(pc) =	sbr.rel @p0 .LBB2_1-.Ltmp40, $3  }
0x338: {  	_ =	sdelay $0x1  }
0x339: {  	[sflag:s5] =	ssyncset.done $0x0  }
0x33a: {  	s8 =	rddreg [dreg:$0x5];
	[sflag:s5] =	ssyncadd.s32 $0xFFFFC000  }
0x33b: {  	_ =	sfence.sel $0x180000  }
0x33c: {  	[bflag:$0x0] =	sbarrier.arrive $0xFFFF  }
0x33d: {  	_ =	strace $0x90000047  }
0x33e: {  	s0 =	stileid.u32;
	[bflag:$0x2] =	sbarrier.arrive $0xFFFF  }
0x33f: {  	p0 =	sne.s32 s0, $0x0;
	s0 =	rddreg [dreg:$0x4]  }
0x340: {  	s0 =	sadd.s32 @!p0 $0x100000, s0  }
0x341: {  	[sflag:s0] =	ssyncadd.tile.s32 @!p0 $0x1;
	_ =	shalt  }
.Lfunc_end2:
_tile_overlayer_lowered:
.L_overlay_start_2:
0x342: {  	(tag) =	ssettag $0x2  }
0x343: {  	s0 =	rddreg [dreg:$0x0];
	s2 =	stileid.u32  }
0x344: {  	s1 =	rddreg [dreg:$0x1];
	p0 =	sne.s32 s2, $0x0  }
0x345: {  	s3 =	rddreg [dreg:$0x2];
	[bflag:$0x3] =	sbarrier.arrive $0xFFFF;
	s2 =	simm.s32 @!p0 $0x1C09  }
0x346: {  	[timem:s3], [sflag:s2] =	dma.local @!p0 [hbm:s0], s1  }
0x347: {  	s0 =	simm.s32 @!p0 $0x9  }
0x348: {  	_ =	swait.ge @!p0 [sflag:s0], s1  }
0x349: {  	s1 =	ssub.s32 @!p0 $0x0, s1;
	[sflag:s0] =	ssyncset.done @!p0 $0x0  }
0x34a: {  	[sflag:s0] =	ssyncadd.s32 @!p0 s1  }
0x34b: {  	[bflag:$0x3] =	sbarrier.arrive $0xFFFF  }
0x34c: {  	_ =	shalt  }

</sc_bundles>
